<compile_context>
chip_gen: v7x
topology: tpu7x:2x2x1
jax: 0.10.2.dev20260603
libtpu: 0.0.44.dev20260713+nightly
codegen_flags: <defaults>
</compile_context>

<pallas_src>
import jax
import jax.numpy as jnp
from jax import lax
from jax.experimental import pallas as pl
from jax.experimental.pallas import tpu as pltpu
from jax.experimental.pallas import tpu_sc as plsc

N = 10000
NP = 10240
E = 320000
D = 128
DE = 16

NC = 2
NS = 16
NW = NC * NS
EPW = E // NW
CH = 80
NGRP = 5
GRP = 25
RPT = NP // NS

_mesh = plsc.VectorSubcoreMesh(core_axis_name="c", subcore_axis_name="s")
_sc_params = pltpu.CompilerParams(use_tc_tiling_on_sc=False)
_sc_params_nl = pltpu.CompilerParams(use_tc_tiling_on_sc=False, needs_layout_passes=False)


def _sc_spmm_body(h_hbm, src_hbm, dst_hbm, z128_hbm,
                  outS,
                  idx_s, idx_d, rows, accS, semg, sems):
    cid = lax.axis_index("c")
    sid = lax.axis_index("s")
    wid = sid * NC + cid
    r0 = sid * RPT
    pltpu.sync_copy(z128_hbm, rows.at[0])

    def zinit(k, carry):
        pltpu.sync_copy(rows.at[0], accS.at[pl.ds(r0 + k * CH, CH)])
        return carry

    lax.fori_loop(0, RPT // CH, zinit, 0)
    plsc.subcore_barrier()

    def group(g, carry):
        pltpu.async_copy(src_hbm.at[wid, g], idx_s, semg.at[0])
        pltpu.async_copy(dst_hbm.at[wid, g], idx_d, semg.at[1])
        pltpu.make_async_copy(src_hbm.at[wid, g], idx_s, semg.at[0]).wait()
        pltpu.make_async_copy(dst_hbm.at[wid, g], idx_d, semg.at[1]).wait()
        pltpu.async_copy(h_hbm.at[idx_s.at[0]], rows.at[0], semg.at[0])
        pltpu.async_copy(h_hbm.at[idx_s.at[1]], rows.at[1], semg.at[1])

        def chunk(j, c2):
            b = lax.rem(j, 2)
            pltpu.make_async_copy(h_hbm.at[idx_s.at[j]], rows.at[b], semg.at[b]).wait()
            pltpu.async_copy(rows.at[b], accS.at[idx_d.at[j]], sems.at[b], add=True)

            @pl.when(j + 2 < GRP)
            def _():
                pltpu.make_async_copy(rows.at[b], accS.at[idx_d.at[j]], sems.at[b]).wait()
                pltpu.async_copy(h_hbm.at[idx_s.at[j + 2]], rows.at[b], semg.at[b])

            return c2

        lax.fori_loop(0, GRP, chunk, carry)
        pltpu.make_async_copy(rows.at[0], accS.at[idx_d.at[0]], sems.at[0]).wait()
        pltpu.make_async_copy(rows.at[1], accS.at[idx_d.at[1]], sems.at[1]).wait()
        return carry

    lax.fori_loop(0, NGRP, group, 0)
    plsc.subcore_barrier()
    pltpu.sync_copy(accS.at[pl.ds(r0, RPT)], outS.at[cid, pl.ds(r0, RPT)])


_sc_spmm = pl.kernel(
    _sc_spmm_body,
    out_type=jax.ShapeDtypeStruct((NC, NP, D), jnp.float32),
    mesh=_mesh,
    compiler_params=_sc_params,
    scratch_types=[
        pltpu.VMEM((GRP, CH), jnp.int32),
        pltpu.VMEM((GRP, CH), jnp.int32),
        pltpu.VMEM((2, CH, D), jnp.float32),
        pltpu.VMEM_SHARED((NP, D), jnp.float32),
        pltpu.SemaphoreType.DMA((2,)),
        pltpu.SemaphoreType.DMA((2,)),
    ],
)


CHE = 125
GRP2 = 16
NGRP2 = 5


def _sc_edgestat_body(dst_hbm, ef_hbm, z16_hbm, ones_hbm,
                      outE, outD,
                      idx_d, efg, onesv, accE, accD, semE, semD):
    cid = lax.axis_index("c")
    sid = lax.axis_index("s")
    wid = sid * NC + cid
    r0 = sid * RPT
    pltpu.sync_copy(z16_hbm.at[pl.ds(r0, RPT)], accE.at[pl.ds(r0, RPT)])
    pltpu.sync_copy(z16_hbm.at[pl.ds(r0, RPT)], accD.at[pl.ds(r0, RPT)])
    pltpu.sync_copy(ones_hbm, onesv)
    plsc.subcore_barrier()

    def group(g, carry):
        pltpu.async_copy(dst_hbm.at[wid, g], idx_d, semE)
        pltpu.async_copy(ef_hbm.at[wid, g], efg, semD)
        pltpu.make_async_copy(dst_hbm.at[wid, g], idx_d, semE).wait()
        pltpu.make_async_copy(ef_hbm.at[wid, g], efg, semD).wait()

        def chunk(j, c2):
            pltpu.async_copy(efg.at[j], accE.at[idx_d.at[j]], semE, add=True)
            pltpu.async_copy(onesv, accD.at[idx_d.at[j]], semD, add=True)
            return c2

        lax.fori_loop(0, GRP2, chunk, carry)

        def drain(j, c2):
            pltpu.make_async_copy(efg.at[0], accE.at[idx_d.at[0]], semE).wait()
            pltpu.make_async_copy(onesv, accD.at[idx_d.at[0]], semD).wait()
            return c2

        lax.fori_loop(0, GRP2, drain, carry)
        return carry

    lax.fori_loop(0, NGRP2, group, 0)
    plsc.subcore_barrier()
    pltpu.sync_copy(accE.at[pl.ds(r0, RPT)], outE.at[cid, pl.ds(r0, RPT)])
    pltpu.sync_copy(accD.at[pl.ds(r0, RPT)], outD.at[cid, pl.ds(r0, RPT)])


_sc_edgestat = pl.kernel(
    _sc_edgestat_body,
    out_type=[
        jax.ShapeDtypeStruct((NC, NP, DE), jnp.float32),
        jax.ShapeDtypeStruct((NC, NP, DE), jnp.float32),
    ],
    mesh=_mesh,
    compiler_params=_sc_params,
    scratch_types=[
        pltpu.VMEM((GRP2, CHE), jnp.int32),
        pltpu.VMEM((GRP2, CHE, DE), jnp.float32),
        pltpu.VMEM((CHE, DE), jnp.float32),
        pltpu.VMEM_SHARED((NP, DE), jnp.float32),
        pltpu.VMEM_SHARED((NP, DE), jnp.float32),
        pltpu.SemaphoreType.DMA,
        pltpu.SemaphoreType.DMA,
    ],
)


def _sc_edge_body(s_hbm, src_hbm, dst_hbm,
                  out0_hbm, out1_hbm,
                  sv_v, dv_v, s_v, o0, o1, sem3):
    cid = lax.axis_index("c")
    sid = lax.axis_index("s")
    wid = sid * NC + cid
    e0 = wid * EPW
    pltpu.async_copy(s_hbm, s_v, sem3.at[0])
    pltpu.async_copy(src_hbm.at[pl.ds(e0, EPW)], sv_v, sem3.at[1])
    pltpu.async_copy(dst_hbm.at[pl.ds(e0, EPW)], dv_v, sem3.at[2])
    pltpu.make_async_copy(s_hbm, s_v, sem3.at[0]).wait()
    pltpu.make_async_copy(src_hbm.at[pl.ds(e0, EPW)], sv_v, sem3.at[1]).wait()
    pltpu.make_async_copy(dst_hbm.at[pl.ds(e0, EPW)], dv_v, sem3.at[2]).wait()

    def it(i, carry):
        sl = pl.ds(i * 16, 16)
        s4 = sv_v[sl] * 4
        d4 = dv_v[sl] * 4
        o0[sl] = plsc.load_gather(s_v, [s4]) + plsc.load_gather(s_v, [d4 + 2])
        o1[sl] = plsc.load_gather(s_v, [s4 + 1]) + plsc.load_gather(s_v, [d4 + 3])
        return carry

    lax.fori_loop(0, EPW // 16, it, 0)
    pltpu.sync_copy(o0, out0_hbm.at[pl.ds(e0, EPW)])
    pltpu.sync_copy(o1, out1_hbm.at[pl.ds(e0, EPW)])


_sc_edge = pl.kernel(
    _sc_edge_body,
    out_type=[
        jax.ShapeDtypeStruct((E,), jnp.float32),
        jax.ShapeDtypeStruct((E,), jnp.float32),
    ],
    mesh=_mesh,
    compiler_params=_sc_params_nl,
    scratch_types=[
        pltpu.VMEM((EPW,), jnp.int32),
        pltpu.VMEM((EPW,), jnp.int32),
        pltpu.VMEM((N * 4,), jnp.float32),
        pltpu.VMEM((EPW,), jnp.float32),
        pltpu.VMEM((EPW,), jnp.float32),
        pltpu.SemaphoreType.DMA((3,)),
    ],
)


BT = 2000
GRID = N // BT


def _tc_layer1_body(S2, h, E2, D2, Wm, bm, Wa, ba, out):
    Sv = S2[0] + S2[1]
    Ea = E2[0] + E2[1]
    deg = D2[0][:, 0:1] + D2[1][:, 0:1]
    hn = jnp.dot(Sv, Wm[0:D], preferred_element_type=jnp.float32)
    hn += jnp.dot(Ea, Wm[D:D + DE], preferred_element_type=jnp.float32)
    hn += deg * bm[...]
    hn /= jnp.maximum(deg, 1.0)
    o = jnp.dot(h[...], Wa[0:D], preferred_element_type=jnp.float32)
    o += jnp.dot(hn, Wa[D:2 * D], preferred_element_type=jnp.float32)
    out[...] = jnp.maximum(o + ba[...], 0.0)


def _tc_layer2_body(S2, h, E2, D2, Wm, bm, Wa, ba, W4, b4, outa):
    Sv = S2[0] + S2[1]
    Ea = E2[0] + E2[1]
    deg = D2[0][:, 0:1] + D2[1][:, 0:1]
    hn = jnp.dot(Sv, Wm[0:D], preferred_element_type=jnp.float32)
    hn += jnp.dot(Ea, Wm[D:D + DE], preferred_element_type=jnp.float32)
    hn += deg * bm[...]
    hn /= jnp.maximum(deg, 1.0)
    o = jnp.dot(h[...], Wa[0:D], preferred_element_type=jnp.float32)
    o += jnp.dot(hn, Wa[D:2 * D], preferred_element_type=jnp.float32)
    h2 = jnp.maximum(o + ba[...], 0.0)
    outa[...] = jnp.dot(h2, W4[...], preferred_element_type=jnp.float32) + b4[...]


def _row_spec(shape):
    nd = len(shape)
    if nd == 3:
        return pl.BlockSpec((shape[0], BT, shape[2]), lambda i: (0, i, 0))
    return pl.BlockSpec((BT, shape[1]), lambda i: (i, 0))


def _full_spec(shape):
    return pl.BlockSpec(shape, lambda i: tuple(0 for _ in shape))


def _tc_layer1(S2, h, E2, D2, Wm, bm, Wa, ba):
    return pl.pallas_call(
        _tc_layer1_body,
        grid=(GRID,),
        in_specs=[
            _row_spec((NC, NP, D)), _row_spec((N, D)),
            _row_spec((NC, NP, DE)), _row_spec((NC, NP, DE)),
            _full_spec((D + DE, D)), _full_spec((1, D)),
            _full_spec((2 * D, D)), _full_spec((1, D)),
        ],
        out_specs=_row_spec((N, D)),
        out_shape=jax.ShapeDtypeStruct((N, D), jnp.float32),
    )(S2, h, E2, D2, Wm, bm, Wa, ba)


def _tc_layer2(S2, h, E2, D2, Wm, bm, Wa, ba, W4, b4):
    return pl.pallas_call(
        _tc_layer2_body,
        grid=(GRID,),
        in_specs=[
            _row_spec((NC, NP, D)), _row_spec((N, D)),
            _row_spec((NC, NP, DE)), _row_spec((NC, NP, DE)),
            _full_spec((D + DE, D)), _full_spec((1, D)),
            _full_spec((2 * D, D)), _full_spec((1, D)),
            _full_spec((D, 4)), _full_spec((1, 4)),
        ],
        out_specs=_row_spec((N, 4)),
        out_shape=jax.ShapeDtypeStruct((N, 4), jnp.float32),
    )(S2, h, E2, D2, Wm, bm, Wa, ba, W4, b4)


def kernel(nfeats, efeats, edge_index, Wm1, bm1, Wa1, ba1, Wm2, bm2, Wa2, ba2, Wp, bp):
    h0 = nfeats[:, 0, :]
    ef = efeats[:, 0, :]
    src = edge_index[0]
    dst = edge_index[1]
    src4d = src.reshape(NW, NGRP, GRP, CH)
    dst4d = dst.reshape(NW, NGRP, GRP, CH)
    z128 = jnp.zeros((CH, D), jnp.float32)
    z16 = jnp.zeros((NP, DE), jnp.float32)
    ones = jnp.zeros((CH, DE), jnp.float32).at[:, 0].set(1.0)

    dst5d = dst.reshape(NW, NGRP2, GRP2, CHE)
    ef5d = ef.reshape(NW, NGRP2, GRP2, CHE, DE)
    ones125 = jnp.zeros((CHE, DE), jnp.float32).at[:, 0].set(1.0)
    E2, D2 = _sc_edgestat(dst5d, ef5d, z16, ones125)
    S2 = _sc_spmm(h0, src4d, dst4d, z128)
    h1 = _tc_layer1(S2, h0, E2, D2, Wm1, bm1.reshape(1, D), Wa1, ba1.reshape(1, D))
    S2b = _sc_spmm(h1, src4d, dst4d, z128)
    W4 = jnp.concatenate([Wp[:D], Wp[D:]], axis=1)
    b4 = (jnp.concatenate([bp, bp]) * 0.5).reshape(1, 4)
    s4 = _tc_layer2(S2b, h1, E2, D2, Wm2, bm2.reshape(1, D), Wa2, ba2.reshape(1, D),
                    W4, b4)
    o0, o1 = _sc_edge(s4.reshape(N * 4), src, dst)
    return jnp.stack([o0, o1], axis=1)

# --- scband reference (transcript-rebuilt; emitter-appended) ---
"""Pipeline reference for scband-model-43954695307870 (READ-ONLY COPY).

The authoritative reference and input builder live on the scoring server;
editing this copy changes nothing except your own understanding.
"""

import jax, jax.numpy as jnp
import numpy as np

N = 10000
E = 320000
DIN = 128
DE = 16
DH = 128
DOUT = 128


def setup_inputs(seed: int = 0) -> dict:
    key = jax.random.key(seed)
    ks = jax.random.split(key, 16)
    inp = {}
    inp["nfeats"] = jax.random.normal(ks[0], (N, 1, DIN), dtype=jnp.float32)
    inp["efeats"] = jax.random.normal(ks[1], (E, 1, DE), dtype=jnp.float32)
    inp["edge_index"] = jax.random.randint(ks[2], (2, E), 0, N, dtype=jnp.int32)
    def lin(k, fan_in, fan_out):
        k1, k2 = jax.random.split(k)
        bound = 1.0 / np.sqrt(fan_in)
        W = jax.random.uniform(k1, (fan_in, fan_out), jnp.float32, -bound, bound)
        b = jax.random.uniform(k2, (fan_out,), jnp.float32, -bound, bound)
        return W, b
    # layer 1: W_msg [(DIN+DE) -> 128], W_apply [(DIN+128) -> 128]
    inp["Wm1"], inp["bm1"] = lin(ks[3], DIN + DE, DH)
    inp["Wa1"], inp["ba1"] = lin(ks[4], DIN + DH, DH)
    # layer 2: W_msg [(128+DE) -> DOUT], W_apply [(128+DOUT) -> DOUT]
    inp["Wm2"], inp["bm2"] = lin(ks[5], DH + DE, DOUT)
    inp["Wa2"], inp["ba2"] = lin(ks[6], DH + DOUT, DOUT)
    # predictor: [(DOUT*2) -> 2]
    inp["Wp"], inp["bp"] = lin(ks[7], DOUT * 2, 2)
    return inp


def _sage_layer(h, efeats, src, dst, Wm, bm, Wa, ba):
    # message: m = W_msg(cat([h_src, e], dim=2))  -> [E, 1, d_out]
    m = jnp.concatenate([h[src], efeats], axis=2) @ Wm + bm
    # mean aggregation over incoming edges per destination node
    agg = jax.ops.segment_sum(m, dst, num_segments=N)
    deg = jax.ops.segment_sum(jnp.ones((dst.shape[0],), jnp.float32), dst, num_segments=N)
    h_neigh = agg / jnp.maximum(deg, 1.0)[:, None, None]
    # apply: h = relu(W_apply(cat([h, h_neigh], dim=2)))
    return jax.nn.relu(jnp.concatenate([h, h_neigh], axis=2) @ Wa + ba)


def reference(nfeats, efeats, edge_index, Wm1, bm1, Wa1, ba1, Wm2, bm2, Wa2, ba2, Wp, bp):
    src = edge_index[0]
    dst = edge_index[1]
    h = _sage_layer(nfeats, efeats, src, dst, Wm1, bm1, Wa1, ba1)
    # dropout is identity at inference
    h = _sage_layer(h, efeats, src, dst, Wm2, bm2, Wa2, ba2)
    h = h.sum(axis=1)  # [N, DOUT]
    # edge predictor: score = W(cat([h_src, h_dst], dim=1)) -> [E, 2]
    score = jnp.concatenate([h[src], h[dst]], axis=1) @ Wp + bp
    return score

if __name__ == "__main__":
    import jax
    _d = setup_inputs()
    print(jax.jit(kernel)(*tuple(_d.values())))

</pallas_src>

<mosaic_0001>
#map = affine_map<(d0, d1) -> (0, 0)>
#map1 = affine_map<(d0, d1) -> (0, 0, 0, 0)>
#map2 = affine_map<(d0, d1) -> (0, 0, 0)>
module attributes {stable_mosaic.version = 14 : i64} {
  func.func @_sc_spmm_body(%arg0: i32, %arg1: i32, %arg2: memref<10000x128xf32, #tpu.memory_space<hbm>>, %arg3: memref<32x5x25x80xi32, #tpu.memory_space<hbm>>, %arg4: memref<32x5x25x80xi32, #tpu.memory_space<hbm>>, %arg5: memref<80x128xf32, #tpu.memory_space<hbm>>, %arg6: memref<2x10240x128xf32, #tpu.memory_space<hbm>>, %arg7: memref<25x80xi32, #tpu.memory_space<vmem>>, %arg8: memref<25x80xi32, #tpu.memory_space<vmem>>, %arg9: memref<2x80x128xf32, #tpu.memory_space<vmem>>, %arg10: memref<10240x128xf32, #tpu.memory_space<vmem_shared>>, %arg11: memref<2x!tpu.dma_semaphore, #tpu.memory_space<semaphore_mem>>, %arg12: memref<2x!tpu.dma_semaphore, #tpu.memory_space<semaphore_mem>>) attributes {dimension_semantics = [#tpu.dimension_semantics<core_parallel>, #tpu.dimension_semantics<subcore_parallel>], iteration_bounds = array<i64: 2, 16>, scalar_prefetch = 0 : i64, scratch_operands = 6 : i64, tpu.core_type = #tpu.core_type<sc_vector_subcore>, window_params = [{transform_indices = #map}, {transform_indices = #map1}, {transform_indices = #map1}, {transform_indices = #map}, {transform_indices = #map2}]} {
    %mul3A = arith.constant 2 : i32
    %mul3A_0 = arith.muli %arg1, %mul3A : i32
    %add3A = arith.addi %mul3A_0, %arg0 : i32
    %mul3A_1 = arith.constant 640 : i32
    %mul3A_2 = arith.muli %arg1, %mul3A_1 : i32
    %run_scoped3A = arith.constant 0 : i32
    "tpu.region"() ({
      %run_scoped3A_15 = tpu.sem_alloc : memref<!tpu.dma_semaphore, #tpu.memory_space<semaphore_mem>>
      %dma_start3A = arith.constant 0 : i32
      %dma_start3A_16 = arith.constant 0 : i32
      %dma_start3A_17 = tpu.memref_slice %arg9[%run_scoped3A, %dma_start3A, %dma_start3A_16] : memref<2x80x128xf32, #tpu.memory_space<vmem>> -> memref<1x80x128xf32, #tpu.memory_space<vmem>>
      %dma_start3A_18 = tpu.memref_squeeze %dma_start3A_17 : memref<1x80x128xf32, #tpu.memory_space<vmem>> -> memref<80x128xf32, #tpu.memory_space<vmem>>
      %dma_start3A_19 = arith.constant 0 : i32
      %dma_start3A_20 = arith.constant 0 : i32
      %dma_start3A_21 = tpu.memref_slice %arg9[%run_scoped3A, %dma_start3A_19, %dma_start3A_20] : memref<2x80x128xf32, #tpu.memory_space<vmem>> -> memref<1x80x128xf32, #tpu.memory_space<vmem>>
      %dma_start3A_22 = tpu.memref_squeeze %dma_start3A_21 : memref<1x80x128xf32, #tpu.memory_space<vmem>> -> memref<80x128xf32, #tpu.memory_space<vmem>>
      tpu.enqueue_dma source(%arg5 : memref<80x128xf32, #tpu.memory_space<hbm>>) target(%dma_start3A_22 : memref<80x128xf32, #tpu.memory_space<vmem>>) target_semaphore(%run_scoped3A_15 : memref<!tpu.dma_semaphore, #tpu.memory_space<semaphore_mem>>)
      %dma_wait3A = arith.constant 0 : i32
      %dma_wait3A_23 = arith.constant 0 : i32
      %dma_wait3A_24 = tpu.memref_slice %arg9[%run_scoped3A, %dma_wait3A, %dma_wait3A_23] : memref<2x80x128xf32, #tpu.memory_space<vmem>> -> memref<1x80x128xf32, #tpu.memory_space<vmem>>
      %dma_wait3A_25 = tpu.memref_squeeze %dma_wait3A_24 : memref<1x80x128xf32, #tpu.memory_space<vmem>> -> memref<80x128xf32, #tpu.memory_space<vmem>>
      %dma_wait3A_26 = arith.constant 0 : i32
      %dma_wait3A_27 = arith.constant 0 : i32
      %dma_wait3A_28 = tpu.memref_slice %arg9[%run_scoped3A, %dma_wait3A_26, %dma_wait3A_27] : memref<2x80x128xf32, #tpu.memory_space<vmem>> -> memref<1x80x128xf32, #tpu.memory_space<vmem>>
      %dma_wait3A_29 = tpu.memref_squeeze %dma_wait3A_28 : memref<1x80x128xf32, #tpu.memory_space<vmem>> -> memref<80x128xf32, #tpu.memory_space<vmem>>
      tpu.wait_dma2 semaphore(%run_scoped3A_15 : memref<!tpu.dma_semaphore, #tpu.memory_space<semaphore_mem>>) src(%arg5 : memref<80x128xf32, #tpu.memory_space<hbm>>) dst(%dma_wait3A_29 : memref<80x128xf32, #tpu.memory_space<vmem>>)
      tpu.yield
    }) : () -> ()
    %scan3A = arith.constant 0 : i32
    %scan3A_3 = arith.constant 0 : i32
    %scan3A_4 = arith.constant 8 : i32
    %scan3A_5 = arith.addi %scan3A_3, %scan3A_4 : i32
    %scan3A_6 = arith.constant 1 : i32
    scf.for %scan3A_15 = %scan3A_3 to %scan3A_5 step %scan3A_6  : i32 {
      %mul3A_16 = arith.constant 80 : i32
      %mul3A_17 = arith.muli %scan3A_15, %mul3A_16 : i32
      %add3A_18 = arith.addi %mul3A_2, %mul3A_17 : i32
      %run_scoped3A_19 = arith.constant 0 : i32
      "tpu.region"() ({
        %run_scoped3A_20 = tpu.sem_alloc : memref<!tpu.dma_semaphore, #tpu.memory_space<semaphore_mem>>
        %dma_start3A = arith.constant 0 : i32
        %dma_start3A_21 = arith.constant 0 : i32
        %dma_start3A_22 = tpu.memref_slice %arg9[%run_scoped3A_19, %dma_start3A, %dma_start3A_21] : memref<2x80x128xf32, #tpu.memory_space<vmem>> -> memref<1x80x128xf32, #tpu.memory_space<vmem>>
        %dma_start3A_23 = tpu.memref_squeeze %dma_start3A_22 : memref<1x80x128xf32, #tpu.memory_space<vmem>> -> memref<80x128xf32, #tpu.memory_space<vmem>>
        %dma_start3A_24 = arith.constant 0 : i32
        %dma_start3A_25 = tpu.memref_slice %arg10[%add3A_18, %dma_start3A_24] : memref<10240x128xf32, #tpu.memory_space<vmem_shared>> -> memref<80x128xf32, #tpu.memory_space<vmem_shared>>
        %dma_start3A_26 = arith.constant 0 : i32
        %dma_start3A_27 = tpu.memref_slice %arg10[%add3A_18, %dma_start3A_26] : memref<10240x128xf32, #tpu.memory_space<vmem_shared>> -> memref<80x128xf32, #tpu.memory_space<vmem_shared>>
        %dma_start3A_28 = arith.constant 0 : i32
        %dma_start3A_29 = arith.constant 0 : i32
        %dma_start3A_30 = tpu.memref_slice %arg9[%run_scoped3A_19, %dma_start3A_28, %dma_start3A_29] : memref<2x80x128xf32, #tpu.memory_space<vmem>> -> memref<1x80x128xf32, #tpu.memory_space<vmem>>
        %dma_start3A_31 = tpu.memref_squeeze %dma_start3A_30 : memref<1x80x128xf32, #tpu.memory_space<vmem>> -> memref<80x128xf32, #tpu.memory_space<vmem>>
        tpu.enqueue_dma source(%dma_start3A_31 : memref<80x128xf32, #tpu.memory_space<vmem>>) target(%dma_start3A_27 : memref<80x128xf32, #tpu.memory_space<vmem_shared>>) target_semaphore(%run_scoped3A_20 : memref<!tpu.dma_semaphore, #tpu.memory_space<semaphore_mem>>)
        %dma_wait3A = arith.constant 0 : i32
        %dma_wait3A_32 = arith.constant 0 : i32
        %dma_wait3A_33 = tpu.memref_slice %arg9[%run_scoped3A_19, %dma_wait3A, %dma_wait3A_32] : memref<2x80x128xf32, #tpu.memory_space<vmem>> -> memref<1x80x128xf32, #tpu.memory_space<vmem>>
        %dma_wait3A_34 = tpu.memref_squeeze %dma_wait3A_33 : memref<1x80x128xf32, #tpu.memory_space<vmem>> -> memref<80x128xf32, #tpu.memory_space<vmem>>
        %dma_wait3A_35 = arith.constant 0 : i32
        %dma_wait3A_36 = tpu.memref_slice %arg10[%add3A_18, %dma_wait3A_35] : memref<10240x128xf32, #tpu.memory_space<vmem_shared>> -> memref<80x128xf32, #tpu.memory_space<vmem_shared>>
        %dma_wait3A_37 = arith.constant 0 : i32
        %dma_wait3A_38 = tpu.memref_slice %arg10[%add3A_18, %dma_wait3A_37] : memref<10240x128xf32, #tpu.memory_space<vmem_shared>> -> memref<80x128xf32, #tpu.memory_space<vmem_shared>>
        %dma_wait3A_39 = arith.constant 0 : i32
        %dma_wait3A_40 = arith.constant 0 : i32
        %dma_wait3A_41 = tpu.memref_slice %arg9[%run_scoped3A_19, %dma_wait3A_39, %dma_wait3A_40] : memref<2x80x128xf32, #tpu.memory_space<vmem>> -> memref<1x80x128xf32, #tpu.memory_space<vmem>>
        %dma_wait3A_42 = tpu.memref_squeeze %dma_wait3A_41 : memref<1x80x128xf32, #tpu.memory_space<vmem>> -> memref<80x128xf32, #tpu.memory_space<vmem>>
        tpu.wait_dma2 semaphore(%run_scoped3A_20 : memref<!tpu.dma_semaphore, #tpu.memory_space<semaphore_mem>>) src(%dma_wait3A_42 : memref<80x128xf32, #tpu.memory_space<vmem>>) dst(%dma_wait3A_38 : memref<80x128xf32, #tpu.memory_space<vmem_shared>>)
        tpu.yield
      }) : () -> ()
    }
    %scan3A_7 = arith.constant 8 : i32
    %barrier3A = arith.constant 0 : index
    tpu.barrier barrier_id(%barrier3A)
    %scan3A_8 = arith.constant 0 : i32
    %scan3A_9 = arith.constant 0 : i32
    %scan3A_10 = arith.constant 5 : i32
    %scan3A_11 = arith.addi %scan3A_9, %scan3A_10 : i32
    %scan3A_12 = arith.constant 1 : i32
    scf.for %scan3A_15 = %scan3A_9 to %scan3A_11 step %scan3A_12  : i32 {
      %dma_start3A = arith.constant 0 : i32
      %dma_start3A_16 = arith.constant 0 : i32
      %dma_start3A_17 = arith.constant 0 : i32
      %dma_start3A_18 = tpu.memref_slice %arg3[%add3A, %scan3A_15, %dma_start3A_16, %dma_start3A_17] : memref<32x5x25x80xi32, #tpu.memory_space<hbm>> -> memref<1x1x25x80xi32, #tpu.memory_space<hbm>>
      %dma_start3A_19 = tpu.memref_squeeze %dma_start3A_18 : memref<1x1x25x80xi32, #tpu.memory_space<hbm>> -> memref<25x80xi32, #tpu.memory_space<hbm>>
      %dma_start3A_20 = tpu.memref_slice %arg11[%dma_start3A] : memref<2x!tpu.dma_semaphore, #tpu.memory_space<semaphore_mem>> -> memref<1x!tpu.dma_semaphore, #tpu.memory_space<semaphore_mem>>
      %dma_start3A_21 = tpu.memref_squeeze %dma_start3A_20 : memref<1x!tpu.dma_semaphore, #tpu.memory_space<semaphore_mem>> -> memref<!tpu.dma_semaphore, #tpu.memory_space<semaphore_mem>>
      %dma_start3A_22 = arith.constant 0 : i32
      %dma_start3A_23 = arith.constant 0 : i32
      %dma_start3A_24 = tpu.memref_slice %arg3[%add3A, %scan3A_15, %dma_start3A_22, %dma_start3A_23] : memref<32x5x25x80xi32, #tpu.memory_space<hbm>> -> memref<1x1x25x80xi32, #tpu.memory_space<hbm>>
      %dma_start3A_25 = tpu.memref_squeeze %dma_start3A_24 : memref<1x1x25x80xi32, #tpu.memory_space<hbm>> -> memref<25x80xi32, #tpu.memory_space<hbm>>
      tpu.enqueue_dma source(%dma_start3A_25 : memref<25x80xi32, #tpu.memory_space<hbm>>) target(%arg7 : memref<25x80xi32, #tpu.memory_space<vmem>>) target_semaphore(%dma_start3A_21 : memref<!tpu.dma_semaphore, #tpu.memory_space<semaphore_mem>>)
      %dma_start3A_26 = arith.constant 1 : i32
      %dma_start3A_27 = arith.constant 0 : i32
      %dma_start3A_28 = arith.constant 0 : i32
      %dma_start3A_29 = tpu.memref_slice %arg4[%add3A, %scan3A_15, %dma_start3A_27, %dma_start3A_28] : memref<32x5x25x80xi32, #tpu.memory_space<hbm>> -> memref<1x1x25x80xi32, #tpu.memory_space<hbm>>
      %dma_start3A_30 = tpu.memref_squeeze %dma_start3A_29 : memref<1x1x25x80xi32, #tpu.memory_space<hbm>> -> memref<25x80xi32, #tpu.memory_space<hbm>>
      %dma_start3A_31 = tpu.memref_slice %arg11[%dma_start3A_26] : memref<2x!tpu.dma_semaphore, #tpu.memory_space<semaphore_mem>> -> memref<1x!tpu.dma_semaphore, #tpu.memory_space<semaphore_mem>>
      %dma_start3A_32 = tpu.memref_squeeze %dma_start3A_31 : memref<1x!tpu.dma_semaphore, #tpu.memory_space<semaphore_mem>> -> memref<!tpu.dma_semaphore, #tpu.memory_space<semaphore_mem>>
      %dma_start3A_33 = arith.constant 0 : i32
      %dma_start3A_34 = arith.constant 0 : i32
      %dma_start3A_35 = tpu.memref_slice %arg4[%add3A, %scan3A_15, %dma_start3A_33, %dma_start3A_34] : memref<32x5x25x80xi32, #tpu.memory_space<hbm>> -> memref<1x1x25x80xi32, #tpu.memory_space<hbm>>
      %dma_start3A_36 = tpu.memref_squeeze %dma_start3A_35 : memref<1x1x25x80xi32, #tpu.memory_space<hbm>> -> memref<25x80xi32, #tpu.memory_space<hbm>>
      tpu.enqueue_dma source(%dma_start3A_36 : memref<25x80xi32, #tpu.memory_space<hbm>>) target(%arg8 : memref<25x80xi32, #tpu.memory_space<vmem>>) target_semaphore(%dma_start3A_32 : memref<!tpu.dma_semaphore, #tpu.memory_space<semaphore_mem>>)
      %dma_wait3A = arith.constant 0 : i32
      %dma_wait3A_37 = arith.constant 0 : i32
      %dma_wait3A_38 = arith.constant 0 : i32
      %dma_wait3A_39 = tpu.memref_slice %arg3[%add3A, %scan3A_15, %dma_wait3A_37, %dma_wait3A_38] : memref<32x5x25x80xi32, #tpu.memory_space<hbm>> -> memref<1x1x25x80xi32, #tpu.memory_space<hbm>>
      %dma_wait3A_40 = tpu.memref_squeeze %dma_wait3A_39 : memref<1x1x25x80xi32, #tpu.memory_space<hbm>> -> memref<25x80xi32, #tpu.memory_space<hbm>>
      %dma_wait3A_41 = tpu.memref_slice %arg11[%dma_wait3A] : memref<2x!tpu.dma_semaphore, #tpu.memory_space<semaphore_mem>> -> memref<1x!tpu.dma_semaphore, #tpu.memory_space<semaphore_mem>>
      %dma_wait3A_42 = tpu.memref_squeeze %dma_wait3A_41 : memref<1x!tpu.dma_semaphore, #tpu.memory_space<semaphore_mem>> -> memref<!tpu.dma_semaphore, #tpu.memory_space<semaphore_mem>>
      %dma_wait3A_43 = arith.constant 0 : i32
      %dma_wait3A_44 = arith.constant 0 : i32
      %dma_wait3A_45 = tpu.memref_slice %arg3[%add3A, %scan3A_15, %dma_wait3A_43, %dma_wait3A_44] : memref<32x5x25x80xi32, #tpu.memory_space<hbm>> -> memref<1x1x25x80xi32, #tpu.memory_space<hbm>>
      %dma_wait3A_46 = tpu.memref_squeeze %dma_wait3A_45 : memref<1x1x25x80xi32, #tpu.memory_space<hbm>> -> memref<25x80xi32, #tpu.memory_space<hbm>>
      tpu.wait_dma2 semaphore(%dma_wait3A_42 : memref<!tpu.dma_semaphore, #tpu.memory_space<semaphore_mem>>) src(%dma_wait3A_46 : memref<25x80xi32, #tpu.memory_space<hbm>>) dst(%arg7 : memref<25x80xi32, #tpu.memory_space<vmem>>)
      %dma_wait3A_47 = arith.constant 1 : i32
      %dma_wait3A_48 = arith.constant 0 : i32
      %dma_wait3A_49 = arith.constant 0 : i32
      %dma_wait3A_50 = tpu.memref_slice %arg4[%add3A, %scan3A_15, %dma_wait3A_48, %dma_wait3A_49] : memref<32x5x25x80xi32, #tpu.memory_space<hbm>> -> memref<1x1x25x80xi32, #tpu.memory_space<hbm>>
      %dma_wait3A_51 = tpu.memref_squeeze %dma_wait3A_50 : memref<1x1x25x80xi32, #tpu.memory_space<hbm>> -> memref<25x80xi32, #tpu.memory_space<hbm>>
      %dma_wait3A_52 = tpu.memref_slice %arg11[%dma_wait3A_47] : memref<2x!tpu.dma_semaphore, #tpu.memory_space<semaphore_mem>> -> memref<1x!tpu.dma_semaphore, #tpu.memory_space<semaphore_mem>>
      %dma_wait3A_53 = tpu.memref_squeeze %dma_wait3A_52 : memref<1x!tpu.dma_semaphore, #tpu.memory_space<semaphore_mem>> -> memref<!tpu.dma_semaphore, #tpu.memory_space<semaphore_mem>>
      %dma_wait3A_54 = arith.constant 0 : i32
      %dma_wait3A_55 = arith.constant 0 : i32
      %dma_wait3A_56 = tpu.memref_slice %arg4[%add3A, %scan3A_15, %dma_wait3A_54, %dma_wait3A_55] : memref<32x5x25x80xi32, #tpu.memory_space<hbm>> -> memref<1x1x25x80xi32, #tpu.memory_space<hbm>>
      %dma_wait3A_57 = tpu.memref_squeeze %dma_wait3A_56 : memref<1x1x25x80xi32, #tpu.memory_space<hbm>> -> memref<25x80xi32, #tpu.memory_space<hbm>>
      tpu.wait_dma2 semaphore(%dma_wait3A_53 : memref<!tpu.dma_semaphore, #tpu.memory_space<semaphore_mem>>) src(%dma_wait3A_57 : memref<25x80xi32, #tpu.memory_space<hbm>>) dst(%arg8 : memref<25x80xi32, #tpu.memory_space<vmem>>)
      %dma_start3A_58 = arith.constant 0 : i32
      %dma_start3A_59 = arith.constant 0 : i32
      %dma_start3A_60 = arith.constant 0 : i32
      %dma_start3A_61 = arith.constant 0 : i32
      %dma_start3A_62 = arith.constant 0 : i32
      %dma_start3A_63 = tpu.memref_slice %arg9[%dma_start3A_59, %dma_start3A_61, %dma_start3A_62] : memref<2x80x128xf32, #tpu.memory_space<vmem>> -> memref<1x80x128xf32, #tpu.memory_space<vmem>>
      %dma_start3A_64 = tpu.memref_squeeze %dma_start3A_63 : memref<1x80x128xf32, #tpu.memory_space<vmem>> -> memref<80x128xf32, #tpu.memory_space<vmem>>
      %dma_start3A_65 = arith.constant 0 : i32
      %dma_start3A_66 = tpu.memref_slice %arg7[%dma_start3A_58, %dma_start3A_65] : memref<25x80xi32, #tpu.memory_space<vmem>> -> memref<1x80xi32, #tpu.memory_space<vmem>>
      %dma_start3A_67 = tpu.memref_squeeze %dma_start3A_66 : memref<1x80xi32, #tpu.memory_space<vmem>> -> memref<80xi32, #tpu.memory_space<vmem>>
      %dma_start3A_68 = arith.constant 0 : i32
      %dma_start3A_69 = arith.constant 0 : i32
      %dma_start3A_70 = tpu.memref_slice %arg2[%dma_start3A_68, %dma_start3A_69] : memref<10000x128xf32, #tpu.memory_space<hbm>> -> memref<10000x128xf32, #tpu.memory_space<hbm>>
      %dma_start3A_71 = tpu.memref_slice %arg11[%dma_start3A_60] : memref<2x!tpu.dma_semaphore, #tpu.memory_space<semaphore_mem>> -> memref<1x!tpu.dma_semaphore, #tpu.memory_space<semaphore_mem>>
      %dma_start3A_72 = tpu.memref_squeeze %dma_start3A_71 : memref<1x!tpu.dma_semaphore, #tpu.memory_space<semaphore_mem>> -> memref<!tpu.dma_semaphore, #tpu.memory_space<semaphore_mem>>
      tpu.enqueue_indirect_dma source(%dma_start3A_70 : memref<10000x128xf32, #tpu.memory_space<hbm>>) target(%dma_start3A_64 : memref<80x128xf32, #tpu.memory_space<vmem>>) offsets(%dma_start3A_67 : memref<80xi32, #tpu.memory_space<vmem>>) semaphore(%dma_start3A_72 : memref<!tpu.dma_semaphore, #tpu.memory_space<semaphore_mem>>)
      %dma_start3A_73 = arith.constant 1 : i32
      %dma_start3A_74 = arith.constant 1 : i32
      %dma_start3A_75 = arith.constant 1 : i32
      %dma_start3A_76 = arith.constant 0 : i32
      %dma_start3A_77 = arith.constant 0 : i32
      %dma_start3A_78 = tpu.memref_slice %arg9[%dma_start3A_74, %dma_start3A_76, %dma_start3A_77] : memref<2x80x128xf32, #tpu.memory_space<vmem>> -> memref<1x80x128xf32, #tpu.memory_space<vmem>>
      %dma_start3A_79 = tpu.memref_squeeze %dma_start3A_78 : memref<1x80x128xf32, #tpu.memory_space<vmem>> -> memref<80x128xf32, #tpu.memory_space<vmem>>
      %dma_start3A_80 = arith.constant 0 : i32
      %dma_start3A_81 = tpu.memref_slice %arg7[%dma_start3A_73, %dma_start3A_80] : memref<25x80xi32, #tpu.memory_space<vmem>> -> memref<1x80xi32, #tpu.memory_space<vmem>>
      %dma_start3A_82 = tpu.memref_squeeze %dma_start3A_81 : memref<1x80xi32, #tpu.memory_space<vmem>> -> memref<80xi32, #tpu.memory_space<vmem>>
      %dma_start3A_83 = arith.constant 0 : i32
      %dma_start3A_84 = arith.constant 0 : i32
      %dma_start3A_85 = tpu.memref_slice %arg2[%dma_start3A_83, %dma_start3A_84] : memref<10000x128xf32, #tpu.memory_space<hbm>> -> memref<10000x128xf32, #tpu.memory_space<hbm>>
      %dma_start3A_86 = tpu.memref_slice %arg11[%dma_start3A_75] : memref<2x!tpu.dma_semaphore, #tpu.memory_space<semaphore_mem>> -> memref<1x!tpu.dma_semaphore, #tpu.memory_space<semaphore_mem>>
      %dma_start3A_87 = tpu.memref_squeeze %dma_start3A_86 : memref<1x!tpu.dma_semaphore, #tpu.memory_space<semaphore_mem>> -> memref<!tpu.dma_semaphore, #tpu.memory_space<semaphore_mem>>
      tpu.enqueue_indirect_dma source(%dma_start3A_85 : memref<10000x128xf32, #tpu.memory_space<hbm>>) target(%dma_start3A_79 : memref<80x128xf32, #tpu.memory_space<vmem>>) offsets(%dma_start3A_82 : memref<80xi32, #tpu.memory_space<vmem>>) semaphore(%dma_start3A_87 : memref<!tpu.dma_semaphore, #tpu.memory_space<semaphore_mem>>)
      %scan3A_88 = arith.constant 0 : i32
      %scan3A_89 = arith.constant 25 : i32
      %scan3A_90 = arith.addi %scan3A_88, %scan3A_89 : i32
      %scan3A_91 = arith.constant 1 : i32
      scf.for %scan3A_123 = %scan3A_88 to %scan3A_90 step %scan3A_91  : i32 {
        %rem3A = arith.constant 2 : i32
        %rem3A_124 = arith.remsi %scan3A_123, %rem3A : i32
        %dma_wait3A_125 = arith.constant 0 : i32
        %dma_wait3A_126 = arith.constant 0 : i32
        %dma_wait3A_127 = tpu.memref_slice %arg9[%rem3A_124, %dma_wait3A_125, %dma_wait3A_126] : memref<2x80x128xf32, #tpu.memory_space<vmem>> -> memref<1x80x128xf32, #tpu.memory_space<vmem>>
        %dma_wait3A_128 = tpu.memref_squeeze %dma_wait3A_127 : memref<1x80x128xf32, #tpu.memory_space<vmem>> -> memref<80x128xf32, #tpu.memory_space<vmem>>
        %dma_wait3A_129 = arith.constant 0 : i32
        %dma_wait3A_130 = tpu.memref_slice %arg7[%scan3A_123, %dma_wait3A_129] : memref<25x80xi32, #tpu.memory_space<vmem>> -> memref<1x80xi32, #tpu.memory_space<vmem>>
        %dma_wait3A_131 = tpu.memref_squeeze %dma_wait3A_130 : memref<1x80xi32, #tpu.memory_space<vmem>> -> memref<80xi32, #tpu.memory_space<vmem>>
        %dma_wait3A_132 = arith.constant 0 : i32
        %dma_wait3A_133 = arith.constant 0 : i32
        %dma_wait3A_134 = tpu.memref_slice %arg2[%dma_wait3A_132, %dma_wait3A_133] : memref<10000x128xf32, #tpu.memory_space<hbm>> -> memref<10000x128xf32, #tpu.memory_space<hbm>>
        %dma_wait3A_135 = tpu.memref_slice %arg11[%rem3A_124] : memref<2x!tpu.dma_semaphore, #tpu.memory_space<semaphore_mem>> -> memref<1x!tpu.dma_semaphore, #tpu.memory_space<semaphore_mem>>
        %dma_wait3A_136 = tpu.memref_squeeze %dma_wait3A_135 : memref<1x!tpu.dma_semaphore, #tpu.memory_space<semaphore_mem>> -> memref<!tpu.dma_semaphore, #tpu.memory_space<semaphore_mem>>
        tpu.wait_indirect_dma semaphore(%dma_wait3A_136 : memref<!tpu.dma_semaphore, #tpu.memory_space<semaphore_mem>>) src(%dma_wait3A_134 : memref<10000x128xf32, #tpu.memory_space<hbm>>) dst(%dma_wait3A_128 : memref<80x128xf32, #tpu.memory_space<vmem>>)
        %dma_start3A_137 = arith.constant 0 : i32
        %dma_start3A_138 = arith.constant 0 : i32
        %dma_start3A_139 = tpu.memref_slice %arg9[%rem3A_124, %dma_start3A_137, %dma_start3A_138] : memref<2x80x128xf32, #tpu.memory_space<vmem>> -> memref<1x80x128xf32, #tpu.memory_space<vmem>>
        %dma_start3A_140 = tpu.memref_squeeze %dma_start3A_139 : memref<1x80x128xf32, #tpu.memory_space<vmem>> -> memref<80x128xf32, #tpu.memory_space<vmem>>
        %dma_start3A_141 = arith.constant 0 : i32
        %dma_start3A_142 = tpu.memref_slice %arg8[%scan3A_123, %dma_start3A_141] : memref<25x80xi32, #tpu.memory_space<vmem>> -> memref<1x80xi32, #tpu.memory_space<vmem>>
        %dma_start3A_143 = tpu.memref_squeeze %dma_start3A_142 : memref<1x80xi32, #tpu.memory_space<vmem>> -> memref<80xi32, #tpu.memory_space<vmem>>
        %dma_start3A_144 = arith.constant 0 : i32
        %dma_start3A_145 = arith.constant 0 : i32
        %dma_start3A_146 = tpu.memref_slice %arg10[%dma_start3A_144, %dma_start3A_145] : memref<10240x128xf32, #tpu.memory_space<vmem_shared>> -> memref<10240x128xf32, #tpu.memory_space<vmem_shared>>
        %dma_start3A_147 = tpu.memref_slice %arg12[%rem3A_124] : memref<2x!tpu.dma_semaphore, #tpu.memory_space<semaphore_mem>> -> memref<1x!tpu.dma_semaphore, #tpu.memory_space<semaphore_mem>>
        %dma_start3A_148 = tpu.memref_squeeze %dma_start3A_147 : memref<1x!tpu.dma_semaphore, #tpu.memory_space<semaphore_mem>> -> memref<!tpu.dma_semaphore, #tpu.memory_space<semaphore_mem>>
        tpu.enqueue_indirect_dma source(%dma_start3A_140 : memref<80x128xf32, #tpu.memory_space<vmem>>) target(%dma_start3A_146 : memref<10240x128xf32, #tpu.memory_space<vmem_shared>>) offsets(%dma_start3A_143 : memref<80xi32, #tpu.memory_space<vmem>>) semaphore(%dma_start3A_148 : memref<!tpu.dma_semaphore, #tpu.memory_space<semaphore_mem>>) {add = true}
        %add3A_149 = arith.constant 2 : i32
        %add3A_150 = arith.addi %scan3A_123, %add3A_149 : i32
        %lt3A = arith.constant 25 : i32
        %lt3A_151 = arith.cmpi slt, %add3A_150, %lt3A : i32
        %convert_element_type3A = arith.extui %lt3A_151 : i1 to i32
        %cond3A = arith.constant 0 : i32
        %cond3A_152 = arith.cmpi ne, %convert_element_type3A, %cond3A : i32
        scf.if %cond3A_152 {
          %dma_wait3A_153 = arith.constant 0 : i32
          %dma_wait3A_154 = arith.constant 0 : i32
          %dma_wait3A_155 = tpu.memref_slice %arg9[%rem3A_124, %dma_wait3A_153, %dma_wait3A_154] : memref<2x80x128xf32, #tpu.memory_space<vmem>> -> memref<1x80x128xf32, #tpu.memory_space<vmem>>
          %dma_wait3A_156 = tpu.memref_squeeze %dma_wait3A_155 : memref<1x80x128xf32, #tpu.memory_space<vmem>> -> memref<80x128xf32, #tpu.memory_space<vmem>>
          %dma_wait3A_157 = arith.constant 0 : i32
          %dma_wait3A_158 = tpu.memref_slice %arg8[%scan3A_123, %dma_wait3A_157] : memref<25x80xi32, #tpu.memory_space<vmem>> -> memref<1x80xi32, #tpu.memory_space<vmem>>
          %dma_wait3A_159 = tpu.memref_squeeze %dma_wait3A_158 : memref<1x80xi32, #tpu.memory_space<vmem>> -> memref<80xi32, #tpu.memory_space<vmem>>
          %dma_wait3A_160 = arith.constant 0 : i32
          %dma_wait3A_161 = arith.constant 0 : i32
          %dma_wait3A_162 = tpu.memref_slice %arg10[%dma_wait3A_160, %dma_wait3A_161] : memref<10240x128xf32, #tpu.memory_space<vmem_shared>> -> memref<10240x128xf32, #tpu.memory_space<vmem_shared>>
          %dma_wait3A_163 = tpu.memref_slice %arg12[%rem3A_124] : memref<2x!tpu.dma_semaphore, #tpu.memory_space<semaphore_mem>> -> memref<1x!tpu.dma_semaphore, #tpu.memory_space<semaphore_mem>>
          %dma_wait3A_164 = tpu.memref_squeeze %dma_wait3A_163 : memref<1x!tpu.dma_semaphore, #tpu.memory_space<semaphore_mem>> -> memref<!tpu.dma_semaphore, #tpu.memory_space<semaphore_mem>>
          tpu.wait_indirect_dma semaphore(%dma_wait3A_164 : memref<!tpu.dma_semaphore, #tpu.memory_space<semaphore_mem>>) src(%dma_wait3A_156 : memref<80x128xf32, #tpu.memory_space<vmem>>) dst(%dma_wait3A_162 : memref<10240x128xf32, #tpu.memory_space<vmem_shared>>)
          %add3A_165 = arith.constant 2 : i32
          %add3A_166 = arith.addi %scan3A_123, %add3A_165 : i32
          %dma_start3A_167 = arith.constant 0 : i32
          %dma_start3A_168 = arith.constant 0 : i32
          %dma_start3A_169 = tpu.memref_slice %arg9[%rem3A_124, %dma_start3A_167, %dma_start3A_168] : memref<2x80x128xf32, #tpu.memory_space<vmem>> -> memref<1x80x128xf32, #tpu.memory_space<vmem>>
          %dma_start3A_170 = tpu.memref_squeeze %dma_start3A_169 : memref<1x80x128xf32, #tpu.memory_space<vmem>> -> memref<80x128xf32, #tpu.memory_space<vmem>>
          %dma_start3A_171 = arith.constant 0 : i32
          %dma_start3A_172 = tpu.memref_slice %arg7[%add3A_166, %dma_start3A_171] : memref<25x80xi32, #tpu.memory_space<vmem>> -> memref<1x80xi32, #tpu.memory_space<vmem>>
          %dma_start3A_173 = tpu.memref_squeeze %dma_start3A_172 : memref<1x80xi32, #tpu.memory_space<vmem>> -> memref<80xi32, #tpu.memory_space<vmem>>
          %dma_start3A_174 = arith.constant 0 : i32
          %dma_start3A_175 = arith.constant 0 : i32
          %dma_start3A_176 = tpu.memref_slice %arg2[%dma_start3A_174, %dma_start3A_175] : memref<10000x128xf32, #tpu.memory_space<hbm>> -> memref<10000x128xf32, #tpu.memory_space<hbm>>
          %dma_start3A_177 = tpu.memref_slice %arg11[%rem3A_124] : memref<2x!tpu.dma_semaphore, #tpu.memory_space<semaphore_mem>> -> memref<1x!tpu.dma_semaphore, #tpu.memory_space<semaphore_mem>>
          %dma_start3A_178 = tpu.memref_squeeze %dma_start3A_177 : memref<1x!tpu.dma_semaphore, #tpu.memory_space<semaphore_mem>> -> memref<!tpu.dma_semaphore, #tpu.memory_space<semaphore_mem>>
          tpu.enqueue_indirect_dma source(%dma_start3A_176 : memref<10000x128xf32, #tpu.memory_space<hbm>>) target(%dma_start3A_170 : memref<80x128xf32, #tpu.memory_space<vmem>>) offsets(%dma_start3A_173 : memref<80xi32, #tpu.memory_space<vmem>>) semaphore(%dma_start3A_178 : memref<!tpu.dma_semaphore, #tpu.memory_space<semaphore_mem>>)
        } else {
        }
      }
      %scan3A_92 = arith.constant 25 : i32
      %dma_wait3A_93 = arith.constant 0 : i32
      %dma_wait3A_94 = arith.constant 0 : i32
      %dma_wait3A_95 = arith.constant 0 : i32
      %dma_wait3A_96 = arith.constant 0 : i32
      %dma_wait3A_97 = arith.constant 0 : i32
      %dma_wait3A_98 = tpu.memref_slice %arg9[%dma_wait3A_93, %dma_wait3A_96, %dma_wait3A_97] : memref<2x80x128xf32, #tpu.memory_space<vmem>> -> memref<1x80x128xf32, #tpu.memory_space<vmem>>
      %dma_wait3A_99 = tpu.memref_squeeze %dma_wait3A_98 : memref<1x80x128xf32, #tpu.memory_space<vmem>> -> memref<80x128xf32, #tpu.memory_space<vmem>>
      %dma_wait3A_100 = arith.constant 0 : i32
      %dma_wait3A_101 = tpu.memref_slice %arg8[%dma_wait3A_94, %dma_wait3A_100] : memref<25x80xi32, #tpu.memory_space<vmem>> -> memref<1x80xi32, #tpu.memory_space<vmem>>
      %dma_wait3A_102 = tpu.memref_squeeze %dma_wait3A_101 : memref<1x80xi32, #tpu.memory_space<vmem>> -> memref<80xi32, #tpu.memory_space<vmem>>
      %dma_wait3A_103 = arith.constant 0 : i32
      %dma_wait3A_104 = arith.constant 0 : i32
      %dma_wait3A_105 = tpu.memref_slice %arg10[%dma_wait3A_103, %dma_wait3A_104] : memref<10240x128xf32, #tpu.memory_space<vmem_shared>> -> memref<10240x128xf32, #tpu.memory_space<vmem_shared>>
      %dma_wait3A_106 = tpu.memref_slice %arg12[%dma_wait3A_95] : memref<2x!tpu.dma_semaphore, #tpu.memory_space<semaphore_mem>> -> memref<1x!tpu.dma_semaphore, #tpu.memory_space<semaphore_mem>>
      %dma_wait3A_107 = tpu.memref_squeeze %dma_wait3A_106 : memref<1x!tpu.dma_semaphore, #tpu.memory_space<semaphore_mem>> -> memref<!tpu.dma_semaphore, #tpu.memory_space<semaphore_mem>>
      tpu.wait_indirect_dma semaphore(%dma_wait3A_107 : memref<!tpu.dma_semaphore, #tpu.memory_space<semaphore_mem>>) src(%dma_wait3A_99 : memref<80x128xf32, #tpu.memory_space<vmem>>) dst(%dma_wait3A_105 : memref<10240x128xf32, #tpu.memory_space<vmem_shared>>)
      %dma_wait3A_108 = arith.constant 1 : i32
      %dma_wait3A_109 = arith.constant 1 : i32
      %dma_wait3A_110 = arith.constant 1 : i32
      %dma_wait3A_111 = arith.constant 0 : i32
      %dma_wait3A_112 = arith.constant 0 : i32
      %dma_wait3A_113 = tpu.memref_slice %arg9[%dma_wait3A_108, %dma_wait3A_111, %dma_wait3A_112] : memref<2x80x128xf32, #tpu.memory_space<vmem>> -> memref<1x80x128xf32, #tpu.memory_space<vmem>>
      %dma_wait3A_114 = tpu.memref_squeeze %dma_wait3A_113 : memref<1x80x128xf32, #tpu.memory_space<vmem>> -> memref<80x128xf32, #tpu.memory_space<vmem>>
      %dma_wait3A_115 = arith.constant 0 : i32
      %dma_wait3A_116 = tpu.memref_slice %arg8[%dma_wait3A_109, %dma_wait3A_115] : memref<25x80xi32, #tpu.memory_space<vmem>> -> memref<1x80xi32, #tpu.memory_space<vmem>>
      %dma_wait3A_117 = tpu.memref_squeeze %dma_wait3A_116 : memref<1x80xi32, #tpu.memory_space<vmem>> -> memref<80xi32, #tpu.memory_space<vmem>>
      %dma_wait3A_118 = arith.constant 0 : i32
      %dma_wait3A_119 = arith.constant 0 : i32
      %dma_wait3A_120 = tpu.memref_slice %arg10[%dma_wait3A_118, %dma_wait3A_119] : memref<10240x128xf32, #tpu.memory_space<vmem_shared>> -> memref<10240x128xf32, #tpu.memory_space<vmem_shared>>
      %dma_wait3A_121 = tpu.memref_slice %arg12[%dma_wait3A_110] : memref<2x!tpu.dma_semaphore, #tpu.memory_space<semaphore_mem>> -> memref<1x!tpu.dma_semaphore, #tpu.memory_space<semaphore_mem>>
      %dma_wait3A_122 = tpu.memref_squeeze %dma_wait3A_121 : memref<1x!tpu.dma_semaphore, #tpu.memory_space<semaphore_mem>> -> memref<!tpu.dma_semaphore, #tpu.memory_space<semaphore_mem>>
      tpu.wait_indirect_dma semaphore(%dma_wait3A_122 : memref<!tpu.dma_semaphore, #tpu.memory_space<semaphore_mem>>) src(%dma_wait3A_114 : memref<80x128xf32, #tpu.memory_space<vmem>>) dst(%dma_wait3A_120 : memref<10240x128xf32, #tpu.memory_space<vmem_shared>>)
    }
    %scan3A_13 = arith.constant 5 : i32
    %barrier3A_14 = arith.constant 0 : index
    tpu.barrier barrier_id(%barrier3A_14)
    "tpu.region"() ({
      %run_scoped3A_15 = tpu.sem_alloc : memref<!tpu.dma_semaphore, #tpu.memory_space<semaphore_mem>>
      %dma_start3A = arith.constant 0 : i32
      %dma_start3A_16 = tpu.memref_slice %arg6[%arg0, %mul3A_2, %dma_start3A] : memref<2x10240x128xf32, #tpu.memory_space<hbm>> -> memref<1x640x128xf32, #tpu.memory_space<hbm>>
      %dma_start3A_17 = tpu.memref_squeeze %dma_start3A_16 : memref<1x640x128xf32, #tpu.memory_space<hbm>> -> memref<640x128xf32, #tpu.memory_space<hbm>>
      %dma_start3A_18 = arith.constant 0 : i32
      %dma_start3A_19 = tpu.memref_slice %arg10[%mul3A_2, %dma_start3A_18] : memref<10240x128xf32, #tpu.memory_space<vmem_shared>> -> memref<640x128xf32, #tpu.memory_space<vmem_shared>>
      tpu.enqueue_dma source(%dma_start3A_19 : memref<640x128xf32, #tpu.memory_space<vmem_shared>>) target(%dma_start3A_17 : memref<640x128xf32, #tpu.memory_space<hbm>>) target_semaphore(%run_scoped3A_15 : memref<!tpu.dma_semaphore, #tpu.memory_space<semaphore_mem>>)
      %dma_wait3A = arith.constant 0 : i32
      %dma_wait3A_20 = tpu.memref_slice %arg6[%arg0, %mul3A_2, %dma_wait3A] : memref<2x10240x128xf32, #tpu.memory_space<hbm>> -> memref<1x640x128xf32, #tpu.memory_space<hbm>>
      %dma_wait3A_21 = tpu.memref_squeeze %dma_wait3A_20 : memref<1x640x128xf32, #tpu.memory_space<hbm>> -> memref<640x128xf32, #tpu.memory_space<hbm>>
      %dma_wait3A_22 = arith.constant 0 : i32
      %dma_wait3A_23 = tpu.memref_slice %arg10[%mul3A_2, %dma_wait3A_22] : memref<10240x128xf32, #tpu.memory_space<vmem_shared>> -> memref<640x128xf32, #tpu.memory_space<vmem_shared>>
      tpu.wait_dma2 semaphore(%run_scoped3A_15 : memref<!tpu.dma_semaphore, #tpu.memory_space<semaphore_mem>>) src(%dma_wait3A_23 : memref<640x128xf32, #tpu.memory_space<vmem_shared>>) dst(%dma_wait3A_21 : memref<640x128xf32, #tpu.memory_space<hbm>>)
      tpu.yield
    }) : () -> ()
    return
  }
}

#map = affine_map<(d0, d1) -> (0, 0, 0, 0)>
#map1 = affine_map<(d0, d1) -> (0, 0, 0, 0, 0)>
#map2 = affine_map<(d0, d1) -> (0, 0)>
#map3 = affine_map<(d0, d1) -> (0, 0, 0)>
module attributes {stable_mosaic.version = 14 : i64} {
  func.func @_sc_edgestat_body(%arg0: i32, %arg1: i32, %arg2: memref<32x5x16x125xi32, #tpu.memory_space<hbm>>, %arg3: memref<32x5x16x125x16xf32, #tpu.memory_space<hbm>>, %arg4: memref<10240x16xf32, #tpu.memory_space<hbm>>, %arg5: memref<125x16xf32, #tpu.memory_space<hbm>>, %arg6: memref<2x10240x16xf32, #tpu.memory_space<hbm>>, %arg7: memref<2x10240x16xf32, #tpu.memory_space<hbm>>, %arg8: memref<16x125xi32, #tpu.memory_space<vmem>>, %arg9: memref<16x125x16xf32, #tpu.memory_space<vmem>>, %arg10: memref<125x16xf32, #tpu.memory_space<vmem>>, %arg11: memref<10240x16xf32, #tpu.memory_space<vmem_shared>>, %arg12: memref<10240x16xf32, #tpu.memory_space<vmem_shared>>, %arg13: memref<!tpu.dma_semaphore, #tpu.memory_space<semaphore_mem>>, %arg14: memref<!tpu.dma_semaphore, #tpu.memory_space<semaphore_mem>>) attributes {dimension_semantics = [#tpu.dimension_semantics<core_parallel>, #tpu.dimension_semantics<subcore_parallel>], iteration_bounds = array<i64: 2, 16>, scalar_prefetch = 0 : i64, scratch_operands = 7 : i64, tpu.core_type = #tpu.core_type<sc_vector_subcore>, window_params = [{transform_indices = #map}, {transform_indices = #map1}, {transform_indices = #map2}, {transform_indices = #map2}, {transform_indices = #map3}, {transform_indices = #map3}]} {
    %mul3A = arith.constant 2 : i32
    %mul3A_0 = arith.muli %arg1, %mul3A : i32
    %add3A = arith.addi %mul3A_0, %arg0 : i32
    %mul3A_1 = arith.constant 640 : i32
    %mul3A_2 = arith.muli %arg1, %mul3A_1 : i32
    "tpu.region"() ({
      %run_scoped3A = tpu.sem_alloc : memref<!tpu.dma_semaphore, #tpu.memory_space<semaphore_mem>>
      %dma_start3A = arith.constant 0 : i32
      %dma_start3A_9 = tpu.memref_slice %arg11[%mul3A_2, %dma_start3A] : memref<10240x16xf32, #tpu.memory_space<vmem_shared>> -> memref<640x16xf32, #tpu.memory_space<vmem_shared>>
      %dma_start3A_10 = arith.constant 0 : i32
      %dma_start3A_11 = tpu.memref_slice %arg4[%mul3A_2, %dma_start3A_10] : memref<10240x16xf32, #tpu.memory_space<hbm>> -> memref<640x16xf32, #tpu.memory_space<hbm>>
      tpu.enqueue_dma source(%dma_start3A_11 : memref<640x16xf32, #tpu.memory_space<hbm>>) target(%dma_start3A_9 : memref<640x16xf32, #tpu.memory_space<vmem_shared>>) target_semaphore(%run_scoped3A : memref<!tpu.dma_semaphore, #tpu.memory_space<semaphore_mem>>)
      %dma_wait3A = arith.constant 0 : i32
      %dma_wait3A_12 = tpu.memref_slice %arg11[%mul3A_2, %dma_wait3A] : memref<10240x16xf32, #tpu.memory_space<vmem_shared>> -> memref<640x16xf32, #tpu.memory_space<vmem_shared>>
      %dma_wait3A_13 = arith.constant 0 : i32
      %dma_wait3A_14 = tpu.memref_slice %arg4[%mul3A_2, %dma_wait3A_13] : memref<10240x16xf32, #tpu.memory_space<hbm>> -> memref<640x16xf32, #tpu.memory_space<hbm>>
      tpu.wait_dma2 semaphore(%run_scoped3A : memref<!tpu.dma_semaphore, #tpu.memory_space<semaphore_mem>>) src(%dma_wait3A_14 : memref<640x16xf32, #tpu.memory_space<hbm>>) dst(%dma_wait3A_12 : memref<640x16xf32, #tpu.memory_space<vmem_shared>>)
      tpu.yield
    }) : () -> ()
    "tpu.region"() ({
      %run_scoped3A = tpu.sem_alloc : memref<!tpu.dma_semaphore, #tpu.memory_space<semaphore_mem>>
      %dma_start3A = arith.constant 0 : i32
      %dma_start3A_9 = tpu.memref_slice %arg12[%mul3A_2, %dma_start3A] : memref<10240x16xf32, #tpu.memory_space<vmem_shared>> -> memref<640x16xf32, #tpu.memory_space<vmem_shared>>
      %dma_start3A_10 = arith.constant 0 : i32
      %dma_start3A_11 = tpu.memref_slice %arg4[%mul3A_2, %dma_start3A_10] : memref<10240x16xf32, #tpu.memory_space<hbm>> -> memref<640x16xf32, #tpu.memory_space<hbm>>
      tpu.enqueue_dma source(%dma_start3A_11 : memref<640x16xf32, #tpu.memory_space<hbm>>) target(%dma_start3A_9 : memref<640x16xf32, #tpu.memory_space<vmem_shared>>) target_semaphore(%run_scoped3A : memref<!tpu.dma_semaphore, #tpu.memory_space<semaphore_mem>>)
      %dma_wait3A = arith.constant 0 : i32
      %dma_wait3A_12 = tpu.memref_slice %arg12[%mul3A_2, %dma_wait3A] : memref<10240x16xf32, #tpu.memory_space<vmem_shared>> -> memref<640x16xf32, #tpu.memory_space<vmem_shared>>
      %dma_wait3A_13 = arith.constant 0 : i32
      %dma_wait3A_14 = tpu.memref_slice %arg4[%mul3A_2, %dma_wait3A_13] : memref<10240x16xf32, #tpu.memory_space<hbm>> -> memref<640x16xf32, #tpu.memory_space<hbm>>
      tpu.wait_dma2 semaphore(%run_scoped3A : memref<!tpu.dma_semaphore, #tpu.memory_space<semaphore_mem>>) src(%dma_wait3A_14 : memref<640x16xf32, #tpu.memory_space<hbm>>) dst(%dma_wait3A_12 : memref<640x16xf32, #tpu.memory_space<vmem_shared>>)
      tpu.yield
    }) : () -> ()
    "tpu.region"() ({
      %run_scoped3A = tpu.sem_alloc : memref<!tpu.dma_semaphore, #tpu.memory_space<semaphore_mem>>
      tpu.enqueue_dma source(%arg5 : memref<125x16xf32, #tpu.memory_space<hbm>>) target(%arg10 : memref<125x16xf32, #tpu.memory_space<vmem>>) target_semaphore(%run_scoped3A : memref<!tpu.dma_semaphore, #tpu.memory_space<semaphore_mem>>)
      tpu.wait_dma2 semaphore(%run_scoped3A : memref<!tpu.dma_semaphore, #tpu.memory_space<semaphore_mem>>) src(%arg5 : memref<125x16xf32, #tpu.memory_space<hbm>>) dst(%arg10 : memref<125x16xf32, #tpu.memory_space<vmem>>)
      tpu.yield
    }) : () -> ()
    %barrier3A = arith.constant 0 : index
    tpu.barrier barrier_id(%barrier3A)
    %scan3A = arith.constant 0 : i32
    %scan3A_3 = arith.constant 0 : i32
    %scan3A_4 = arith.constant 5 : i32
    %scan3A_5 = arith.addi %scan3A_3, %scan3A_4 : i32
    %scan3A_6 = arith.constant 1 : i32
    scf.for %scan3A_9 = %scan3A_3 to %scan3A_5 step %scan3A_6  : i32 {
      %dma_start3A = arith.constant 0 : i32
      %dma_start3A_10 = arith.constant 0 : i32
      %dma_start3A_11 = tpu.memref_slice %arg2[%add3A, %scan3A_9, %dma_start3A, %dma_start3A_10] : memref<32x5x16x125xi32, #tpu.memory_space<hbm>> -> memref<1x1x16x125xi32, #tpu.memory_space<hbm>>
      %dma_start3A_12 = tpu.memref_squeeze %dma_start3A_11 : memref<1x1x16x125xi32, #tpu.memory_space<hbm>> -> memref<16x125xi32, #tpu.memory_space<hbm>>
      %dma_start3A_13 = arith.constant 0 : i32
      %dma_start3A_14 = arith.constant 0 : i32
      %dma_start3A_15 = tpu.memref_slice %arg2[%add3A, %scan3A_9, %dma_start3A_13, %dma_start3A_14] : memref<32x5x16x125xi32, #tpu.memory_space<hbm>> -> memref<1x1x16x125xi32, #tpu.memory_space<hbm>>
      %dma_start3A_16 = tpu.memref_squeeze %dma_start3A_15 : memref<1x1x16x125xi32, #tpu.memory_space<hbm>> -> memref<16x125xi32, #tpu.memory_space<hbm>>
      tpu.enqueue_dma source(%dma_start3A_16 : memref<16x125xi32, #tpu.memory_space<hbm>>) target(%arg8 : memref<16x125xi32, #tpu.memory_space<vmem>>) target_semaphore(%arg13 : memref<!tpu.dma_semaphore, #tpu.memory_space<semaphore_mem>>)
      %dma_start3A_17 = arith.constant 0 : i32
      %dma_start3A_18 = arith.constant 0 : i32
      %dma_start3A_19 = arith.constant 0 : i32
      %dma_start3A_20 = tpu.memref_slice %arg3[%add3A, %scan3A_9, %dma_start3A_17, %dma_start3A_18, %dma_start3A_19] : memref<32x5x16x125x16xf32, #tpu.memory_space<hbm>> -> memref<1x1x16x125x16xf32, #tpu.memory_space<hbm>>
      %dma_start3A_21 = tpu.memref_squeeze %dma_start3A_20 : memref<1x1x16x125x16xf32, #tpu.memory_space<hbm>> -> memref<16x125x16xf32, #tpu.memory_space<hbm>>
      %dma_start3A_22 = arith.constant 0 : i32
      %dma_start3A_23 = arith.constant 0 : i32
      %dma_start3A_24 = arith.constant 0 : i32
      %dma_start3A_25 = tpu.memref_slice %arg3[%add3A, %scan3A_9, %dma_start3A_22, %dma_start3A_23, %dma_start3A_24] : memref<32x5x16x125x16xf32, #tpu.memory_space<hbm>> -> memref<1x1x16x125x16xf32, #tpu.memory_space<hbm>>
      %dma_start3A_26 = tpu.memref_squeeze %dma_start3A_25 : memref<1x1x16x125x16xf32, #tpu.memory_space<hbm>> -> memref<16x125x16xf32, #tpu.memory_space<hbm>>
      tpu.enqueue_dma source(%dma_start3A_26 : memref<16x125x16xf32, #tpu.memory_space<hbm>>) target(%arg9 : memref<16x125x16xf32, #tpu.memory_space<vmem>>) target_semaphore(%arg14 : memref<!tpu.dma_semaphore, #tpu.memory_space<semaphore_mem>>)
      %dma_wait3A = arith.constant 0 : i32
      %dma_wait3A_27 = arith.constant 0 : i32
      %dma_wait3A_28 = tpu.memref_slice %arg2[%add3A, %scan3A_9, %dma_wait3A, %dma_wait3A_27] : memref<32x5x16x125xi32, #tpu.memory_space<hbm>> -> memref<1x1x16x125xi32, #tpu.memory_space<hbm>>
      %dma_wait3A_29 = tpu.memref_squeeze %dma_wait3A_28 : memref<1x1x16x125xi32, #tpu.memory_space<hbm>> -> memref<16x125xi32, #tpu.memory_space<hbm>>
      %dma_wait3A_30 = arith.constant 0 : i32
      %dma_wait3A_31 = arith.constant 0 : i32
      %dma_wait3A_32 = tpu.memref_slice %arg2[%add3A, %scan3A_9, %dma_wait3A_30, %dma_wait3A_31] : memref<32x5x16x125xi32, #tpu.memory_space<hbm>> -> memref<1x1x16x125xi32, #tpu.memory_space<hbm>>
      %dma_wait3A_33 = tpu.memref_squeeze %dma_wait3A_32 : memref<1x1x16x125xi32, #tpu.memory_space<hbm>> -> memref<16x125xi32, #tpu.memory_space<hbm>>
      tpu.wait_dma2 semaphore(%arg13 : memref<!tpu.dma_semaphore, #tpu.memory_space<semaphore_mem>>) src(%dma_wait3A_33 : memref<16x125xi32, #tpu.memory_space<hbm>>) dst(%arg8 : memref<16x125xi32, #tpu.memory_space<vmem>>)
      %dma_wait3A_34 = arith.constant 0 : i32
      %dma_wait3A_35 = arith.constant 0 : i32
      %dma_wait3A_36 = arith.constant 0 : i32
      %dma_wait3A_37 = tpu.memref_slice %arg3[%add3A, %scan3A_9, %dma_wait3A_34, %dma_wait3A_35, %dma_wait3A_36] : memref<32x5x16x125x16xf32, #tpu.memory_space<hbm>> -> memref<1x1x16x125x16xf32, #tpu.memory_space<hbm>>
      %dma_wait3A_38 = tpu.memref_squeeze %dma_wait3A_37 : memref<1x1x16x125x16xf32, #tpu.memory_space<hbm>> -> memref<16x125x16xf32, #tpu.memory_space<hbm>>
      %dma_wait3A_39 = arith.constant 0 : i32
      %dma_wait3A_40 = arith.constant 0 : i32
      %dma_wait3A_41 = arith.constant 0 : i32
      %dma_wait3A_42 = tpu.memref_slice %arg3[%add3A, %scan3A_9, %dma_wait3A_39, %dma_wait3A_40, %dma_wait3A_41] : memref<32x5x16x125x16xf32, #tpu.memory_space<hbm>> -> memref<1x1x16x125x16xf32, #tpu.memory_space<hbm>>
      %dma_wait3A_43 = tpu.memref_squeeze %dma_wait3A_42 : memref<1x1x16x125x16xf32, #tpu.memory_space<hbm>> -> memref<16x125x16xf32, #tpu.memory_space<hbm>>
      tpu.wait_dma2 semaphore(%arg14 : memref<!tpu.dma_semaphore, #tpu.memory_space<semaphore_mem>>) src(%dma_wait3A_43 : memref<16x125x16xf32, #tpu.memory_space<hbm>>) dst(%arg9 : memref<16x125x16xf32, #tpu.memory_space<vmem>>)
      %scan3A_44 = arith.constant 0 : i32
      %scan3A_45 = arith.constant 16 : i32
      %scan3A_46 = arith.addi %scan3A_44, %scan3A_45 : i32
      %scan3A_47 = arith.constant 1 : i32
      scf.for %scan3A_54 = %scan3A_44 to %scan3A_46 step %scan3A_47  : i32 {
        %dma_start3A_55 = arith.constant 0 : i32
        %dma_start3A_56 = arith.constant 0 : i32
        %dma_start3A_57 = tpu.memref_slice %arg9[%scan3A_54, %dma_start3A_55, %dma_start3A_56] : memref<16x125x16xf32, #tpu.memory_space<vmem>> -> memref<1x125x16xf32, #tpu.memory_space<vmem>>
        %dma_start3A_58 = tpu.memref_squeeze %dma_start3A_57 : memref<1x125x16xf32, #tpu.memory_space<vmem>> -> memref<125x16xf32, #tpu.memory_space<vmem>>
        %dma_start3A_59 = arith.constant 0 : i32
        %dma_start3A_60 = tpu.memref_slice %arg8[%scan3A_54, %dma_start3A_59] : memref<16x125xi32, #tpu.memory_space<vmem>> -> memref<1x125xi32, #tpu.memory_space<vmem>>
        %dma_start3A_61 = tpu.memref_squeeze %dma_start3A_60 : memref<1x125xi32, #tpu.memory_space<vmem>> -> memref<125xi32, #tpu.memory_space<vmem>>
        %dma_start3A_62 = arith.constant 0 : i32
        %dma_start3A_63 = arith.constant 0 : i32
        %dma_start3A_64 = tpu.memref_slice %arg11[%dma_start3A_62, %dma_start3A_63] : memref<10240x16xf32, #tpu.memory_space<vmem_shared>> -> memref<10240x16xf32, #tpu.memory_space<vmem_shared>>
        tpu.enqueue_indirect_dma source(%dma_start3A_58 : memref<125x16xf32, #tpu.memory_space<vmem>>) target(%dma_start3A_64 : memref<10240x16xf32, #tpu.memory_space<vmem_shared>>) offsets(%dma_start3A_61 : memref<125xi32, #tpu.memory_space<vmem>>) semaphore(%arg13 : memref<!tpu.dma_semaphore, #tpu.memory_space<semaphore_mem>>) {add = true}
        %dma_start3A_65 = arith.constant 0 : i32
        %dma_start3A_66 = tpu.memref_slice %arg8[%scan3A_54, %dma_start3A_65] : memref<16x125xi32, #tpu.memory_space<vmem>> -> memref<1x125xi32, #tpu.memory_space<vmem>>
        %dma_start3A_67 = tpu.memref_squeeze %dma_start3A_66 : memref<1x125xi32, #tpu.memory_space<vmem>> -> memref<125xi32, #tpu.memory_space<vmem>>
        %dma_start3A_68 = arith.constant 0 : i32
        %dma_start3A_69 = arith.constant 0 : i32
        %dma_start3A_70 = tpu.memref_slice %arg12[%dma_start3A_68, %dma_start3A_69] : memref<10240x16xf32, #tpu.memory_space<vmem_shared>> -> memref<10240x16xf32, #tpu.memory_space<vmem_shared>>
        tpu.enqueue_indirect_dma source(%arg10 : memref<125x16xf32, #tpu.memory_space<vmem>>) target(%dma_start3A_70 : memref<10240x16xf32, #tpu.memory_space<vmem_shared>>) offsets(%dma_start3A_67 : memref<125xi32, #tpu.memory_space<vmem>>) semaphore(%arg14 : memref<!tpu.dma_semaphore, #tpu.memory_space<semaphore_mem>>) {add = true}
      }
      %scan3A_48 = arith.constant 16 : i32
      %scan3A_49 = arith.constant 0 : i32
      %scan3A_50 = arith.constant 16 : i32
      %scan3A_51 = arith.addi %scan3A_49, %scan3A_50 : i32
      %scan3A_52 = arith.constant 1 : i32
      scf.for %scan3A_54 = %scan3A_49 to %scan3A_51 step %scan3A_52  : i32 {
        %dma_wait3A_55 = arith.constant 0 : i32
        %dma_wait3A_56 = arith.constant 0 : i32
        %dma_wait3A_57 = arith.constant 0 : i32
        %dma_wait3A_58 = arith.constant 0 : i32
        %dma_wait3A_59 = tpu.memref_slice %arg9[%dma_wait3A_55, %dma_wait3A_57, %dma_wait3A_58] : memref<16x125x16xf32, #tpu.memory_space<vmem>> -> memref<1x125x16xf32, #tpu.memory_space<vmem>>
        %dma_wait3A_60 = tpu.memref_squeeze %dma_wait3A_59 : memref<1x125x16xf32, #tpu.memory_space<vmem>> -> memref<125x16xf32, #tpu.memory_space<vmem>>
        %dma_wait3A_61 = arith.constant 0 : i32
        %dma_wait3A_62 = tpu.memref_slice %arg8[%dma_wait3A_56, %dma_wait3A_61] : memref<16x125xi32, #tpu.memory_space<vmem>> -> memref<1x125xi32, #tpu.memory_space<vmem>>
        %dma_wait3A_63 = tpu.memref_squeeze %dma_wait3A_62 : memref<1x125xi32, #tpu.memory_space<vmem>> -> memref<125xi32, #tpu.memory_space<vmem>>
        %dma_wait3A_64 = arith.constant 0 : i32
        %dma_wait3A_65 = arith.constant 0 : i32
        %dma_wait3A_66 = tpu.memref_slice %arg11[%dma_wait3A_64, %dma_wait3A_65] : memref<10240x16xf32, #tpu.memory_space<vmem_shared>> -> memref<10240x16xf32, #tpu.memory_space<vmem_shared>>
        tpu.wait_indirect_dma semaphore(%arg13 : memref<!tpu.dma_semaphore, #tpu.memory_space<semaphore_mem>>) src(%dma_wait3A_60 : memref<125x16xf32, #tpu.memory_space<vmem>>) dst(%dma_wait3A_66 : memref<10240x16xf32, #tpu.memory_space<vmem_shared>>)
        %dma_wait3A_67 = arith.constant 0 : i32
        %dma_wait3A_68 = arith.constant 0 : i32
        %dma_wait3A_69 = tpu.memref_slice %arg8[%dma_wait3A_67, %dma_wait3A_68] : memref<16x125xi32, #tpu.memory_space<vmem>> -> memref<1x125xi32, #tpu.memory_space<vmem>>
        %dma_wait3A_70 = tpu.memref_squeeze %dma_wait3A_69 : memref<1x125xi32, #tpu.memory_space<vmem>> -> memref<125xi32, #tpu.memory_space<vmem>>
        %dma_wait3A_71 = arith.constant 0 : i32
        %dma_wait3A_72 = arith.constant 0 : i32
        %dma_wait3A_73 = tpu.memref_slice %arg12[%dma_wait3A_71, %dma_wait3A_72] : memref<10240x16xf32, #tpu.memory_space<vmem_shared>> -> memref<10240x16xf32, #tpu.memory_space<vmem_shared>>
        tpu.wait_indirect_dma semaphore(%arg14 : memref<!tpu.dma_semaphore, #tpu.memory_space<semaphore_mem>>) src(%arg10 : memref<125x16xf32, #tpu.memory_space<vmem>>) dst(%dma_wait3A_73 : memref<10240x16xf32, #tpu.memory_space<vmem_shared>>)
      }
      %scan3A_53 = arith.constant 16 : i32
    }
    %scan3A_7 = arith.constant 5 : i32
    %barrier3A_8 = arith.constant 0 : index
    tpu.barrier barrier_id(%barrier3A_8)
    "tpu.region"() ({
      %run_scoped3A = tpu.sem_alloc : memref<!tpu.dma_semaphore, #tpu.memory_space<semaphore_mem>>
      %dma_start3A = arith.constant 0 : i32
      %dma_start3A_9 = tpu.memref_slice %arg6[%arg0, %mul3A_2, %dma_start3A] : memref<2x10240x16xf32, #tpu.memory_space<hbm>> -> memref<1x640x16xf32, #tpu.memory_space<hbm>>
      %dma_start3A_10 = tpu.memref_squeeze %dma_start3A_9 : memref<1x640x16xf32, #tpu.memory_space<hbm>> -> memref<640x16xf32, #tpu.memory_space<hbm>>
      %dma_start3A_11 = arith.constant 0 : i32
      %dma_start3A_12 = tpu.memref_slice %arg11[%mul3A_2, %dma_start3A_11] : memref<10240x16xf32, #tpu.memory_space<vmem_shared>> -> memref<640x16xf32, #tpu.memory_space<vmem_shared>>
      tpu.enqueue_dma source(%dma_start3A_12 : memref<640x16xf32, #tpu.memory_space<vmem_shared>>) target(%dma_start3A_10 : memref<640x16xf32, #tpu.memory_space<hbm>>) target_semaphore(%run_scoped3A : memref<!tpu.dma_semaphore, #tpu.memory_space<semaphore_mem>>)
      %dma_wait3A = arith.constant 0 : i32
      %dma_wait3A_13 = tpu.memref_slice %arg6[%arg0, %mul3A_2, %dma_wait3A] : memref<2x10240x16xf32, #tpu.memory_space<hbm>> -> memref<1x640x16xf32, #tpu.memory_space<hbm>>
      %dma_wait3A_14 = tpu.memref_squeeze %dma_wait3A_13 : memref<1x640x16xf32, #tpu.memory_space<hbm>> -> memref<640x16xf32, #tpu.memory_space<hbm>>
      %dma_wait3A_15 = arith.constant 0 : i32
      %dma_wait3A_16 = tpu.memref_slice %arg11[%mul3A_2, %dma_wait3A_15] : memref<10240x16xf32, #tpu.memory_space<vmem_shared>> -> memref<640x16xf32, #tpu.memory_space<vmem_shared>>
      tpu.wait_dma2 semaphore(%run_scoped3A : memref<!tpu.dma_semaphore, #tpu.memory_space<semaphore_mem>>) src(%dma_wait3A_16 : memref<640x16xf32, #tpu.memory_space<vmem_shared>>) dst(%dma_wait3A_14 : memref<640x16xf32, #tpu.memory_space<hbm>>)
      tpu.yield
    }) : () -> ()
    "tpu.region"() ({
      %run_scoped3A = tpu.sem_alloc : memref<!tpu.dma_semaphore, #tpu.memory_space<semaphore_mem>>
      %dma_start3A = arith.constant 0 : i32
      %dma_start3A_9 = tpu.memref_slice %arg7[%arg0, %mul3A_2, %dma_start3A] : memref<2x10240x16xf32, #tpu.memory_space<hbm>> -> memref<1x640x16xf32, #tpu.memory_space<hbm>>
      %dma_start3A_10 = tpu.memref_squeeze %dma_start3A_9 : memref<1x640x16xf32, #tpu.memory_space<hbm>> -> memref<640x16xf32, #tpu.memory_space<hbm>>
      %dma_start3A_11 = arith.constant 0 : i32
      %dma_start3A_12 = tpu.memref_slice %arg12[%mul3A_2, %dma_start3A_11] : memref<10240x16xf32, #tpu.memory_space<vmem_shared>> -> memref<640x16xf32, #tpu.memory_space<vmem_shared>>
      tpu.enqueue_dma source(%dma_start3A_12 : memref<640x16xf32, #tpu.memory_space<vmem_shared>>) target(%dma_start3A_10 : memref<640x16xf32, #tpu.memory_space<hbm>>) target_semaphore(%run_scoped3A : memref<!tpu.dma_semaphore, #tpu.memory_space<semaphore_mem>>)
      %dma_wait3A = arith.constant 0 : i32
      %dma_wait3A_13 = tpu.memref_slice %arg7[%arg0, %mul3A_2, %dma_wait3A] : memref<2x10240x16xf32, #tpu.memory_space<hbm>> -> memref<1x640x16xf32, #tpu.memory_space<hbm>>
      %dma_wait3A_14 = tpu.memref_squeeze %dma_wait3A_13 : memref<1x640x16xf32, #tpu.memory_space<hbm>> -> memref<640x16xf32, #tpu.memory_space<hbm>>
      %dma_wait3A_15 = arith.constant 0 : i32
      %dma_wait3A_16 = tpu.memref_slice %arg12[%mul3A_2, %dma_wait3A_15] : memref<10240x16xf32, #tpu.memory_space<vmem_shared>> -> memref<640x16xf32, #tpu.memory_space<vmem_shared>>
      tpu.wait_dma2 semaphore(%run_scoped3A : memref<!tpu.dma_semaphore, #tpu.memory_space<semaphore_mem>>) src(%dma_wait3A_16 : memref<640x16xf32, #tpu.memory_space<vmem_shared>>) dst(%dma_wait3A_14 : memref<640x16xf32, #tpu.memory_space<hbm>>)
      tpu.yield
    }) : () -> ()
    return
  }
}

#map = affine_map<(d0, d1) -> (0, 0)>
#map1 = affine_map<(d0, d1) -> (0, 0, 0, 0)>
#map2 = affine_map<(d0, d1) -> (0, 0, 0)>
module attributes {stable_mosaic.version = 14 : i64} {
  func.func @_sc_spmm_body(%arg0: i32, %arg1: i32, %arg2: memref<10000x128xf32, #tpu.memory_space<hbm>>, %arg3: memref<32x5x25x80xi32, #tpu.memory_space<hbm>>, %arg4: memref<32x5x25x80xi32, #tpu.memory_space<hbm>>, %arg5: memref<80x128xf32, #tpu.memory_space<hbm>>, %arg6: memref<2x10240x128xf32, #tpu.memory_space<hbm>>, %arg7: memref<25x80xi32, #tpu.memory_space<vmem>>, %arg8: memref<25x80xi32, #tpu.memory_space<vmem>>, %arg9: memref<2x80x128xf32, #tpu.memory_space<vmem>>, %arg10: memref<10240x128xf32, #tpu.memory_space<vmem_shared>>, %arg11: memref<2x!tpu.dma_semaphore, #tpu.memory_space<semaphore_mem>>, %arg12: memref<2x!tpu.dma_semaphore, #tpu.memory_space<semaphore_mem>>) attributes {dimension_semantics = [#tpu.dimension_semantics<core_parallel>, #tpu.dimension_semantics<subcore_parallel>], iteration_bounds = array<i64: 2, 16>, scalar_prefetch = 0 : i64, scratch_operands = 6 : i64, tpu.core_type = #tpu.core_type<sc_vector_subcore>, window_params = [{transform_indices = #map}, {transform_indices = #map1}, {transform_indices = #map1}, {transform_indices = #map}, {transform_indices = #map2}]} {
    %mul3A = arith.constant 2 : i32
    %mul3A_0 = arith.muli %arg1, %mul3A : i32
    %add3A = arith.addi %mul3A_0, %arg0 : i32
    %mul3A_1 = arith.constant 640 : i32
    %mul3A_2 = arith.muli %arg1, %mul3A_1 : i32
    %run_scoped3A = arith.constant 0 : i32
    "tpu.region"() ({
      %run_scoped3A_15 = tpu.sem_alloc : memref<!tpu.dma_semaphore, #tpu.memory_space<semaphore_mem>>
      %dma_start3A = arith.constant 0 : i32
      %dma_start3A_16 = arith.constant 0 : i32
      %dma_start3A_17 = tpu.memref_slice %arg9[%run_scoped3A, %dma_start3A, %dma_start3A_16] : memref<2x80x128xf32, #tpu.memory_space<vmem>> -> memref<1x80x128xf32, #tpu.memory_space<vmem>>
      %dma_start3A_18 = tpu.memref_squeeze %dma_start3A_17 : memref<1x80x128xf32, #tpu.memory_space<vmem>> -> memref<80x128xf32, #tpu.memory_space<vmem>>
      %dma_start3A_19 = arith.constant 0 : i32
      %dma_start3A_20 = arith.constant 0 : i32
      %dma_start3A_21 = tpu.memref_slice %arg9[%run_scoped3A, %dma_start3A_19, %dma_start3A_20] : memref<2x80x128xf32, #tpu.memory_space<vmem>> -> memref<1x80x128xf32, #tpu.memory_space<vmem>>
      %dma_start3A_22 = tpu.memref_squeeze %dma_start3A_21 : memref<1x80x128xf32, #tpu.memory_space<vmem>> -> memref<80x128xf32, #tpu.memory_space<vmem>>
      tpu.enqueue_dma source(%arg5 : memref<80x128xf32, #tpu.memory_space<hbm>>) target(%dma_start3A_22 : memref<80x128xf32, #tpu.memory_space<vmem>>) target_semaphore(%run_scoped3A_15 : memref<!tpu.dma_semaphore, #tpu.memory_space<semaphore_mem>>)
      %dma_wait3A = arith.constant 0 : i32
      %dma_wait3A_23 = arith.constant 0 : i32
      %dma_wait3A_24 = tpu.memref_slice %arg9[%run_scoped3A, %dma_wait3A, %dma_wait3A_23] : memref<2x80x128xf32, #tpu.memory_space<vmem>> -> memref<1x80x128xf32, #tpu.memory_space<vmem>>
      %dma_wait3A_25 = tpu.memref_squeeze %dma_wait3A_24 : memref<1x80x128xf32, #tpu.memory_space<vmem>> -> memref<80x128xf32, #tpu.memory_space<vmem>>
      %dma_wait3A_26 = arith.constant 0 : i32
      %dma_wait3A_27 = arith.constant 0 : i32
      %dma_wait3A_28 = tpu.memref_slice %arg9[%run_scoped3A, %dma_wait3A_26, %dma_wait3A_27] : memref<2x80x128xf32, #tpu.memory_space<vmem>> -> memref<1x80x128xf32, #tpu.memory_space<vmem>>
      %dma_wait3A_29 = tpu.memref_squeeze %dma_wait3A_28 : memref<1x80x128xf32, #tpu.memory_space<vmem>> -> memref<80x128xf32, #tpu.memory_space<vmem>>
      tpu.wait_dma2 semaphore(%run_scoped3A_15 : memref<!tpu.dma_semaphore, #tpu.memory_space<semaphore_mem>>) src(%arg5 : memref<80x128xf32, #tpu.memory_space<hbm>>) dst(%dma_wait3A_29 : memref<80x128xf32, #tpu.memory_space<vmem>>)
      tpu.yield
    }) : () -> ()
    %scan3A = arith.constant 0 : i32
    %scan3A_3 = arith.constant 0 : i32
    %scan3A_4 = arith.constant 8 : i32
    %scan3A_5 = arith.addi %scan3A_3, %scan3A_4 : i32
    %scan3A_6 = arith.constant 1 : i32
    scf.for %scan3A_15 = %scan3A_3 to %scan3A_5 step %scan3A_6  : i32 {
      %mul3A_16 = arith.constant 80 : i32
      %mul3A_17 = arith.muli %scan3A_15, %mul3A_16 : i32
      %add3A_18 = arith.addi %mul3A_2, %mul3A_17 : i32
      %run_scoped3A_19 = arith.constant 0 : i32
      "tpu.region"() ({
        %run_scoped3A_20 = tpu.sem_alloc : memref<!tpu.dma_semaphore, #tpu.memory_space<semaphore_mem>>
        %dma_start3A = arith.constant 0 : i32
        %dma_start3A_21 = arith.constant 0 : i32
        %dma_start3A_22 = tpu.memref_slice %arg9[%run_scoped3A_19, %dma_start3A, %dma_start3A_21] : memref<2x80x128xf32, #tpu.memory_space<vmem>> -> memref<1x80x128xf32, #tpu.memory_space<vmem>>
        %dma_start3A_23 = tpu.memref_squeeze %dma_start3A_22 : memref<1x80x128xf32, #tpu.memory_space<vmem>> -> memref<80x128xf32, #tpu.memory_space<vmem>>
        %dma_start3A_24 = arith.constant 0 : i32
        %dma_start3A_25 = tpu.memref_slice %arg10[%add3A_18, %dma_start3A_24] : memref<10240x128xf32, #tpu.memory_space<vmem_shared>> -> memref<80x128xf32, #tpu.memory_space<vmem_shared>>
        %dma_start3A_26 = arith.constant 0 : i32
        %dma_start3A_27 = tpu.memref_slice %arg10[%add3A_18, %dma_start3A_26] : memref<10240x128xf32, #tpu.memory_space<vmem_shared>> -> memref<80x128xf32, #tpu.memory_space<vmem_shared>>
        %dma_start3A_28 = arith.constant 0 : i32
        %dma_start3A_29 = arith.constant 0 : i32
        %dma_start3A_30 = tpu.memref_slice %arg9[%run_scoped3A_19, %dma_start3A_28, %dma_start3A_29] : memref<2x80x128xf32, #tpu.memory_space<vmem>> -> memref<1x80x128xf32, #tpu.memory_space<vmem>>
        %dma_start3A_31 = tpu.memref_squeeze %dma_start3A_30 : memref<1x80x128xf32, #tpu.memory_space<vmem>> -> memref<80x128xf32, #tpu.memory_space<vmem>>
        tpu.enqueue_dma source(%dma_start3A_31 : memref<80x128xf32, #tpu.memory_space<vmem>>) target(%dma_start3A_27 : memref<80x128xf32, #tpu.memory_space<vmem_shared>>) target_semaphore(%run_scoped3A_20 : memref<!tpu.dma_semaphore, #tpu.memory_space<semaphore_mem>>)
        %dma_wait3A = arith.constant 0 : i32
        %dma_wait3A_32 = arith.constant 0 : i32
        %dma_wait3A_33 = tpu.memref_slice %arg9[%run_scoped3A_19, %dma_wait3A, %dma_wait3A_32] : memref<2x80x128xf32, #tpu.memory_space<vmem>> -> memref<1x80x128xf32, #tpu.memory_space<vmem>>
        %dma_wait3A_34 = tpu.memref_squeeze %dma_wait3A_33 : memref<1x80x128xf32, #tpu.memory_space<vmem>> -> memref<80x128xf32, #tpu.memory_space<vmem>>
        %dma_wait3A_35 = arith.constant 0 : i32
        %dma_wait3A_36 = tpu.memref_slice %arg10[%add3A_18, %dma_wait3A_35] : memref<10240x128xf32, #tpu.memory_space<vmem_shared>> -> memref<80x128xf32, #tpu.memory_space<vmem_shared>>
        %dma_wait3A_37 = arith.constant 0 : i32
        %dma_wait3A_38 = tpu.memref_slice %arg10[%add3A_18, %dma_wait3A_37] : memref<10240x128xf32, #tpu.memory_space<vmem_shared>> -> memref<80x128xf32, #tpu.memory_space<vmem_shared>>
        %dma_wait3A_39 = arith.constant 0 : i32
        %dma_wait3A_40 = arith.constant 0 : i32
        %dma_wait3A_41 = tpu.memref_slice %arg9[%run_scoped3A_19, %dma_wait3A_39, %dma_wait3A_40] : memref<2x80x128xf32, #tpu.memory_space<vmem>> -> memref<1x80x128xf32, #tpu.memory_space<vmem>>
        %dma_wait3A_42 = tpu.memref_squeeze %dma_wait3A_41 : memref<1x80x128xf32, #tpu.memory_space<vmem>> -> memref<80x128xf32, #tpu.memory_space<vmem>>
        tpu.wait_dma2 semaphore(%run_scoped3A_20 : memref<!tpu.dma_semaphore, #tpu.memory_space<semaphore_mem>>) src(%dma_wait3A_42 : memref<80x128xf32, #tpu.memory_space<vmem>>) dst(%dma_wait3A_38 : memref<80x128xf32, #tpu.memory_space<vmem_shared>>)
        tpu.yield
      }) : () -> ()
    }
    %scan3A_7 = arith.constant 8 : i32
    %barrier3A = arith.constant 0 : index
    tpu.barrier barrier_id(%barrier3A)
    %scan3A_8 = arith.constant 0 : i32
    %scan3A_9 = arith.constant 0 : i32
    %scan3A_10 = arith.constant 5 : i32
    %scan3A_11 = arith.addi %scan3A_9, %scan3A_10 : i32
    %scan3A_12 = arith.constant 1 : i32
    scf.for %scan3A_15 = %scan3A_9 to %scan3A_11 step %scan3A_12  : i32 {
      %dma_start3A = arith.constant 0 : i32
      %dma_start3A_16 = arith.constant 0 : i32
      %dma_start3A_17 = arith.constant 0 : i32
      %dma_start3A_18 = tpu.memref_slice %arg3[%add3A, %scan3A_15, %dma_start3A_16, %dma_start3A_17] : memref<32x5x25x80xi32, #tpu.memory_space<hbm>> -> memref<1x1x25x80xi32, #tpu.memory_space<hbm>>
      %dma_start3A_19 = tpu.memref_squeeze %dma_start3A_18 : memref<1x1x25x80xi32, #tpu.memory_space<hbm>> -> memref<25x80xi32, #tpu.memory_space<hbm>>
      %dma_start3A_20 = tpu.memref_slice %arg11[%dma_start3A] : memref<2x!tpu.dma_semaphore, #tpu.memory_space<semaphore_mem>> -> memref<1x!tpu.dma_semaphore, #tpu.memory_space<semaphore_mem>>
      %dma_start3A_21 = tpu.memref_squeeze %dma_start3A_20 : memref<1x!tpu.dma_semaphore, #tpu.memory_space<semaphore_mem>> -> memref<!tpu.dma_semaphore, #tpu.memory_space<semaphore_mem>>
      %dma_start3A_22 = arith.constant 0 : i32
      %dma_start3A_23 = arith.constant 0 : i32
      %dma_start3A_24 = tpu.memref_slice %arg3[%add3A, %scan3A_15, %dma_start3A_22, %dma_start3A_23] : memref<32x5x25x80xi32, #tpu.memory_space<hbm>> -> memref<1x1x25x80xi32, #tpu.memory_space<hbm>>
      %dma_start3A_25 = tpu.memref_squeeze %dma_start3A_24 : memref<1x1x25x80xi32, #tpu.memory_space<hbm>> -> memref<25x80xi32, #tpu.memory_space<hbm>>
      tpu.enqueue_dma source(%dma_start3A_25 : memref<25x80xi32, #tpu.memory_space<hbm>>) target(%arg7 : memref<25x80xi32, #tpu.memory_space<vmem>>) target_semaphore(%dma_start3A_21 : memref<!tpu.dma_semaphore, #tpu.memory_space<semaphore_mem>>)
      %dma_start3A_26 = arith.constant 1 : i32
      %dma_start3A_27 = arith.constant 0 : i32
      %dma_start3A_28 = arith.constant 0 : i32
      %dma_start3A_29 = tpu.memref_slice %arg4[%add3A, %scan3A_15, %dma_start3A_27, %dma_start3A_28] : memref<32x5x25x80xi32, #tpu.memory_space<hbm>> -> memref<1x1x25x80xi32, #tpu.memory_space<hbm>>
      %dma_start3A_30 = tpu.memref_squeeze %dma_start3A_29 : memref<1x1x25x80xi32, #tpu.memory_space<hbm>> -> memref<25x80xi32, #tpu.memory_space<hbm>>
      %dma_start3A_31 = tpu.memref_slice %arg11[%dma_start3A_26] : memref<2x!tpu.dma_semaphore, #tpu.memory_space<semaphore_mem>> -> memref<1x!tpu.dma_semaphore, #tpu.memory_space<semaphore_mem>>
      %dma_start3A_32 = tpu.memref_squeeze %dma_start3A_31 : memref<1x!tpu.dma_semaphore, #tpu.memory_space<semaphore_mem>> -> memref<!tpu.dma_semaphore, #tpu.memory_space<semaphore_mem>>
      %dma_start3A_33 = arith.constant 0 : i32
      %dma_start3A_34 = arith.constant 0 : i32
      %dma_start3A_35 = tpu.memref_slice %arg4[%add3A, %scan3A_15, %dma_start3A_33, %dma_start3A_34] : memref<32x5x25x80xi32, #tpu.memory_space<hbm>> -> memref<1x1x25x80xi32, #tpu.memory_space<hbm>>
      %dma_start3A_36 = tpu.memref_squeeze %dma_start3A_35 : memref<1x1x25x80xi32, #tpu.memory_space<hbm>> -> memref<25x80xi32, #tpu.memory_space<hbm>>
      tpu.enqueue_dma source(%dma_start3A_36 : memref<25x80xi32, #tpu.memory_space<hbm>>) target(%arg8 : memref<25x80xi32, #tpu.memory_space<vmem>>) target_semaphore(%dma_start3A_32 : memref<!tpu.dma_semaphore, #tpu.memory_space<semaphore_mem>>)
      %dma_wait3A = arith.constant 0 : i32
      %dma_wait3A_37 = arith.constant 0 : i32
      %dma_wait3A_38 = arith.constant 0 : i32
      %dma_wait3A_39 = tpu.memref_slice %arg3[%add3A, %scan3A_15, %dma_wait3A_37, %dma_wait3A_38] : memref<32x5x25x80xi32, #tpu.memory_space<hbm>> -> memref<1x1x25x80xi32, #tpu.memory_space<hbm>>
      %dma_wait3A_40 = tpu.memref_squeeze %dma_wait3A_39 : memref<1x1x25x80xi32, #tpu.memory_space<hbm>> -> memref<25x80xi32, #tpu.memory_space<hbm>>
      %dma_wait3A_41 = tpu.memref_slice %arg11[%dma_wait3A] : memref<2x!tpu.dma_semaphore, #tpu.memory_space<semaphore_mem>> -> memref<1x!tpu.dma_semaphore, #tpu.memory_space<semaphore_mem>>
      %dma_wait3A_42 = tpu.memref_squeeze %dma_wait3A_41 : memref<1x!tpu.dma_semaphore, #tpu.memory_space<semaphore_mem>> -> memref<!tpu.dma_semaphore, #tpu.memory_space<semaphore_mem>>
      %dma_wait3A_43 = arith.constant 0 : i32
      %dma_wait3A_44 = arith.constant 0 : i32
      %dma_wait3A_45 = tpu.memref_slice %arg3[%add3A, %scan3A_15, %dma_wait3A_43, %dma_wait3A_44] : memref<32x5x25x80xi32, #tpu.memory_space<hbm>> -> memref<1x1x25x80xi32, #tpu.memory_space<hbm>>
      %dma_wait3A_46 = tpu.memref_squeeze %dma_wait3A_45 : memref<1x1x25x80xi32, #tpu.memory_space<hbm>> -> memref<25x80xi32, #tpu.memory_space<hbm>>
      tpu.wait_dma2 semaphore(%dma_wait3A_42 : memref<!tpu.dma_semaphore, #tpu.memory_space<semaphore_mem>>) src(%dma_wait3A_46 : memref<25x80xi32, #tpu.memory_space<hbm>>) dst(%arg7 : memref<25x80xi32, #tpu.memory_space<vmem>>)
      %dma_wait3A_47 = arith.constant 1 : i32
      %dma_wait3A_48 = arith.constant 0 : i32
      %dma_wait3A_49 = arith.constant 0 : i32
      %dma_wait3A_50 = tpu.memref_slice %arg4[%add3A, %scan3A_15, %dma_wait3A_48, %dma_wait3A_49] : memref<32x5x25x80xi32, #tpu.memory_space<hbm>> -> memref<1x1x25x80xi32, #tpu.memory_space<hbm>>
      %dma_wait3A_51 = tpu.memref_squeeze %dma_wait3A_50 : memref<1x1x25x80xi32, #tpu.memory_space<hbm>> -> memref<25x80xi32, #tpu.memory_space<hbm>>
      %dma_wait3A_52 = tpu.memref_slice %arg11[%dma_wait3A_47] : memref<2x!tpu.dma_semaphore, #tpu.memory_space<semaphore_mem>> -> memref<1x!tpu.dma_semaphore, #tpu.memory_space<semaphore_mem>>
      %dma_wait3A_53 = tpu.memref_squeeze %dma_wait3A_52 : memref<1x!tpu.dma_semaphore, #tpu.memory_space<semaphore_mem>> -> memref<!tpu.dma_semaphore, #tpu.memory_space<semaphore_mem>>
      %dma_wait3A_54 = arith.constant 0 : i32
      %dma_wait3A_55 = arith.constant 0 : i32
      %dma_wait3A_56 = tpu.memref_slice %arg4[%add3A, %scan3A_15, %dma_wait3A_54, %dma_wait3A_55] : memref<32x5x25x80xi32, #tpu.memory_space<hbm>> -> memref<1x1x25x80xi32, #tpu.memory_space<hbm>>
      %dma_wait3A_57 = tpu.memref_squeeze %dma_wait3A_56 : memref<1x1x25x80xi32, #tpu.memory_space<hbm>> -> memref<25x80xi32, #tpu.memory_space<hbm>>
      tpu.wait_dma2 semaphore(%dma_wait3A_53 : memref<!tpu.dma_semaphore, #tpu.memory_space<semaphore_mem>>) src(%dma_wait3A_57 : memref<25x80xi32, #tpu.memory_space<hbm>>) dst(%arg8 : memref<25x80xi32, #tpu.memory_space<vmem>>)
      %dma_start3A_58 = arith.constant 0 : i32
      %dma_start3A_59 = arith.constant 0 : i32
      %dma_start3A_60 = arith.constant 0 : i32
      %dma_start3A_61 = arith.constant 0 : i32
      %dma_start3A_62 = arith.constant 0 : i32
      %dma_start3A_63 = tpu.memref_slice %arg9[%dma_start3A_59, %dma_start3A_61, %dma_start3A_62] : memref<2x80x128xf32, #tpu.memory_space<vmem>> -> memref<1x80x128xf32, #tpu.memory_space<vmem>>
      %dma_start3A_64 = tpu.memref_squeeze %dma_start3A_63 : memref<1x80x128xf32, #tpu.memory_space<vmem>> -> memref<80x128xf32, #tpu.memory_space<vmem>>
      %dma_start3A_65 = arith.constant 0 : i32
      %dma_start3A_66 = tpu.memref_slice %arg7[%dma_start3A_58, %dma_start3A_65] : memref<25x80xi32, #tpu.memory_space<vmem>> -> memref<1x80xi32, #tpu.memory_space<vmem>>
      %dma_start3A_67 = tpu.memref_squeeze %dma_start3A_66 : memref<1x80xi32, #tpu.memory_space<vmem>> -> memref<80xi32, #tpu.memory_space<vmem>>
      %dma_start3A_68 = arith.constant 0 : i32
      %dma_start3A_69 = arith.constant 0 : i32
      %dma_start3A_70 = tpu.memref_slice %arg2[%dma_start3A_68, %dma_start3A_69] : memref<10000x128xf32, #tpu.memory_space<hbm>> -> memref<10000x128xf32, #tpu.memory_space<hbm>>
      %dma_start3A_71 = tpu.memref_slice %arg11[%dma_start3A_60] : memref<2x!tpu.dma_semaphore, #tpu.memory_space<semaphore_mem>> -> memref<1x!tpu.dma_semaphore, #tpu.memory_space<semaphore_mem>>
      %dma_start3A_72 = tpu.memref_squeeze %dma_start3A_71 : memref<1x!tpu.dma_semaphore, #tpu.memory_space<semaphore_mem>> -> memref<!tpu.dma_semaphore, #tpu.memory_space<semaphore_mem>>
      tpu.enqueue_indirect_dma source(%dma_start3A_70 : memref<10000x128xf32, #tpu.memory_space<hbm>>) target(%dma_start3A_64 : memref<80x128xf32, #tpu.memory_space<vmem>>) offsets(%dma_start3A_67 : memref<80xi32, #tpu.memory_space<vmem>>) semaphore(%dma_start3A_72 : memref<!tpu.dma_semaphore, #tpu.memory_space<semaphore_mem>>)
      %dma_start3A_73 = arith.constant 1 : i32
      %dma_start3A_74 = arith.constant 1 : i32
      %dma_start3A_75 = arith.constant 1 : i32
      %dma_start3A_76 = arith.constant 0 : i32
      %dma_start3A_77 = arith.constant 0 : i32
      %dma_start3A_78 = tpu.memref_slice %arg9[%dma_start3A_74, %dma_start3A_76, %dma_start3A_77] : memref<2x80x128xf32, #tpu.memory_space<vmem>> -> memref<1x80x128xf32, #tpu.memory_space<vmem>>
      %dma_start3A_79 = tpu.memref_squeeze %dma_start3A_78 : memref<1x80x128xf32, #tpu.memory_space<vmem>> -> memref<80x128xf32, #tpu.memory_space<vmem>>
      %dma_start3A_80 = arith.constant 0 : i32
      %dma_start3A_81 = tpu.memref_slice %arg7[%dma_start3A_73, %dma_start3A_80] : memref<25x80xi32, #tpu.memory_space<vmem>> -> memref<1x80xi32, #tpu.memory_space<vmem>>
      %dma_start3A_82 = tpu.memref_squeeze %dma_start3A_81 : memref<1x80xi32, #tpu.memory_space<vmem>> -> memref<80xi32, #tpu.memory_space<vmem>>
      %dma_start3A_83 = arith.constant 0 : i32
      %dma_start3A_84 = arith.constant 0 : i32
      %dma_start3A_85 = tpu.memref_slice %arg2[%dma_start3A_83, %dma_start3A_84] : memref<10000x128xf32, #tpu.memory_space<hbm>> -> memref<10000x128xf32, #tpu.memory_space<hbm>>
      %dma_start3A_86 = tpu.memref_slice %arg11[%dma_start3A_75] : memref<2x!tpu.dma_semaphore, #tpu.memory_space<semaphore_mem>> -> memref<1x!tpu.dma_semaphore, #tpu.memory_space<semaphore_mem>>
      %dma_start3A_87 = tpu.memref_squeeze %dma_start3A_86 : memref<1x!tpu.dma_semaphore, #tpu.memory_space<semaphore_mem>> -> memref<!tpu.dma_semaphore, #tpu.memory_space<semaphore_mem>>
      tpu.enqueue_indirect_dma source(%dma_start3A_85 : memref<10000x128xf32, #tpu.memory_space<hbm>>) target(%dma_start3A_79 : memref<80x128xf32, #tpu.memory_space<vmem>>) offsets(%dma_start3A_82 : memref<80xi32, #tpu.memory_space<vmem>>) semaphore(%dma_start3A_87 : memref<!tpu.dma_semaphore, #tpu.memory_space<semaphore_mem>>)
      %scan3A_88 = arith.constant 0 : i32
      %scan3A_89 = arith.constant 25 : i32
      %scan3A_90 = arith.addi %scan3A_88, %scan3A_89 : i32
      %scan3A_91 = arith.constant 1 : i32
      scf.for %scan3A_123 = %scan3A_88 to %scan3A_90 step %scan3A_91  : i32 {
        %rem3A = arith.constant 2 : i32
        %rem3A_124 = arith.remsi %scan3A_123, %rem3A : i32
        %dma_wait3A_125 = arith.constant 0 : i32
        %dma_wait3A_126 = arith.constant 0 : i32
        %dma_wait3A_127 = tpu.memref_slice %arg9[%rem3A_124, %dma_wait3A_125, %dma_wait3A_126] : memref<2x80x128xf32, #tpu.memory_space<vmem>> -> memref<1x80x128xf32, #tpu.memory_space<vmem>>
        %dma_wait3A_128 = tpu.memref_squeeze %dma_wait3A_127 : memref<1x80x128xf32, #tpu.memory_space<vmem>> -> memref<80x128xf32, #tpu.memory_space<vmem>>
        %dma_wait3A_129 = arith.constant 0 : i32
        %dma_wait3A_130 = tpu.memref_slice %arg7[%scan3A_123, %dma_wait3A_129] : memref<25x80xi32, #tpu.memory_space<vmem>> -> memref<1x80xi32, #tpu.memory_space<vmem>>
        %dma_wait3A_131 = tpu.memref_squeeze %dma_wait3A_130 : memref<1x80xi32, #tpu.memory_space<vmem>> -> memref<80xi32, #tpu.memory_space<vmem>>
        %dma_wait3A_132 = arith.constant 0 : i32
        %dma_wait3A_133 = arith.constant 0 : i32
        %dma_wait3A_134 = tpu.memref_slice %arg2[%dma_wait3A_132, %dma_wait3A_133] : memref<10000x128xf32, #tpu.memory_space<hbm>> -> memref<10000x128xf32, #tpu.memory_space<hbm>>
        %dma_wait3A_135 = tpu.memref_slice %arg11[%rem3A_124] : memref<2x!tpu.dma_semaphore, #tpu.memory_space<semaphore_mem>> -> memref<1x!tpu.dma_semaphore, #tpu.memory_space<semaphore_mem>>
        %dma_wait3A_136 = tpu.memref_squeeze %dma_wait3A_135 : memref<1x!tpu.dma_semaphore, #tpu.memory_space<semaphore_mem>> -> memref<!tpu.dma_semaphore, #tpu.memory_space<semaphore_mem>>
        tpu.wait_indirect_dma semaphore(%dma_wait3A_136 : memref<!tpu.dma_semaphore, #tpu.memory_space<semaphore_mem>>) src(%dma_wait3A_134 : memref<10000x128xf32, #tpu.memory_space<hbm>>) dst(%dma_wait3A_128 : memref<80x128xf32, #tpu.memory_space<vmem>>)
        %dma_start3A_137 = arith.constant 0 : i32
        %dma_start3A_138 = arith.constant 0 : i32
        %dma_start3A_139 = tpu.memref_slice %arg9[%rem3A_124, %dma_start3A_137, %dma_start3A_138] : memref<2x80x128xf32, #tpu.memory_space<vmem>> -> memref<1x80x128xf32, #tpu.memory_space<vmem>>
        %dma_start3A_140 = tpu.memref_squeeze %dma_start3A_139 : memref<1x80x128xf32, #tpu.memory_space<vmem>> -> memref<80x128xf32, #tpu.memory_space<vmem>>
        %dma_start3A_141 = arith.constant 0 : i32
        %dma_start3A_142 = tpu.memref_slice %arg8[%scan3A_123, %dma_start3A_141] : memref<25x80xi32, #tpu.memory_space<vmem>> -> memref<1x80xi32, #tpu.memory_space<vmem>>
        %dma_start3A_143 = tpu.memref_squeeze %dma_start3A_142 : memref<1x80xi32, #tpu.memory_space<vmem>> -> memref<80xi32, #tpu.memory_space<vmem>>
        %dma_start3A_144 = arith.constant 0 : i32
        %dma_start3A_145 = arith.constant 0 : i32
        %dma_start3A_146 = tpu.memref_slice %arg10[%dma_start3A_144, %dma_start3A_145] : memref<10240x128xf32, #tpu.memory_space<vmem_shared>> -> memref<10240x128xf32, #tpu.memory_space<vmem_shared>>
        %dma_start3A_147 = tpu.memref_slice %arg12[%rem3A_124] : memref<2x!tpu.dma_semaphore, #tpu.memory_space<semaphore_mem>> -> memref<1x!tpu.dma_semaphore, #tpu.memory_space<semaphore_mem>>
        %dma_start3A_148 = tpu.memref_squeeze %dma_start3A_147 : memref<1x!tpu.dma_semaphore, #tpu.memory_space<semaphore_mem>> -> memref<!tpu.dma_semaphore, #tpu.memory_space<semaphore_mem>>
        tpu.enqueue_indirect_dma source(%dma_start3A_140 : memref<80x128xf32, #tpu.memory_space<vmem>>) target(%dma_start3A_146 : memref<10240x128xf32, #tpu.memory_space<vmem_shared>>) offsets(%dma_start3A_143 : memref<80xi32, #tpu.memory_space<vmem>>) semaphore(%dma_start3A_148 : memref<!tpu.dma_semaphore, #tpu.memory_space<semaphore_mem>>) {add = true}
        %add3A_149 = arith.constant 2 : i32
        %add3A_150 = arith.addi %scan3A_123, %add3A_149 : i32
        %lt3A = arith.constant 25 : i32
        %lt3A_151 = arith.cmpi slt, %add3A_150, %lt3A : i32
        %convert_element_type3A = arith.extui %lt3A_151 : i1 to i32
        %cond3A = arith.constant 0 : i32
        %cond3A_152 = arith.cmpi ne, %convert_element_type3A, %cond3A : i32
        scf.if %cond3A_152 {
          %dma_wait3A_153 = arith.constant 0 : i32
          %dma_wait3A_154 = arith.constant 0 : i32
          %dma_wait3A_155 = tpu.memref_slice %arg9[%rem3A_124, %dma_wait3A_153, %dma_wait3A_154] : memref<2x80x128xf32, #tpu.memory_space<vmem>> -> memref<1x80x128xf32, #tpu.memory_space<vmem>>
          %dma_wait3A_156 = tpu.memref_squeeze %dma_wait3A_155 : memref<1x80x128xf32, #tpu.memory_space<vmem>> -> memref<80x128xf32, #tpu.memory_space<vmem>>
          %dma_wait3A_157 = arith.constant 0 : i32
          %dma_wait3A_158 = tpu.memref_slice %arg8[%scan3A_123, %dma_wait3A_157] : memref<25x80xi32, #tpu.memory_space<vmem>> -> memref<1x80xi32, #tpu.memory_space<vmem>>
          %dma_wait3A_159 = tpu.memref_squeeze %dma_wait3A_158 : memref<1x80xi32, #tpu.memory_space<vmem>> -> memref<80xi32, #tpu.memory_space<vmem>>
          %dma_wait3A_160 = arith.constant 0 : i32
          %dma_wait3A_161 = arith.constant 0 : i32
          %dma_wait3A_162 = tpu.memref_slice %arg10[%dma_wait3A_160, %dma_wait3A_161] : memref<10240x128xf32, #tpu.memory_space<vmem_shared>> -> memref<10240x128xf32, #tpu.memory_space<vmem_shared>>
          %dma_wait3A_163 = tpu.memref_slice %arg12[%rem3A_124] : memref<2x!tpu.dma_semaphore, #tpu.memory_space<semaphore_mem>> -> memref<1x!tpu.dma_semaphore, #tpu.memory_space<semaphore_mem>>
          %dma_wait3A_164 = tpu.memref_squeeze %dma_wait3A_163 : memref<1x!tpu.dma_semaphore, #tpu.memory_space<semaphore_mem>> -> memref<!tpu.dma_semaphore, #tpu.memory_space<semaphore_mem>>
          tpu.wait_indirect_dma semaphore(%dma_wait3A_164 : memref<!tpu.dma_semaphore, #tpu.memory_space<semaphore_mem>>) src(%dma_wait3A_156 : memref<80x128xf32, #tpu.memory_space<vmem>>) dst(%dma_wait3A_162 : memref<10240x128xf32, #tpu.memory_space<vmem_shared>>)
          %add3A_165 = arith.constant 2 : i32
          %add3A_166 = arith.addi %scan3A_123, %add3A_165 : i32
          %dma_start3A_167 = arith.constant 0 : i32
          %dma_start3A_168 = arith.constant 0 : i32
          %dma_start3A_169 = tpu.memref_slice %arg9[%rem3A_124, %dma_start3A_167, %dma_start3A_168] : memref<2x80x128xf32, #tpu.memory_space<vmem>> -> memref<1x80x128xf32, #tpu.memory_space<vmem>>
          %dma_start3A_170 = tpu.memref_squeeze %dma_start3A_169 : memref<1x80x128xf32, #tpu.memory_space<vmem>> -> memref<80x128xf32, #tpu.memory_space<vmem>>
          %dma_start3A_171 = arith.constant 0 : i32
          %dma_start3A_172 = tpu.memref_slice %arg7[%add3A_166, %dma_start3A_171] : memref<25x80xi32, #tpu.memory_space<vmem>> -> memref<1x80xi32, #tpu.memory_space<vmem>>
          %dma_start3A_173 = tpu.memref_squeeze %dma_start3A_172 : memref<1x80xi32, #tpu.memory_space<vmem>> -> memref<80xi32, #tpu.memory_space<vmem>>
          %dma_start3A_174 = arith.constant 0 : i32
          %dma_start3A_175 = arith.constant 0 : i32
          %dma_start3A_176 = tpu.memref_slice %arg2[%dma_start3A_174, %dma_start3A_175] : memref<10000x128xf32, #tpu.memory_space<hbm>> -> memref<10000x128xf32, #tpu.memory_space<hbm>>
          %dma_start3A_177 = tpu.memref_slice %arg11[%rem3A_124] : memref<2x!tpu.dma_semaphore, #tpu.memory_space<semaphore_mem>> -> memref<1x!tpu.dma_semaphore, #tpu.memory_space<semaphore_mem>>
          %dma_start3A_178 = tpu.memref_squeeze %dma_start3A_177 : memref<1x!tpu.dma_semaphore, #tpu.memory_space<semaphore_mem>> -> memref<!tpu.dma_semaphore, #tpu.memory_space<semaphore_mem>>
          tpu.enqueue_indirect_dma source(%dma_start3A_176 : memref<10000x128xf32, #tpu.memory_space<hbm>>) target(%dma_start3A_170 : memref<80x128xf32, #tpu.memory_space<vmem>>) offsets(%dma_start3A_173 : memref<80xi32, #tpu.memory_space<vmem>>) semaphore(%dma_start3A_178 : memref<!tpu.dma_semaphore, #tpu.memory_space<semaphore_mem>>)
        } else {
        }
      }
      %scan3A_92 = arith.constant 25 : i32
      %dma_wait3A_93 = arith.constant 0 : i32
      %dma_wait3A_94 = arith.constant 0 : i32
      %dma_wait3A_95 = arith.constant 0 : i32
      %dma_wait3A_96 = arith.constant 0 : i32
      %dma_wait3A_97 = arith.constant 0 : i32
      %dma_wait3A_98 = tpu.memref_slice %arg9[%dma_wait3A_93, %dma_wait3A_96, %dma_wait3A_97] : memref<2x80x128xf32, #tpu.memory_space<vmem>> -> memref<1x80x128xf32, #tpu.memory_space<vmem>>
      %dma_wait3A_99 = tpu.memref_squeeze %dma_wait3A_98 : memref<1x80x128xf32, #tpu.memory_space<vmem>> -> memref<80x128xf32, #tpu.memory_space<vmem>>
      %dma_wait3A_100 = arith.constant 0 : i32
      %dma_wait3A_101 = tpu.memref_slice %arg8[%dma_wait3A_94, %dma_wait3A_100] : memref<25x80xi32, #tpu.memory_space<vmem>> -> memref<1x80xi32, #tpu.memory_space<vmem>>
      %dma_wait3A_102 = tpu.memref_squeeze %dma_wait3A_101 : memref<1x80xi32, #tpu.memory_space<vmem>> -> memref<80xi32, #tpu.memory_space<vmem>>
      %dma_wait3A_103 = arith.constant 0 : i32
      %dma_wait3A_104 = arith.constant 0 : i32
      %dma_wait3A_105 = tpu.memref_slice %arg10[%dma_wait3A_103, %dma_wait3A_104] : memref<10240x128xf32, #tpu.memory_space<vmem_shared>> -> memref<10240x128xf32, #tpu.memory_space<vmem_shared>>
      %dma_wait3A_106 = tpu.memref_slice %arg12[%dma_wait3A_95] : memref<2x!tpu.dma_semaphore, #tpu.memory_space<semaphore_mem>> -> memref<1x!tpu.dma_semaphore, #tpu.memory_space<semaphore_mem>>
      %dma_wait3A_107 = tpu.memref_squeeze %dma_wait3A_106 : memref<1x!tpu.dma_semaphore, #tpu.memory_space<semaphore_mem>> -> memref<!tpu.dma_semaphore, #tpu.memory_space<semaphore_mem>>
      tpu.wait_indirect_dma semaphore(%dma_wait3A_107 : memref<!tpu.dma_semaphore, #tpu.memory_space<semaphore_mem>>) src(%dma_wait3A_99 : memref<80x128xf32, #tpu.memory_space<vmem>>) dst(%dma_wait3A_105 : memref<10240x128xf32, #tpu.memory_space<vmem_shared>>)
      %dma_wait3A_108 = arith.constant 1 : i32
      %dma_wait3A_109 = arith.constant 1 : i32
      %dma_wait3A_110 = arith.constant 1 : i32
      %dma_wait3A_111 = arith.constant 0 : i32
      %dma_wait3A_112 = arith.constant 0 : i32
      %dma_wait3A_113 = tpu.memref_slice %arg9[%dma_wait3A_108, %dma_wait3A_111, %dma_wait3A_112] : memref<2x80x128xf32, #tpu.memory_space<vmem>> -> memref<1x80x128xf32, #tpu.memory_space<vmem>>
      %dma_wait3A_114 = tpu.memref_squeeze %dma_wait3A_113 : memref<1x80x128xf32, #tpu.memory_space<vmem>> -> memref<80x128xf32, #tpu.memory_space<vmem>>
      %dma_wait3A_115 = arith.constant 0 : i32
      %dma_wait3A_116 = tpu.memref_slice %arg8[%dma_wait3A_109, %dma_wait3A_115] : memref<25x80xi32, #tpu.memory_space<vmem>> -> memref<1x80xi32, #tpu.memory_space<vmem>>
      %dma_wait3A_117 = tpu.memref_squeeze %dma_wait3A_116 : memref<1x80xi32, #tpu.memory_space<vmem>> -> memref<80xi32, #tpu.memory_space<vmem>>
      %dma_wait3A_118 = arith.constant 0 : i32
      %dma_wait3A_119 = arith.constant 0 : i32
      %dma_wait3A_120 = tpu.memref_slice %arg10[%dma_wait3A_118, %dma_wait3A_119] : memref<10240x128xf32, #tpu.memory_space<vmem_shared>> -> memref<10240x128xf32, #tpu.memory_space<vmem_shared>>
      %dma_wait3A_121 = tpu.memref_slice %arg12[%dma_wait3A_110] : memref<2x!tpu.dma_semaphore, #tpu.memory_space<semaphore_mem>> -> memref<1x!tpu.dma_semaphore, #tpu.memory_space<semaphore_mem>>
      %dma_wait3A_122 = tpu.memref_squeeze %dma_wait3A_121 : memref<1x!tpu.dma_semaphore, #tpu.memory_space<semaphore_mem>> -> memref<!tpu.dma_semaphore, #tpu.memory_space<semaphore_mem>>
      tpu.wait_indirect_dma semaphore(%dma_wait3A_122 : memref<!tpu.dma_semaphore, #tpu.memory_space<semaphore_mem>>) src(%dma_wait3A_114 : memref<80x128xf32, #tpu.memory_space<vmem>>) dst(%dma_wait3A_120 : memref<10240x128xf32, #tpu.memory_space<vmem_shared>>)
    }
    %scan3A_13 = arith.constant 5 : i32
    %barrier3A_14 = arith.constant 0 : index
    tpu.barrier barrier_id(%barrier3A_14)
    "tpu.region"() ({
      %run_scoped3A_15 = tpu.sem_alloc : memref<!tpu.dma_semaphore, #tpu.memory_space<semaphore_mem>>
      %dma_start3A = arith.constant 0 : i32
      %dma_start3A_16 = tpu.memref_slice %arg6[%arg0, %mul3A_2, %dma_start3A] : memref<2x10240x128xf32, #tpu.memory_space<hbm>> -> memref<1x640x128xf32, #tpu.memory_space<hbm>>
      %dma_start3A_17 = tpu.memref_squeeze %dma_start3A_16 : memref<1x640x128xf32, #tpu.memory_space<hbm>> -> memref<640x128xf32, #tpu.memory_space<hbm>>
      %dma_start3A_18 = arith.constant 0 : i32
      %dma_start3A_19 = tpu.memref_slice %arg10[%mul3A_2, %dma_start3A_18] : memref<10240x128xf32, #tpu.memory_space<vmem_shared>> -> memref<640x128xf32, #tpu.memory_space<vmem_shared>>
      tpu.enqueue_dma source(%dma_start3A_19 : memref<640x128xf32, #tpu.memory_space<vmem_shared>>) target(%dma_start3A_17 : memref<640x128xf32, #tpu.memory_space<hbm>>) target_semaphore(%run_scoped3A_15 : memref<!tpu.dma_semaphore, #tpu.memory_space<semaphore_mem>>)
      %dma_wait3A = arith.constant 0 : i32
      %dma_wait3A_20 = tpu.memref_slice %arg6[%arg0, %mul3A_2, %dma_wait3A] : memref<2x10240x128xf32, #tpu.memory_space<hbm>> -> memref<1x640x128xf32, #tpu.memory_space<hbm>>
      %dma_wait3A_21 = tpu.memref_squeeze %dma_wait3A_20 : memref<1x640x128xf32, #tpu.memory_space<hbm>> -> memref<640x128xf32, #tpu.memory_space<hbm>>
      %dma_wait3A_22 = arith.constant 0 : i32
      %dma_wait3A_23 = tpu.memref_slice %arg10[%mul3A_2, %dma_wait3A_22] : memref<10240x128xf32, #tpu.memory_space<vmem_shared>> -> memref<640x128xf32, #tpu.memory_space<vmem_shared>>
      tpu.wait_dma2 semaphore(%run_scoped3A_15 : memref<!tpu.dma_semaphore, #tpu.memory_space<semaphore_mem>>) src(%dma_wait3A_23 : memref<640x128xf32, #tpu.memory_space<vmem_shared>>) dst(%dma_wait3A_21 : memref<640x128xf32, #tpu.memory_space<hbm>>)
      tpu.yield
    }) : () -> ()
    return
  }
}

#map = affine_map<(d0, d1) -> (0)>
module attributes {stable_mosaic.version = 14 : i64} {
  func.func @_sc_edge_body(%arg0: i32, %arg1: i32, %arg2: memref<40000xf32, #tpu.memory_space<hbm>>, %arg3: memref<320000xi32, #tpu.memory_space<hbm>>, %arg4: memref<320000xi32, #tpu.memory_space<hbm>>, %arg5: memref<320000xf32, #tpu.memory_space<hbm>>, %arg6: memref<320000xf32, #tpu.memory_space<hbm>>, %arg7: memref<10000xi32, #tpu.memory_space<vmem>>, %arg8: memref<10000xi32, #tpu.memory_space<vmem>>, %arg9: memref<40000xf32, #tpu.memory_space<vmem>>, %arg10: memref<10000xf32, #tpu.memory_space<vmem>>, %arg11: memref<10000xf32, #tpu.memory_space<vmem>>, %arg12: memref<3x!tpu.dma_semaphore, #tpu.memory_space<semaphore_mem>>) attributes {dimension_semantics = [#tpu.dimension_semantics<core_parallel>, #tpu.dimension_semantics<subcore_parallel>], iteration_bounds = array<i64: 2, 16>, scalar_prefetch = 0 : i64, scratch_operands = 6 : i64, tpu.core_type = #tpu.core_type<sc_vector_subcore>, window_params = [{transform_indices = #map}, {transform_indices = #map}, {transform_indices = #map}, {transform_indices = #map}, {transform_indices = #map}]} {
    %mul3A = arith.constant 2 : i32
    %mul3A_0 = arith.muli %arg1, %mul3A : i32
    %add3A = arith.addi %mul3A_0, %arg0 : i32
    %mul3A_1 = arith.constant 10000 : i32
    %mul3A_2 = arith.muli %add3A, %mul3A_1 : i32
    %dma_start3A = arith.constant 0 : i32
    %dma_start3A_3 = tpu.memref_slice %arg12[%dma_start3A] : memref<3x!tpu.dma_semaphore, #tpu.memory_space<semaphore_mem>> -> memref<1x!tpu.dma_semaphore, #tpu.memory_space<semaphore_mem>>
    %dma_start3A_4 = tpu.memref_squeeze %dma_start3A_3 : memref<1x!tpu.dma_semaphore, #tpu.memory_space<semaphore_mem>> -> memref<!tpu.dma_semaphore, #tpu.memory_space<semaphore_mem>>
    tpu.enqueue_dma source(%arg2 : memref<40000xf32, #tpu.memory_space<hbm>>) target(%arg9 : memref<40000xf32, #tpu.memory_space<vmem>>) target_semaphore(%dma_start3A_4 : memref<!tpu.dma_semaphore, #tpu.memory_space<semaphore_mem>>)
    %dma_start3A_5 = arith.constant 1 : i32
    %dma_start3A_6 = tpu.memref_slice %arg3[%mul3A_2] : memref<320000xi32, #tpu.memory_space<hbm>> -> memref<10000xi32, #tpu.memory_space<hbm>>
    %dma_start3A_7 = tpu.memref_slice %arg12[%dma_start3A_5] : memref<3x!tpu.dma_semaphore, #tpu.memory_space<semaphore_mem>> -> memref<1x!tpu.dma_semaphore, #tpu.memory_space<semaphore_mem>>
    %dma_start3A_8 = tpu.memref_squeeze %dma_start3A_7 : memref<1x!tpu.dma_semaphore, #tpu.memory_space<semaphore_mem>> -> memref<!tpu.dma_semaphore, #tpu.memory_space<semaphore_mem>>
    %dma_start3A_9 = tpu.memref_slice %arg3[%mul3A_2] : memref<320000xi32, #tpu.memory_space<hbm>> -> memref<10000xi32, #tpu.memory_space<hbm>>
    tpu.enqueue_dma source(%dma_start3A_9 : memref<10000xi32, #tpu.memory_space<hbm>>) target(%arg7 : memref<10000xi32, #tpu.memory_space<vmem>>) target_semaphore(%dma_start3A_8 : memref<!tpu.dma_semaphore, #tpu.memory_space<semaphore_mem>>)
    %dma_start3A_10 = arith.constant 2 : i32
    %dma_start3A_11 = tpu.memref_slice %arg4[%mul3A_2] : memref<320000xi32, #tpu.memory_space<hbm>> -> memref<10000xi32, #tpu.memory_space<hbm>>
    %dma_start3A_12 = tpu.memref_slice %arg12[%dma_start3A_10] : memref<3x!tpu.dma_semaphore, #tpu.memory_space<semaphore_mem>> -> memref<1x!tpu.dma_semaphore, #tpu.memory_space<semaphore_mem>>
    %dma_start3A_13 = tpu.memref_squeeze %dma_start3A_12 : memref<1x!tpu.dma_semaphore, #tpu.memory_space<semaphore_mem>> -> memref<!tpu.dma_semaphore, #tpu.memory_space<semaphore_mem>>
    %dma_start3A_14 = tpu.memref_slice %arg4[%mul3A_2] : memref<320000xi32, #tpu.memory_space<hbm>> -> memref<10000xi32, #tpu.memory_space<hbm>>
    tpu.enqueue_dma source(%dma_start3A_14 : memref<10000xi32, #tpu.memory_space<hbm>>) target(%arg8 : memref<10000xi32, #tpu.memory_space<vmem>>) target_semaphore(%dma_start3A_13 : memref<!tpu.dma_semaphore, #tpu.memory_space<semaphore_mem>>)
    %dma_wait3A = arith.constant 0 : i32
    %dma_wait3A_15 = tpu.memref_slice %arg12[%dma_wait3A] : memref<3x!tpu.dma_semaphore, #tpu.memory_space<semaphore_mem>> -> memref<1x!tpu.dma_semaphore, #tpu.memory_space<semaphore_mem>>
    %dma_wait3A_16 = tpu.memref_squeeze %dma_wait3A_15 : memref<1x!tpu.dma_semaphore, #tpu.memory_space<semaphore_mem>> -> memref<!tpu.dma_semaphore, #tpu.memory_space<semaphore_mem>>
    tpu.wait_dma2 semaphore(%dma_wait3A_16 : memref<!tpu.dma_semaphore, #tpu.memory_space<semaphore_mem>>) src(%arg2 : memref<40000xf32, #tpu.memory_space<hbm>>) dst(%arg9 : memref<40000xf32, #tpu.memory_space<vmem>>)
    %dma_wait3A_17 = arith.constant 1 : i32
    %dma_wait3A_18 = tpu.memref_slice %arg3[%mul3A_2] : memref<320000xi32, #tpu.memory_space<hbm>> -> memref<10000xi32, #tpu.memory_space<hbm>>
    %dma_wait3A_19 = tpu.memref_slice %arg12[%dma_wait3A_17] : memref<3x!tpu.dma_semaphore, #tpu.memory_space<semaphore_mem>> -> memref<1x!tpu.dma_semaphore, #tpu.memory_space<semaphore_mem>>
    %dma_wait3A_20 = tpu.memref_squeeze %dma_wait3A_19 : memref<1x!tpu.dma_semaphore, #tpu.memory_space<semaphore_mem>> -> memref<!tpu.dma_semaphore, #tpu.memory_space<semaphore_mem>>
    %dma_wait3A_21 = tpu.memref_slice %arg3[%mul3A_2] : memref<320000xi32, #tpu.memory_space<hbm>> -> memref<10000xi32, #tpu.memory_space<hbm>>
    tpu.wait_dma2 semaphore(%dma_wait3A_20 : memref<!tpu.dma_semaphore, #tpu.memory_space<semaphore_mem>>) src(%dma_wait3A_21 : memref<10000xi32, #tpu.memory_space<hbm>>) dst(%arg7 : memref<10000xi32, #tpu.memory_space<vmem>>)
    %dma_wait3A_22 = arith.constant 2 : i32
    %dma_wait3A_23 = tpu.memref_slice %arg4[%mul3A_2] : memref<320000xi32, #tpu.memory_space<hbm>> -> memref<10000xi32, #tpu.memory_space<hbm>>
    %dma_wait3A_24 = tpu.memref_slice %arg12[%dma_wait3A_22] : memref<3x!tpu.dma_semaphore, #tpu.memory_space<semaphore_mem>> -> memref<1x!tpu.dma_semaphore, #tpu.memory_space<semaphore_mem>>
    %dma_wait3A_25 = tpu.memref_squeeze %dma_wait3A_24 : memref<1x!tpu.dma_semaphore, #tpu.memory_space<semaphore_mem>> -> memref<!tpu.dma_semaphore, #tpu.memory_space<semaphore_mem>>
    %dma_wait3A_26 = tpu.memref_slice %arg4[%mul3A_2] : memref<320000xi32, #tpu.memory_space<hbm>> -> memref<10000xi32, #tpu.memory_space<hbm>>
    tpu.wait_dma2 semaphore(%dma_wait3A_25 : memref<!tpu.dma_semaphore, #tpu.memory_space<semaphore_mem>>) src(%dma_wait3A_26 : memref<10000xi32, #tpu.memory_space<hbm>>) dst(%arg8 : memref<10000xi32, #tpu.memory_space<vmem>>)
    %scan3A = arith.constant 0 : i32
    %scan3A_27 = arith.constant 0 : i32
    %scan3A_28 = arith.constant 625 : i32
    %scan3A_29 = arith.addi %scan3A_27, %scan3A_28 : i32
    %scan3A_30 = arith.constant 1 : i32
    scf.for %scan3A_32 = %scan3A_27 to %scan3A_29 step %scan3A_30  : i32 {
      %mul3A_33 = arith.constant 16 : i32
      %mul3A_34 = arith.muli %scan3A_32, %mul3A_33 : i32
      %get3A = arith.index_cast %mul3A_34 : i32 to index
      %get3A_35 = tpu.vector_load %arg7[%get3A] {strides = array<i32>} : memref<10000xi32, #tpu.memory_space<vmem>>, vector<16xi32>,
      %mul3A_36 = arith.constant 4 : i32
      %mul3A_37 = vector.broadcast %mul3A_36 : i32 to vector<16xi32>
      %mul3A_38 = arith.muli %get3A_35, %mul3A_37 : vector<16xi32>
      %get3A_39 = arith.index_cast %mul3A_34 : i32 to index
      %get3A_40 = tpu.vector_load %arg8[%get3A_39] {strides = array<i32>} : memref<10000xi32, #tpu.memory_space<vmem>>, vector<16xi32>,
      %mul3A_41 = arith.constant 4 : i32
      %mul3A_42 = vector.broadcast %mul3A_41 : i32 to vector<16xi32>
      %mul3A_43 = arith.muli %get3A_40, %mul3A_42 : vector<16xi32>
      %gather3A = tpu.vector_load_idx %arg9[%mul3A_38] : memref<40000xf32, #tpu.memory_space<vmem>>[vector<16xi32>], vector<16xf32>,
      %add3A_44 = arith.constant 2 : i32
      %add3A_45 = vector.broadcast %add3A_44 : i32 to vector<16xi32>
      %add3A_46 = arith.addi %mul3A_43, %add3A_45 : vector<16xi32>
      %gather3A_47 = tpu.vector_load_idx %arg9[%add3A_46] : memref<40000xf32, #tpu.memory_space<vmem>>[vector<16xi32>], vector<16xf32>,
      %add3A_48 = arith.addf %gather3A, %gather3A_47 : vector<16xf32>
      %swap3A = arith.index_cast %mul3A_34 : i32 to index
      %swap3A_49 = tpu.vector_load %arg10[%swap3A] {strides = array<i32>} : memref<10000xf32, #tpu.memory_space<vmem>>, vector<16xf32>,
      tpu.vector_store %arg10[%swap3A], %add3A_48 {strides = array<i32>} : memref<10000xf32, #tpu.memory_space<vmem>>, vector<16xf32>,
      %add3A_50 = arith.constant 1 : i32
      %add3A_51 = vector.broadcast %add3A_50 : i32 to vector<16xi32>
      %add3A_52 = arith.addi %mul3A_38, %add3A_51 : vector<16xi32>
      %gather3A_53 = tpu.vector_load_idx %arg9[%add3A_52] : memref<40000xf32, #tpu.memory_space<vmem>>[vector<16xi32>], vector<16xf32>,
      %add3A_54 = arith.constant 3 : i32
      %add3A_55 = vector.broadcast %add3A_54 : i32 to vector<16xi32>
      %add3A_56 = arith.addi %mul3A_43, %add3A_55 : vector<16xi32>
      %gather3A_57 = tpu.vector_load_idx %arg9[%add3A_56] : memref<40000xf32, #tpu.memory_space<vmem>>[vector<16xi32>], vector<16xf32>,
      %add3A_58 = arith.addf %gather3A_53, %gather3A_57 : vector<16xf32>
      %swap3A_59 = arith.index_cast %mul3A_34 : i32 to index
      %swap3A_60 = tpu.vector_load %arg11[%swap3A_59] {strides = array<i32>} : memref<10000xf32, #tpu.memory_space<vmem>>, vector<16xf32>,
      tpu.vector_store %arg11[%swap3A_59], %add3A_58 {strides = array<i32>} : memref<10000xf32, #tpu.memory_space<vmem>>, vector<16xf32>,
    }
    %scan3A_31 = arith.constant 625 : i32
    "tpu.region"() ({
      %run_scoped3A = tpu.sem_alloc : memref<!tpu.dma_semaphore, #tpu.memory_space<semaphore_mem>>
      %dma_start3A_32 = tpu.memref_slice %arg5[%mul3A_2] : memref<320000xf32, #tpu.memory_space<hbm>> -> memref<10000xf32, #tpu.memory_space<hbm>>
      %dma_start3A_33 = tpu.memref_slice %arg5[%mul3A_2] : memref<320000xf32, #tpu.memory_space<hbm>> -> memref<10000xf32, #tpu.memory_space<hbm>>
      tpu.enqueue_dma source(%arg10 : memref<10000xf32, #tpu.memory_space<vmem>>) target(%dma_start3A_33 : memref<10000xf32, #tpu.memory_space<hbm>>) target_semaphore(%run_scoped3A : memref<!tpu.dma_semaphore, #tpu.memory_space<semaphore_mem>>)
      %dma_wait3A_34 = tpu.memref_slice %arg5[%mul3A_2] : memref<320000xf32, #tpu.memory_space<hbm>> -> memref<10000xf32, #tpu.memory_space<hbm>>
      %dma_wait3A_35 = tpu.memref_slice %arg5[%mul3A_2] : memref<320000xf32, #tpu.memory_space<hbm>> -> memref<10000xf32, #tpu.memory_space<hbm>>
      tpu.wait_dma2 semaphore(%run_scoped3A : memref<!tpu.dma_semaphore, #tpu.memory_space<semaphore_mem>>) src(%arg10 : memref<10000xf32, #tpu.memory_space<vmem>>) dst(%dma_wait3A_35 : memref<10000xf32, #tpu.memory_space<hbm>>)
      tpu.yield
    }) : () -> ()
    "tpu.region"() ({
      %run_scoped3A = tpu.sem_alloc : memref<!tpu.dma_semaphore, #tpu.memory_space<semaphore_mem>>
      %dma_start3A_32 = tpu.memref_slice %arg6[%mul3A_2] : memref<320000xf32, #tpu.memory_space<hbm>> -> memref<10000xf32, #tpu.memory_space<hbm>>
      %dma_start3A_33 = tpu.memref_slice %arg6[%mul3A_2] : memref<320000xf32, #tpu.memory_space<hbm>> -> memref<10000xf32, #tpu.memory_space<hbm>>
      tpu.enqueue_dma source(%arg11 : memref<10000xf32, #tpu.memory_space<vmem>>) target(%dma_start3A_33 : memref<10000xf32, #tpu.memory_space<hbm>>) target_semaphore(%run_scoped3A : memref<!tpu.dma_semaphore, #tpu.memory_space<semaphore_mem>>)
      %dma_wait3A_34 = tpu.memref_slice %arg6[%mul3A_2] : memref<320000xf32, #tpu.memory_space<hbm>> -> memref<10000xf32, #tpu.memory_space<hbm>>
      %dma_wait3A_35 = tpu.memref_slice %arg6[%mul3A_2] : memref<320000xf32, #tpu.memory_space<hbm>> -> memref<10000xf32, #tpu.memory_space<hbm>>
      tpu.wait_dma2 semaphore(%run_scoped3A : memref<!tpu.dma_semaphore, #tpu.memory_space<semaphore_mem>>) src(%arg11 : memref<10000xf32, #tpu.memory_space<vmem>>) dst(%dma_wait3A_35 : memref<10000xf32, #tpu.memory_space<hbm>>)
      tpu.yield
    }) : () -> ()
    return
  }
}

module attributes {stable_mosaic.version = 14 : i64} {
  func.func @_tc_layer1_body(%arg0: i32, %arg1: memref<2x2000x128xf32, #tpu.memory_space<vmem>>, %arg2: memref<2000x128xf32, #tpu.memory_space<vmem>>, %arg3: memref<2x2000x16xf32, #tpu.memory_space<vmem>>, %arg4: memref<2x2000x16xf32, #tpu.memory_space<vmem>>, %arg5: memref<144x128xf32, #tpu.memory_space<vmem>>, %arg6: memref<1x128xf32, #tpu.memory_space<vmem>>, %arg7: memref<256x128xf32, #tpu.memory_space<vmem>>, %arg8: memref<1x128xf32, #tpu.memory_space<vmem>>, %arg9: memref<2000x128xf32, #tpu.memory_space<vmem>>) attributes {dimension_semantics = [#tpu.dimension_semantics<arbitrary>], iteration_bounds = array<i64: 5>, scalar_prefetch = 0 : i64, scratch_operands = 0 : i64, tpu.core_type = #tpu.core_type<tc>, window_params = [{transform_indices = @transform_0, window_bounds = array<i64: 2, 2000, 128>}, {transform_indices = @transform_1, window_bounds = array<i64: 2000, 128>}, {transform_indices = @transform_2, window_bounds = array<i64: 2, 2000, 16>}, {transform_indices = @transform_3, window_bounds = array<i64: 2, 2000, 16>}, {pipeline_mode = #tpu.pipeline_mode<synchronous>, transform_indices = @transform_4, window_bounds = array<i64: 144, 128>}, {pipeline_mode = #tpu.pipeline_mode<synchronous>, transform_indices = @transform_5, window_bounds = array<i64: 1, 128>}, {pipeline_mode = #tpu.pipeline_mode<synchronous>, transform_indices = @transform_6, window_bounds = array<i64: 256, 128>}, {pipeline_mode = #tpu.pipeline_mode<synchronous>, transform_indices = @transform_7, window_bounds = array<i64: 1, 128>}, {transform_indices = @transform_8, window_bounds = array<i64: 2000, 128>}]} {
    %get3A = arith.constant 0 : index
    %get3A_0 = arith.constant 0 : index
    %get3A_1 = arith.constant 0 : index
    %get3A_2 = vector.load %arg1[%get3A, %get3A_0, %get3A_1] : memref<2x2000x128xf32, #tpu.memory_space<vmem>>, vector<1x2000x128xf32>
    %get3A_3 = vector.shape_cast %get3A_2 : vector<1x2000x128xf32> to vector<2000x128xf32>
    %get3A_4 = arith.constant 1 : index
    %get3A_5 = arith.constant 0 : index
    %get3A_6 = arith.constant 0 : index
    %get3A_7 = vector.load %arg1[%get3A_4, %get3A_5, %get3A_6] : memref<2x2000x128xf32, #tpu.memory_space<vmem>>, vector<1x2000x128xf32>
    %get3A_8 = vector.shape_cast %get3A_7 : vector<1x2000x128xf32> to vector<2000x128xf32>
    %add3A = arith.addf %get3A_3, %get3A_8 : vector<2000x128xf32>
    %get3A_9 = arith.constant 0 : index
    %get3A_10 = arith.constant 0 : index
    %get3A_11 = arith.constant 0 : index
    %get3A_12 = vector.load %arg3[%get3A_9, %get3A_10, %get3A_11] : memref<2x2000x16xf32, #tpu.memory_space<vmem>>, vector<1x2000x16xf32>
    %get3A_13 = vector.shape_cast %get3A_12 : vector<1x2000x16xf32> to vector<2000x16xf32>
    %get3A_14 = arith.constant 1 : index
    %get3A_15 = arith.constant 0 : index
    %get3A_16 = arith.constant 0 : index
    %get3A_17 = vector.load %arg3[%get3A_14, %get3A_15, %get3A_16] : memref<2x2000x16xf32, #tpu.memory_space<vmem>>, vector<1x2000x16xf32>
    %get3A_18 = vector.shape_cast %get3A_17 : vector<1x2000x16xf32> to vector<2000x16xf32>
    %add3A_19 = arith.addf %get3A_13, %get3A_18 : vector<2000x16xf32>
    %get3A_20 = arith.constant 0 : index
    %get3A_21 = arith.constant 0 : index
    %get3A_22 = arith.constant 0 : index
    %get3A_23 = vector.load %arg4[%get3A_20, %get3A_21, %get3A_22] : memref<2x2000x16xf32, #tpu.memory_space<vmem>>, vector<1x2000x16xf32>
    %get3A_24 = vector.shape_cast %get3A_23 : vector<1x2000x16xf32> to vector<2000x16xf32>
    %slice3A = vector.extract_strided_slice %get3A_24 {offsets = [0, 0], sizes = [2000, 1], strides = [1, 1]} : vector<2000x16xf32> to vector<2000x1xf32>
    %get3A_25 = arith.constant 1 : index
    %get3A_26 = arith.constant 0 : index
    %get3A_27 = arith.constant 0 : index
    %get3A_28 = vector.load %arg4[%get3A_25, %get3A_26, %get3A_27] : memref<2x2000x16xf32, #tpu.memory_space<vmem>>, vector<1x2000x16xf32>
    %get3A_29 = vector.shape_cast %get3A_28 : vector<1x2000x16xf32> to vector<2000x16xf32>
    %slice3A_30 = vector.extract_strided_slice %get3A_29 {offsets = [0, 0], sizes = [2000, 1], strides = [1, 1]} : vector<2000x16xf32> to vector<2000x1xf32>
    %add3A_31 = arith.addf %slice3A, %slice3A_30 : vector<2000x1xf32>
    %get3A_32 = arith.constant 0 : index
    %get3A_33 = arith.constant 0 : index
    %get3A_34 = vector.load %arg5[%get3A_32, %get3A_33] : memref<144x128xf32, #tpu.memory_space<vmem>>, vector<128x128xf32>
    %dot_general3A = arith.constant dense<0.000000e+00> : vector<2000x128xf32>
    %dot_general3A_35 = tpu.matmul %add3A, %get3A_34, %dot_general3A {dimension_numbers = #tpu.dot_dimension_numbers<[1], [0], [0], [1], [0, 0, 1, 1], [], []>, transpose_lhs_hint = false} : vector<2000x128xf32>, vector<128x128xf32>, vector<2000x128xf32> -> vector<2000x128xf32>
    %get3A_36 = arith.constant 128 : index
    %get3A_37 = arith.constant 0 : index
    %get3A_38 = vector.load %arg5[%get3A_36, %get3A_37] : memref<144x128xf32, #tpu.memory_space<vmem>>, vector<16x128xf32>
    %dot_general3A_39 = arith.constant dense<0.000000e+00> : vector<2000x128xf32>
    %dot_general3A_40 = tpu.matmul %add3A_19, %get3A_38, %dot_general3A_39 {dimension_numbers = #tpu.dot_dimension_numbers<[1], [0], [0], [1], [0, 0, 1, 1], [], []>, transpose_lhs_hint = false} : vector<2000x16xf32>, vector<16x128xf32>, vector<2000x128xf32> -> vector<2000x128xf32>
    %add3A_41 = arith.addf %dot_general3A_35, %dot_general3A_40 : vector<2000x128xf32>
    %get3A_42 = arith.constant 0 : index
    %get3A_43 = arith.constant 0 : index
    %get3A_44 = vector.load %arg6[%get3A_42, %get3A_43] : memref<1x128xf32, #tpu.memory_space<vmem>>, vector<1x128xf32>
    %mul3A = vector.broadcast %add3A_31 : vector<2000x1xf32> to vector<2000x128xf32>
    %mul3A_45 = vector.broadcast %get3A_44 : vector<1x128xf32> to vector<2000x128xf32>
    %mul3A_46 = arith.mulf %mul3A, %mul3A_45 : vector<2000x128xf32>
    %add3A_47 = arith.addf %add3A_41, %mul3A_46 : vector<2000x128xf32>
    %max3A = arith.constant 1.000000e+00 : f32
    %max3A_48 = vector.broadcast %max3A : f32 to vector<2000x1xf32>
    %max3A_49 = arith.maximumf %add3A_31, %max3A_48 : vector<2000x1xf32>
    %div3A = vector.broadcast %max3A_49 : vector<2000x1xf32> to vector<2000x128xf32>
    %div3A_50 = arith.divf %add3A_47, %div3A : vector<2000x128xf32>
    %get3A_51 = arith.constant 0 : index
    %get3A_52 = arith.constant 0 : index
    %get3A_53 = vector.load %arg2[%get3A_51, %get3A_52] : memref<2000x128xf32, #tpu.memory_space<vmem>>, vector<2000x128xf32>
    %get3A_54 = arith.constant 0 : index
    %get3A_55 = arith.constant 0 : index
    %get3A_56 = vector.load %arg7[%get3A_54, %get3A_55] : memref<256x128xf32, #tpu.memory_space<vmem>>, vector<128x128xf32>
    %dot_general3A_57 = arith.constant dense<0.000000e+00> : vector<2000x128xf32>
    %dot_general3A_58 = tpu.matmul %get3A_53, %get3A_56, %dot_general3A_57 {dimension_numbers = #tpu.dot_dimension_numbers<[1], [0], [0], [1], [0, 0, 1, 1], [], []>, transpose_lhs_hint = false} : vector<2000x128xf32>, vector<128x128xf32>, vector<2000x128xf32> -> vector<2000x128xf32>
    %get3A_59 = arith.constant 128 : index
    %get3A_60 = arith.constant 0 : index
    %get3A_61 = vector.load %arg7[%get3A_59, %get3A_60] : memref<256x128xf32, #tpu.memory_space<vmem>>, vector<128x128xf32>
    %dot_general3A_62 = arith.constant dense<0.000000e+00> : vector<2000x128xf32>
    %dot_general3A_63 = tpu.matmul %div3A_50, %get3A_61, %dot_general3A_62 {dimension_numbers = #tpu.dot_dimension_numbers<[1], [0], [0], [1], [0, 0, 1, 1], [], []>, transpose_lhs_hint = false} : vector<2000x128xf32>, vector<128x128xf32>, vector<2000x128xf32> -> vector<2000x128xf32>
    %add3A_64 = arith.addf %dot_general3A_58, %dot_general3A_63 : vector<2000x128xf32>
    %get3A_65 = arith.constant 0 : index
    %get3A_66 = arith.constant 0 : index
    %get3A_67 = vector.load %arg8[%get3A_65, %get3A_66] : memref<1x128xf32, #tpu.memory_space<vmem>>, vector<1x128xf32>
    %add3A_68 = vector.broadcast %get3A_67 : vector<1x128xf32> to vector<2000x128xf32>
    %add3A_69 = arith.addf %add3A_64, %add3A_68 : vector<2000x128xf32>
    %max3A_70 = arith.constant 0.000000e+00 : f32
    %max3A_71 = vector.broadcast %max3A_70 : f32 to vector<2000x128xf32>
    %max3A_72 = arith.maximumf %add3A_69, %max3A_71 : vector<2000x128xf32>
    %swap3A = arith.constant 0 : index
    %swap3A_73 = arith.constant 0 : index
    %swap3A_74 = vector.load %arg9[%swap3A, %swap3A_73] : memref<2000x128xf32, #tpu.memory_space<vmem>>, vector<2000x128xf32>
    tpu.vector_store %arg9[%swap3A, %swap3A_73], %max3A_72 {strides = array<i32>} : memref<2000x128xf32, #tpu.memory_space<vmem>>, vector<2000x128xf32>,
    return
  }
  func.func @transform_0(%arg0: i32) -> (i32, i32, i32) {
    %c0_i32 = arith.constant 0 : i32
    %c0_i32_0 = arith.constant 0 : i32
    %c0_i32_1 = arith.constant 0 : i32
    return %c0_i32, %arg0, %c0_i32_0 : i32, i32, i32
  }
  func.func @transform_1(%arg0: i32) -> (i32, i32) {
    %c0_i32 = arith.constant 0 : i32
    %c0_i32_0 = arith.constant 0 : i32
    return %arg0, %c0_i32 : i32, i32
  }
  func.func @transform_2(%arg0: i32) -> (i32, i32, i32) {
    %c0_i32 = arith.constant 0 : i32
    %c0_i32_0 = arith.constant 0 : i32
    %c0_i32_1 = arith.constant 0 : i32
    return %c0_i32, %arg0, %c0_i32_0 : i32, i32, i32
  }
  func.func @transform_3(%arg0: i32) -> (i32, i32, i32) {
    %c0_i32 = arith.constant 0 : i32
    %c0_i32_0 = arith.constant 0 : i32
    %c0_i32_1 = arith.constant 0 : i32
    return %c0_i32, %arg0, %c0_i32_0 : i32, i32, i32
  }
  func.func @transform_4(%arg0: i32) -> (i32, i32) {
    %c0_i32 = arith.constant 0 : i32
    %c0_i32_0 = arith.constant 0 : i32
    %c0_i32_1 = arith.constant 0 : i32
    return %c0_i32, %c0_i32_0 : i32, i32
  }
  func.func @transform_5(%arg0: i32) -> (i32, i32) {
    %c0_i32 = arith.constant 0 : i32
    %c0_i32_0 = arith.constant 0 : i32
    %c0_i32_1 = arith.constant 0 : i32
    return %c0_i32, %c0_i32_0 : i32, i32
  }
  func.func @transform_6(%arg0: i32) -> (i32, i32) {
    %c0_i32 = arith.constant 0 : i32
    %c0_i32_0 = arith.constant 0 : i32
    %c0_i32_1 = arith.constant 0 : i32
    return %c0_i32, %c0_i32_0 : i32, i32
  }
  func.func @transform_7(%arg0: i32) -> (i32, i32) {
    %c0_i32 = arith.constant 0 : i32
    %c0_i32_0 = arith.constant 0 : i32
    %c0_i32_1 = arith.constant 0 : i32
    return %c0_i32, %c0_i32_0 : i32, i32
  }
  func.func @transform_8(%arg0: i32) -> (i32, i32) {
    %c0_i32 = arith.constant 0 : i32
    %c0_i32_0 = arith.constant 0 : i32
    return %arg0, %c0_i32 : i32, i32
  }
}

module attributes {stable_mosaic.version = 14 : i64} {
  func.func @_tc_layer2_body(%arg0: i32, %arg1: memref<2x2000x128xf32, #tpu.memory_space<vmem>>, %arg2: memref<2000x128xf32, #tpu.memory_space<vmem>>, %arg3: memref<2x2000x16xf32, #tpu.memory_space<vmem>>, %arg4: memref<2x2000x16xf32, #tpu.memory_space<vmem>>, %arg5: memref<144x128xf32, #tpu.memory_space<vmem>>, %arg6: memref<1x128xf32, #tpu.memory_space<vmem>>, %arg7: memref<256x128xf32, #tpu.memory_space<vmem>>, %arg8: memref<1x128xf32, #tpu.memory_space<vmem>>, %arg9: memref<128x4xf32, #tpu.memory_space<vmem>>, %arg10: memref<1x4xf32, #tpu.memory_space<vmem>>, %arg11: memref<2000x4xf32, #tpu.memory_space<vmem>>) attributes {dimension_semantics = [#tpu.dimension_semantics<arbitrary>], iteration_bounds = array<i64: 5>, scalar_prefetch = 0 : i64, scratch_operands = 0 : i64, tpu.core_type = #tpu.core_type<tc>, window_params = [{transform_indices = @transform_0, window_bounds = array<i64: 2, 2000, 128>}, {transform_indices = @transform_1, window_bounds = array<i64: 2000, 128>}, {transform_indices = @transform_2, window_bounds = array<i64: 2, 2000, 16>}, {transform_indices = @transform_3, window_bounds = array<i64: 2, 2000, 16>}, {pipeline_mode = #tpu.pipeline_mode<synchronous>, transform_indices = @transform_4, window_bounds = array<i64: 144, 128>}, {pipeline_mode = #tpu.pipeline_mode<synchronous>, transform_indices = @transform_5, window_bounds = array<i64: 1, 128>}, {pipeline_mode = #tpu.pipeline_mode<synchronous>, transform_indices = @transform_6, window_bounds = array<i64: 256, 128>}, {pipeline_mode = #tpu.pipeline_mode<synchronous>, transform_indices = @transform_7, window_bounds = array<i64: 1, 128>}, {pipeline_mode = #tpu.pipeline_mode<synchronous>, transform_indices = @transform_8, window_bounds = array<i64: 128, 4>}, {pipeline_mode = #tpu.pipeline_mode<synchronous>, transform_indices = @transform_9, window_bounds = array<i64: 1, 4>}, {transform_indices = @transform_10, window_bounds = array<i64: 2000, 4>}]} {
    %get3A = arith.constant 0 : index
    %get3A_0 = arith.constant 0 : index
    %get3A_1 = arith.constant 0 : index
    %get3A_2 = vector.load %arg1[%get3A, %get3A_0, %get3A_1] : memref<2x2000x128xf32, #tpu.memory_space<vmem>>, vector<1x2000x128xf32>
    %get3A_3 = vector.shape_cast %get3A_2 : vector<1x2000x128xf32> to vector<2000x128xf32>
    %get3A_4 = arith.constant 1 : index
    %get3A_5 = arith.constant 0 : index
    %get3A_6 = arith.constant 0 : index
    %get3A_7 = vector.load %arg1[%get3A_4, %get3A_5, %get3A_6] : memref<2x2000x128xf32, #tpu.memory_space<vmem>>, vector<1x2000x128xf32>
    %get3A_8 = vector.shape_cast %get3A_7 : vector<1x2000x128xf32> to vector<2000x128xf32>
    %add3A = arith.addf %get3A_3, %get3A_8 : vector<2000x128xf32>
    %get3A_9 = arith.constant 0 : index
    %get3A_10 = arith.constant 0 : index
    %get3A_11 = arith.constant 0 : index
    %get3A_12 = vector.load %arg3[%get3A_9, %get3A_10, %get3A_11] : memref<2x2000x16xf32, #tpu.memory_space<vmem>>, vector<1x2000x16xf32>
    %get3A_13 = vector.shape_cast %get3A_12 : vector<1x2000x16xf32> to vector<2000x16xf32>
    %get3A_14 = arith.constant 1 : index
    %get3A_15 = arith.constant 0 : index
    %get3A_16 = arith.constant 0 : index
    %get3A_17 = vector.load %arg3[%get3A_14, %get3A_15, %get3A_16] : memref<2x2000x16xf32, #tpu.memory_space<vmem>>, vector<1x2000x16xf32>
    %get3A_18 = vector.shape_cast %get3A_17 : vector<1x2000x16xf32> to vector<2000x16xf32>
    %add3A_19 = arith.addf %get3A_13, %get3A_18 : vector<2000x16xf32>
    %get3A_20 = arith.constant 0 : index
    %get3A_21 = arith.constant 0 : index
    %get3A_22 = arith.constant 0 : index
    %get3A_23 = vector.load %arg4[%get3A_20, %get3A_21, %get3A_22] : memref<2x2000x16xf32, #tpu.memory_space<vmem>>, vector<1x2000x16xf32>
    %get3A_24 = vector.shape_cast %get3A_23 : vector<1x2000x16xf32> to vector<2000x16xf32>
    %slice3A = vector.extract_strided_slice %get3A_24 {offsets = [0, 0], sizes = [2000, 1], strides = [1, 1]} : vector<2000x16xf32> to vector<2000x1xf32>
    %get3A_25 = arith.constant 1 : index
    %get3A_26 = arith.constant 0 : index
    %get3A_27 = arith.constant 0 : index
    %get3A_28 = vector.load %arg4[%get3A_25, %get3A_26, %get3A_27] : memref<2x2000x16xf32, #tpu.memory_space<vmem>>, vector<1x2000x16xf32>
    %get3A_29 = vector.shape_cast %get3A_28 : vector<1x2000x16xf32> to vector<2000x16xf32>
    %slice3A_30 = vector.extract_strided_slice %get3A_29 {offsets = [0, 0], sizes = [2000, 1], strides = [1, 1]} : vector<2000x16xf32> to vector<2000x1xf32>
    %add3A_31 = arith.addf %slice3A, %slice3A_30 : vector<2000x1xf32>
    %get3A_32 = arith.constant 0 : index
    %get3A_33 = arith.constant 0 : index
    %get3A_34 = vector.load %arg5[%get3A_32, %get3A_33] : memref<144x128xf32, #tpu.memory_space<vmem>>, vector<128x128xf32>
    %dot_general3A = arith.constant dense<0.000000e+00> : vector<2000x128xf32>
    %dot_general3A_35 = tpu.matmul %add3A, %get3A_34, %dot_general3A {dimension_numbers = #tpu.dot_dimension_numbers<[1], [0], [0], [1], [0, 0, 1, 1], [], []>, transpose_lhs_hint = false} : vector<2000x128xf32>, vector<128x128xf32>, vector<2000x128xf32> -> vector<2000x128xf32>
    %get3A_36 = arith.constant 128 : index
    %get3A_37 = arith.constant 0 : index
    %get3A_38 = vector.load %arg5[%get3A_36, %get3A_37] : memref<144x128xf32, #tpu.memory_space<vmem>>, vector<16x128xf32>
    %dot_general3A_39 = arith.constant dense<0.000000e+00> : vector<2000x128xf32>
    %dot_general3A_40 = tpu.matmul %add3A_19, %get3A_38, %dot_general3A_39 {dimension_numbers = #tpu.dot_dimension_numbers<[1], [0], [0], [1], [0, 0, 1, 1], [], []>, transpose_lhs_hint = false} : vector<2000x16xf32>, vector<16x128xf32>, vector<2000x128xf32> -> vector<2000x128xf32>
    %add3A_41 = arith.addf %dot_general3A_35, %dot_general3A_40 : vector<2000x128xf32>
    %get3A_42 = arith.constant 0 : index
    %get3A_43 = arith.constant 0 : index
    %get3A_44 = vector.load %arg6[%get3A_42, %get3A_43] : memref<1x128xf32, #tpu.memory_space<vmem>>, vector<1x128xf32>
    %mul3A = vector.broadcast %add3A_31 : vector<2000x1xf32> to vector<2000x128xf32>
    %mul3A_45 = vector.broadcast %get3A_44 : vector<1x128xf32> to vector<2000x128xf32>
    %mul3A_46 = arith.mulf %mul3A, %mul3A_45 : vector<2000x128xf32>
    %add3A_47 = arith.addf %add3A_41, %mul3A_46 : vector<2000x128xf32>
    %max3A = arith.constant 1.000000e+00 : f32
    %max3A_48 = vector.broadcast %max3A : f32 to vector<2000x1xf32>
    %max3A_49 = arith.maximumf %add3A_31, %max3A_48 : vector<2000x1xf32>
    %div3A = vector.broadcast %max3A_49 : vector<2000x1xf32> to vector<2000x128xf32>
    %div3A_50 = arith.divf %add3A_47, %div3A : vector<2000x128xf32>
    %get3A_51 = arith.constant 0 : index
    %get3A_52 = arith.constant 0 : index
    %get3A_53 = vector.load %arg2[%get3A_51, %get3A_52] : memref<2000x128xf32, #tpu.memory_space<vmem>>, vector<2000x128xf32>
    %get3A_54 = arith.constant 0 : index
    %get3A_55 = arith.constant 0 : index
    %get3A_56 = vector.load %arg7[%get3A_54, %get3A_55] : memref<256x128xf32, #tpu.memory_space<vmem>>, vector<128x128xf32>
    %dot_general3A_57 = arith.constant dense<0.000000e+00> : vector<2000x128xf32>
    %dot_general3A_58 = tpu.matmul %get3A_53, %get3A_56, %dot_general3A_57 {dimension_numbers = #tpu.dot_dimension_numbers<[1], [0], [0], [1], [0, 0, 1, 1], [], []>, transpose_lhs_hint = false} : vector<2000x128xf32>, vector<128x128xf32>, vector<2000x128xf32> -> vector<2000x128xf32>
    %get3A_59 = arith.constant 128 : index
    %get3A_60 = arith.constant 0 : index
    %get3A_61 = vector.load %arg7[%get3A_59, %get3A_60] : memref<256x128xf32, #tpu.memory_space<vmem>>, vector<128x128xf32>
    %dot_general3A_62 = arith.constant dense<0.000000e+00> : vector<2000x128xf32>
    %dot_general3A_63 = tpu.matmul %div3A_50, %get3A_61, %dot_general3A_62 {dimension_numbers = #tpu.dot_dimension_numbers<[1], [0], [0], [1], [0, 0, 1, 1], [], []>, transpose_lhs_hint = false} : vector<2000x128xf32>, vector<128x128xf32>, vector<2000x128xf32> -> vector<2000x128xf32>
    %add3A_64 = arith.addf %dot_general3A_58, %dot_general3A_63 : vector<2000x128xf32>
    %get3A_65 = arith.constant 0 : index
    %get3A_66 = arith.constant 0 : index
    %get3A_67 = vector.load %arg8[%get3A_65, %get3A_66] : memref<1x128xf32, #tpu.memory_space<vmem>>, vector<1x128xf32>
    %add3A_68 = vector.broadcast %get3A_67 : vector<1x128xf32> to vector<2000x128xf32>
    %add3A_69 = arith.addf %add3A_64, %add3A_68 : vector<2000x128xf32>
    %max3A_70 = arith.constant 0.000000e+00 : f32
    %max3A_71 = vector.broadcast %max3A_70 : f32 to vector<2000x128xf32>
    %max3A_72 = arith.maximumf %add3A_69, %max3A_71 : vector<2000x128xf32>
    %get3A_73 = arith.constant 0 : index
    %get3A_74 = arith.constant 0 : index
    %get3A_75 = vector.load %arg9[%get3A_73, %get3A_74] : memref<128x4xf32, #tpu.memory_space<vmem>>, vector<128x4xf32>
    %dot_general3A_76 = arith.constant dense<0.000000e+00> : vector<2000x4xf32>
    %dot_general3A_77 = tpu.matmul %max3A_72, %get3A_75, %dot_general3A_76 {dimension_numbers = #tpu.dot_dimension_numbers<[1], [0], [0], [1], [0, 0, 1, 1], [], []>, transpose_lhs_hint = false} : vector<2000x128xf32>, vector<128x4xf32>, vector<2000x4xf32> -> vector<2000x4xf32>
    %get3A_78 = arith.constant 0 : index
    %get3A_79 = arith.constant 0 : index
    %get3A_80 = vector.load %arg10[%get3A_78, %get3A_79] : memref<1x4xf32, #tpu.memory_space<vmem>>, vector<1x4xf32>
    %add3A_81 = vector.broadcast %get3A_80 : vector<1x4xf32> to vector<2000x4xf32>
    %add3A_82 = arith.addf %dot_general3A_77, %add3A_81 : vector<2000x4xf32>
    %swap3A = arith.constant 0 : index
    %swap3A_83 = arith.constant 0 : index
    %swap3A_84 = vector.load %arg11[%swap3A, %swap3A_83] : memref<2000x4xf32, #tpu.memory_space<vmem>>, vector<2000x4xf32>
    tpu.vector_store %arg11[%swap3A, %swap3A_83], %add3A_82 {strides = array<i32>} : memref<2000x4xf32, #tpu.memory_space<vmem>>, vector<2000x4xf32>,
    return
  }
  func.func @transform_0(%arg0: i32) -> (i32, i32, i32) {
    %c0_i32 = arith.constant 0 : i32
    %c0_i32_0 = arith.constant 0 : i32
    %c0_i32_1 = arith.constant 0 : i32
    return %c0_i32, %arg0, %c0_i32_0 : i32, i32, i32
  }
  func.func @transform_1(%arg0: i32) -> (i32, i32) {
    %c0_i32 = arith.constant 0 : i32
    %c0_i32_0 = arith.constant 0 : i32
    return %arg0, %c0_i32 : i32, i32
  }
  func.func @transform_2(%arg0: i32) -> (i32, i32, i32) {
    %c0_i32 = arith.constant 0 : i32
    %c0_i32_0 = arith.constant 0 : i32
    %c0_i32_1 = arith.constant 0 : i32
    return %c0_i32, %arg0, %c0_i32_0 : i32, i32, i32
  }
  func.func @transform_3(%arg0: i32) -> (i32, i32, i32) {
    %c0_i32 = arith.constant 0 : i32
    %c0_i32_0 = arith.constant 0 : i32
    %c0_i32_1 = arith.constant 0 : i32
    return %c0_i32, %arg0, %c0_i32_0 : i32, i32, i32
  }
  func.func @transform_4(%arg0: i32) -> (i32, i32) {
    %c0_i32 = arith.constant 0 : i32
    %c0_i32_0 = arith.constant 0 : i32
    %c0_i32_1 = arith.constant 0 : i32
    return %c0_i32, %c0_i32_0 : i32, i32
  }
  func.func @transform_5(%arg0: i32) -> (i32, i32) {
    %c0_i32 = arith.constant 0 : i32
    %c0_i32_0 = arith.constant 0 : i32
    %c0_i32_1 = arith.constant 0 : i32
    return %c0_i32, %c0_i32_0 : i32, i32
  }
  func.func @transform_6(%arg0: i32) -> (i32, i32) {
    %c0_i32 = arith.constant 0 : i32
    %c0_i32_0 = arith.constant 0 : i32
    %c0_i32_1 = arith.constant 0 : i32
    return %c0_i32, %c0_i32_0 : i32, i32
  }
  func.func @transform_7(%arg0: i32) -> (i32, i32) {
    %c0_i32 = arith.constant 0 : i32
    %c0_i32_0 = arith.constant 0 : i32
    %c0_i32_1 = arith.constant 0 : i32
    return %c0_i32, %c0_i32_0 : i32, i32
  }
  func.func @transform_8(%arg0: i32) -> (i32, i32) {
    %c0_i32 = arith.constant 0 : i32
    %c0_i32_0 = arith.constant 0 : i32
    %c0_i32_1 = arith.constant 0 : i32
    return %c0_i32, %c0_i32_0 : i32, i32
  }
  func.func @transform_9(%arg0: i32) -> (i32, i32) {
    %c0_i32 = arith.constant 0 : i32
    %c0_i32_0 = arith.constant 0 : i32
    %c0_i32_1 = arith.constant 0 : i32
    return %c0_i32, %c0_i32_0 : i32, i32
  }
  func.func @transform_10(%arg0: i32) -> (i32, i32) {
    %c0_i32 = arith.constant 0 : i32
    %c0_i32_0 = arith.constant 0 : i32
    return %arg0, %c0_i32 : i32, i32
  }
}

</mosaic_0001>

<sc_bundles>
// kernel: kernel.11.cloned.1.call-start
scs
__scs_entry_jumppad:
0x0: {  	(pc) =	sbr.rel $0x88, $3  }
0x1: {  	(tag) =	ssettag $0x0;
	lr =	simm.s32 $0x1  }
0x2: {  	[smem:$0x3F94] =	sst lr;
	_ =	strace $0xD0000000  }
0x3: {  	_ = 	snop  }
0x4: {  	_ = 	snop  }
0x5: {  	_ = 	snop  }
0x6: {  	_ = 	snop  }
0x7: {  	_ = 	snop  }
__scs_overlays_trampoline_lowered:
0x8: {  	[smem:$0x3FA3] =	sst s0  }
0x9: {  	[smem:$0x3FA4] =	sst s1  }
0xa: {  	[smem:$0x3FA5] =	sst s2  }
0xb: {  	[smem:$0x3FA6] =	sst s3  }
0xc: {  	[smem:$0x3FA7] =	sst s4  }
0xd: {  	[smem:$0x3FA8] =	sst s5  }
0xe: {  	[smem:$0x3FA9] =	sst s6  }
0xf: {  	[smem:$0x3FAA] =	sst s7  }
0x10: {  	[smem:$0x3FAB] =	sst s8  }
0x11: {  	[smem:$0x3FAC] =	sst s9;
	s0 =	simm.s32 @!p0 $0x0  }
0x12: {  	s1 =	sld [smem:$0x3F92];
	s0 =	simm.s32 @p0 $0x1  }
0x13: {  	[smem:$0x3FAD] =	sst s0;
	s0 =	simm.s32 @!p1 $0x0  }
0x14: {  	s2 =	sld [smem:$0x3F91];
	s0 =	simm.s32 @p1 $0x1  }
0x15: {  	[smem:$0x3FAE] =	sst s0;
	s0 =	simm.s32 @!p2 $0x0  }
0x16: {  	s3 =	sld [smem:$0x3FDB];
	s0 =	simm.s32 @p2 $0x1  }
0x17: {  	s4 =	simm.s32 $0x1BF5;
	[smem:$0x3FB0] =	sst s0  }
0x18: {  	s0 =	sld [smem:$0x3F93];
	_ =	swait.ge [sflag:s4], $0x0  }
0x19: {  	s7 =	sld [smem:$0x3F94]  }
0x1a: {  	s8 =	sadd.s32 $0xFFFFE003, lr  }
0x1b: {  	s9 =	sadd.s32 $0xFFFFFEF7, lr;
	s5 =	simm.s32 $0xFFFFFFFF;
	p2 =	slt.u32 s8, $0xFFFFF086  }
0x1c: {  	p1 =	slt.u32 s9, $0xF7A;
	s5 =	simm.s32 @!p2 $0x0  }
0x1d: {  	s5 =	simm.s32 @p1 $0x1;
	p0 =	seq.s32 s7, s2  }
0x1e: {  	s7 =	smul.u32 @!p0 $0xF7A, s2;
	p2 =	seq.s32 @!p0 s5, $0x0  }
0x1f: {  	s9 =	smul.u32 $0xF7A, s1;
	s8 =	simm.s32 @!p0 $0x1BF5;
	p2 =	por !p2, p0  }
0x20: {  	[sflag:s8] =	ssyncset.s32 @!p0 $0xFFFFF086;
	s6 =	sadd.s32 @!p0 s3, s7;
	s7 =	simm.s32 @!p0 $0x108  }
0x21: {  	s3 =	sadd.s32 s3, s9;
	s6 =	sadd.s32 @!p0 $0x88, s6;
	s7 =	simm.s32 @p2 $0x1082  }
0x22: {  	[simem:s7], [sflag:s8] =	dma.local @!p0 [hbm:s6], $0xF7A  }
0x23: {  	s9 =	sor.u32 $0xD0000000, s2;
	s6 =	simm.s32 $0x108;
	_ =	swait.ge @!p0 [sflag:s8], $0x0  }
0x24: {  	s3 =	sadd.s32 $0x88, s3;
	s6 =	simm.s32 @!p1 $0x1082;
	[sflag:s4] =	ssyncset.s32 $0xFFFFF086  }
0x25: {  	[simem:s6], [sflag:s4] =	dma.local [hbm:s3], $0xF7A  }
0x26: {  	[smem:$0x3F94] =	sst s1;
	(tag) =	ssettag s2;
	_ =	strace s9  }
0x27: {  	s1 =	sld [smem:$0x3FA4]  }
0x28: {  	s2 =	sld [smem:$0x3FA5]  }
0x29: {  	s4 =	sld [smem:$0x3FA7]  }
0x2a: {  	p0 =	seq.s32 s5, $0x0;
	s5 =	sld [smem:$0x3FA8]  }
0x2b: {  	s6 =	sld [smem:$0x3FA9]  }
0x2c: {  	s7 =	sld [smem:$0x3FAA]  }
0x2d: {  	s3 =	simm.s32 $0x108;
	s8 =	sld [smem:$0x3FAB]  }
0x2e: {  	s3 =	simm.s32 @!p0 $0x1082;
	s9 =	sld [smem:$0x3FAC]  }
0x2f: {  	lr =	sadd.s32 s0, s3;
	s0 =	sld [smem:$0x3FA3]  }
0x30: {  	s3 =	sld [smem:$0x3FA6]  }
0x31: {  	[smem:$0x3FAF] =	sst s10  }
0x32: {  	s10 =	sld [smem:$0x3FAD];
	_ =	sdelay $0x3  }
0x33: {  	p0 =	seq.s32 s10, $0x1;
	s10 =	sld [smem:$0x3FAF];
	_ =	sdelay $0x3  }
0x34: {  	[smem:$0x3FAF] =	sst s10  }
0x35: {  	s10 =	sld [smem:$0x3FAE];
	_ =	sdelay $0x3  }
0x36: {  	p1 =	seq.s32 s10, $0x1;
	s10 =	sld [smem:$0x3FAF];
	_ =	sdelay $0x3  }
0x37: {  	[smem:$0x3FAF] =	sst s10  }
0x38: {  	s10 =	sld [smem:$0x3FB0]  }
0x39: {  	_ = 	snop;
	(pc) =	sbr.ind lr, $3  }
0x3a: {  	_ = 	snop  }
0x3b: {  	_ = 	snop  }
0x3c: {  	p2 =	seq.s32 s10, $0x1;
	s10 =	sld [smem:$0x3FAF]  }
0x3d: {  	_ =	shalt  }
0x3e: {  	_ =	shalt  }
0x3f: {  	_ =	shalt  }
0x40: {  	_ =	shalt  }
0x41: {  	_ =	shalt  }
0x42: {  	_ =	shalt  }
0x43: {  	_ =	shalt  }
0x44: {  	_ =	shalt  }
0x45: {  	_ =	shalt  }
0x46: {  	_ =	shalt  }
0x47: {  	_ =	shalt  }
0x48: {  	_ =	shalt  }
0x49: {  	_ =	shalt  }
0x4a: {  	_ =	shalt  }
0x4b: {  	_ =	shalt  }
0x4c: {  	_ =	shalt  }
0x4d: {  	_ =	shalt  }
0x4e: {  	_ =	shalt  }
0x4f: {  	_ =	shalt  }
0x50: {  	_ =	shalt  }
0x51: {  	_ =	shalt  }
0x52: {  	_ =	shalt  }
0x53: {  	_ =	shalt  }
0x54: {  	_ =	shalt  }
0x55: {  	_ =	shalt  }
0x56: {  	_ =	shalt  }
0x57: {  	_ =	shalt  }
0x58: {  	_ =	shalt  }
0x59: {  	_ =	shalt  }
0x5a: {  	_ =	shalt  }
0x5b: {  	_ =	shalt  }
0x5c: {  	_ =	shalt  }
0x5d: {  	_ =	shalt  }
0x5e: {  	_ =	shalt  }
0x5f: {  	_ =	shalt  }
0x60: {  	_ =	shalt  }
0x61: {  	_ =	shalt  }
0x62: {  	_ =	shalt  }
0x63: {  	_ =	shalt  }
0x64: {  	_ =	shalt  }
0x65: {  	_ =	shalt  }
0x66: {  	_ =	shalt  }
0x67: {  	_ =	shalt  }
0x68: {  	_ =	shalt  }
0x69: {  	_ =	shalt  }
0x6a: {  	_ =	shalt  }
0x6b: {  	_ =	shalt  }
0x6c: {  	_ =	shalt  }
0x6d: {  	_ =	shalt  }
0x6e: {  	_ =	shalt  }
0x6f: {  	_ =	shalt  }
0x70: {  	_ =	shalt  }
0x71: {  	_ =	shalt  }
0x72: {  	_ =	shalt  }
0x73: {  	_ =	shalt  }
0x74: {  	_ =	shalt  }
0x75: {  	_ =	shalt  }
0x76: {  	_ =	shalt  }
0x77: {  	_ =	shalt  }
0x78: {  	_ =	shalt  }
0x79: {  	_ =	shalt  }
0x7a: {  	_ =	shalt  }
0x7b: {  	_ =	shalt  }
0x7c: {  	_ =	shalt  }
0x7d: {  	_ =	shalt  }
0x7e: {  	_ =	shalt  }
0x7f: {  	_ =	shalt  }
0x80: {  	_ =	shalt  }
0x81: {  	_ =	shalt  }
0x82: {  	_ =	shalt  }
0x83: {  	_ =	shalt  }
0x84: {  	_ =	shalt  }
0x85: {  	_ =	shalt  }
0x86: {  	_ =	shalt  }
0x87: {  	_ =	shalt  }
.Lfunc_end0:
.L_simem_size_0:
called_computation.1_lowered:
.L_overlay_start_0:
0x88: {  	s2 =	sld [smem:$0x3FD9]  }
0x89: {  	s3 =	sld [smem:$0x3FFE];
	_ =	sdelay $0x1  }
0x8a: {  	s1 =	srdreg.scid  }
0x8b: {  	s0 =	sand.u32 $0x1, s1  }
0x8c: {  	s17 =	sshll.u32 s0, $0xA;
	s2 =	sadd.s32 s3, s2  }
0x8d: {  	s2 =	sadd.s32 s2, s17  }
0x8e: {  	[smem:$0x3FBB] =	sst s2  }
0x8f: {  	_ = 	snop  }
0x90: {  	s18 =	sld [smem:$0x3FC9];
	(tm) =	ssettm $0x1  }
0x91: {  	s19 =	sld [smem:$0x3FFB];
	_ =	sdelay $0x3  }
0x92: {  	_ =	strace s19  }
0x93: {  	s2 =	sld [smem:$0x3FFC];
	_ =	sdelay $0x3  }
0x94: {  	_ =	strace s2  }
0x95: {  	s2 =	sld [smem:$0x3FFD];
	_ =	sdelay $0x3  }
0x96: {  	_ =	strace s2  }
0x97: {  	_ =	strace $0x8FFFFFFF  }
0x98: {  	s20 =	sld [smem:$0x3FDB];
	_ =	sdelay $0x1  }
0x99: {  	s4 =	simm.s32 $_scs_section_size  }
0x9a: {  	s5 =	simm.s32 $_size__tile_overlayer_lowered;
	s6 =	simm.s32 $_tile_overlayer_lowered  }
0x9b: {  	s7 =	simm.s32 $0x1BFF;
	s21 =	sshll.u32 s6, $0x1;
	s4 =	sadd.s32 s4, s20  }
0x9c: {  	s22 =	simm.s32 $0x0;
	s5 =	sshll.u32 s5, $0x1;
	s6 =	sadd.s32 s21, s4  }
0x9d: {  	[timem:s22], [sflag:s7] =	dma.local [hbm:s6], s5  }
0x9e: {  	_ =	swait.ge [sflag:s7], s5  }
0x9f: {  	s5 =	ssub.s32 $0x0, s5;
	[sflag:s7] =	ssyncset.done $0x0  }
0xa0: {  	[sflag:s7] =	ssyncadd.s32 s5;
	_ =	sdelay $0x1  }
0xa1: {  	s23 =	simm.s32 $0x1B8B  }
0xa2: {  	_ =	swait.ge [sflag:s23], $0x1  }
0xa3: {  	[sflag:s23] =	ssyncset.done $0x0  }
0xa4: {  	[sflag:s23] =	ssyncadd.s32 $0xFFFFFFFF  }
0xa5: {  	s5 =	sld [smem:$0x0]  }
0xa6: {  	s6 =	sand.u32 $0xFFFFFFFE, s1  }
0xa7: {  	p0 =	sne.s32 s1, s6  }
0xa8: {  	s6 =	sshll.u32 @p0 s6, $0xE  }
0xa9: {  	s6 =	sadd.s32 @p0 $0x11B8D, s6;
	s7 =	sshll.u32 @p0 s5, $0x11  }
0xaa: {  	s6 =	sor.u32 @p0 s7, s6  }
0xab: {  	[sflag:s6] =	ssyncadd.remote.s32 @p0 $0x1;
	_ =	sdelay $0x1  }
0xac: {  	s6 =	simm.s32 @p0 $0x1B8D  }
0xad: {  	_ =	swait.eq @p0 [sflag:s6], $0x1  }
0xae: {  	[sflag:s6] =	ssyncadd.s32 @p0 $0xFFFFFFFF  }
0xaf: {  	s7 =	sshll.u32 @!p0 s1, $0xE  }
0xb0: {  	s7 =	sor.u32 @!p0 $0x4000, s7;
	s6 =	simm.s32 @!p0 $0x1B8D  }
0xb1: {  	s5 =	sshll.u32 @!p0 s5, $0x11;
	s7 =	sadd.s32 @!p0 $0x11B8D, s7;
	_ =	swait.eq @!p0 [sflag:s6], $0x1  }
0xb2: {  	s5 =	sor.u32 @!p0 s5, s7;
	[sflag:s6] =	ssyncadd.s32 @!p0 $0xFFFFFFFF  }
0xb3: {  	s25 =	simm.s32 $0x1B8E;
	s24 =	sld [smem:$0x3FFE];
	[sflag:s5] =	ssyncadd.remote.s32 @!p0 $0x1  }
0xb4: {  	s26 =	simm.s32 $execute0_lowered;
	[smem:$0x3FD2] =	sst s25  }
0xb5: {  	s6 =	sshll.u32 s26, $0x1;
	_ =	strace $0x80000049;
	[dreg:$0x1] =	wrdreg $0xFFFFFFFF  }
0xb6: {  	s28 =	simm.s32 $_size_execute0_lowered;
	s4 =	sadd.s32 s4, s6;
	[dreg:$0x0] =	wrdreg $0x0  }
0xb7: {  	s6 =	sshll.u32 s28, $0x1;
	[dreg:$0x2] =	wrdreg s4  }
0xb8: {  	[dreg:$0x3] =	wrdreg s6  }
0xb9: {  	[dreg:$0x4] =	wrdreg $0xC0  }
0xba: {  	_ =	task [dreg:s22], $0x5FFFF  }
0xbb: {  	[dreg:$0x1] =	wrdreg $0xFFFFFFFF  }
0xbc: {  	[dreg:$0x0] =	wrdreg $0x60  }
0xbd: {  	[dreg:$0x2] =	wrdreg s18  }
0xbe: {  	[dreg:$0x3] =	wrdreg s24  }
0xbf: {  	[dreg:$0x4] =	wrdreg $0x5FA00  }
0xc0: {  	[dreg:$0x5] =	wrdreg $0xA  }
0xc1: {  	_ =	task.clear_ibuf [dreg:s22], $0x6FFFF;
	_ =	strace $0x90000049  }
0xc2: {  	s29 =	simm.s32 $0xA;
	_ =	strace $0x8000004B  }
0xc3: {  	_ =	swait.ge [sflag:s29], $0x1  }
0xc4: {  	[sflag:s29] =	ssyncadd.s32 $0xFFFFFFFF  }
0xc5: {  	_ =	strace $0x9000004B  }
0xc6: {  	_ =	sfence  }
0xc7: {  	s30 =	sld [smem:$0x0];
	_ =	sdelay $0x2  }
0xc8: {  	s31 =	sshll.u32 s1, $0xD;
	s1 =	sshrl.u32 s1, $0x2  }
0xc9: {  	s4 =	sand.u32 $0x4000, s31;
	s1 =	sadd.s32 s1, s30  }
0xca: {  	s0 =	sor.u32 s4, s0;
	s1 =	sshll.u32 s1, $0x11  }
0xcb: {  	s0 =	sor.u32 s1, s0  }
0xcc: {  	s0 =	sadd.s32 $0x8F2B, s0  }
0xcd: {  	[sflag:s0] =	ssyncadd.remote.s32 $0x1  }
0xce: {  	_ =	sfence.sel $0xFFFF  }
0xcf: {  	[dreg:$0x0] =	wrdreg $0xFFFFFFFF;
	(pc) =	sbr.abs _section_cstart, $3  }
0xd0: {  	[dreg:$0x1] =	wrdreg $0xFFFFFFFF  }
0xd1: {  	_ =	task.clear_ibuf [dreg:s22], $0x2FFFF;
	_ =	strace $0x9FFFFFFF  }
0xd2: {  	(tm) =	ssettm $0x7FFFFFFF  }
0xd3: {  	_ =	shalt  }
tec
execute0_lowered:
.L_overlay_start_1:
0x0: {  	(tag) =	ssettag $0x1  }
0x1: {  	s0 =	rddreg [dreg:$0x0]  }
0x2: {  	s1 =	rddreg [dreg:$0x1];
	s2 =	srdreg.scid  }
0x3: {  	s3 =	rddreg [dreg:$0x2];
	s10 =	stileid.u32  }
0x4: {  	s5 =	simm.s32 $0x0;
	s19 =	simm.s32 $0xFA0;
	s20 =	simm.s32 $0x5  }
0x5: {  	s21 =	simm.s32 $0x1;
	s22 =	simm.s32 $0x2;
	s23 =	simm.s32 $0x50  }
0x6: {  	s28 =	simm.s32 $0x4;
	s29 =	simm.s32 $0x0;
	s2 =	sand.u32 $0x1, s2  }
0x7: {  	s7 =	smul.u32 $0x14000, s10;
	[smem:$0x7FF] =	sst s5;
	s5 =	sadd.s32 $0x3C00, s1  }
0x8: {  	s6 =	sadd.s32 $0xDA00, s1;
	s9 =	sshll.u32 s10, $0x1;
	s10 =	smul.u32 $0x50000, s10  }
0x9: {  	s8 =	sadd.s32 $0x30A00, s1;
	s4 =	smul.u32 $0x140000, s2;
	_ =	strace $0x8000004A  }
0xa: {  	[dreg:$0x4] =	wrdreg s8;
	s12 =	ssub.s32 $0x2, s2;
	s2 =	sor.u32 s2, s9  }
0xb: {  	s13 =	sshrl.u32 s12, $0x1;
	s8 =	smul.u32 $0x2710, s2;
	s14 =	sshrl.u32 s10, $0x2  }
0xc: {  	s15 =	sadd.s32 s7, s3;
	s4 =	sadd.s32 s7, s4;
	s10 =	sadd.s32 s14, s3  }
0xd: {  	s4 =	sshrl.u32 s4, $0x3;
	s25 =	sadd.s32 $0x2800, s10;
	s26 =	sadd.s32 $0x5000, s10  }
0xe: {  	s30 =	sadd.s32 $0x7800, s10;
	s31 =	sadd.s32 $0xA000, s10;
	[dreg:$0x7] =	wrdreg s25  }
0xf: {  	s16 =	sadd.s32 $0xC800, s10;
	s17 =	sadd.s32 $0xF000, s10;
	[dreg:$0x8] =	wrdreg s26  }
0x10: {  	s18 =	sadd.s32 $0x11800, s10;
	s1 =	sadd.s32 s4, s1;
	[dreg:$0x9] =	wrdreg s30  }
0x11: {  	s4 =	ssub.s32 s12, s13;
	[dreg:$0xa] =	wrdreg s31;
	s1 =	sadd.s32 $0x31000, s1  }
0x12: {  	s25 =	sshrl.u32 s15, $0x3;
	s24 =	smax.u32 s4, $0x1;
	[dreg:$0x5] =	wrdreg s1  }
0x13: {  	s26 =	simm.s32 $0x3;
	[dreg:$0x6] =	wrdreg s24;
	s24 =	simm.s32 $0x37A0  }
.LBB2_1:
0x14: {  	s1 =	simm.s32 $0x0;
	s2 =	rddreg [dreg:$0x4]  }
0x15: {  	[tilespmem:s19], [sflag:$0x5] =	stream.linear.gather [hbm4b:s2+s1], $0x2800, $0x38;
	[tilespmem:$0x19FA0] =	vst v63  }
0x16: {  	_ =	swait.ge [sflag:s20], $0x2800  }
0x17: {  	[sflag:s20] =	ssyncset.done $0x0  }
0x18: {  	[sflag:s20] =	ssyncadd.s32 $0xFFFFD800  }
0x19: {  	[spmem:s10] =	stream.linear.scatter [tilespmem:s19], [sflag:$0x5], $0x2800, $0x38;
	[tilespmem:$0x19FA0] =	vst v63  }
0x1a: {  	_ =	swait.ge [sflag:s20], $0x2800  }
0x1b: {  	[sflag:s20] =	ssyncset.done $0x0  }
0x1c: {  	s13 =	rddreg [dreg:$0x7];
	[sflag:s20] =	ssyncadd.s32 $0xFFFFD800  }
0x1d: {  	[spmem:s13] =	stream.linear.scatter [tilespmem:s19], [sflag:$0x5], $0x2800, $0x38;
	[tilespmem:$0x19FA0] =	vst v63  }
0x1e: {  	_ =	swait.ge [sflag:s20], $0x2800  }
0x1f: {  	[sflag:s20] =	ssyncset.done $0x0  }
0x20: {  	s14 =	rddreg [dreg:$0x8];
	[sflag:s20] =	ssyncadd.s32 $0xFFFFD800  }
0x21: {  	[spmem:s14] =	stream.linear.scatter [tilespmem:s19], [sflag:$0x5], $0x2800, $0x38;
	[tilespmem:$0x19FA0] =	vst v63  }
0x22: {  	_ =	swait.ge [sflag:s20], $0x2800  }
0x23: {  	[sflag:s20] =	ssyncset.done $0x0  }
0x24: {  	s15 =	rddreg [dreg:$0x9];
	[sflag:s20] =	ssyncadd.s32 $0xFFFFD800  }
0x25: {  	[spmem:s15] =	stream.linear.scatter [tilespmem:s19], [sflag:$0x5], $0x2800, $0x38;
	[tilespmem:$0x19FA0] =	vst v63  }
0x26: {  	_ =	swait.ge [sflag:s20], $0x2800  }
0x27: {  	[sflag:s20] =	ssyncset.done $0x0  }
0x28: {  	s31 =	rddreg [dreg:$0xa];
	[sflag:s20] =	ssyncadd.s32 $0xFFFFD800  }
0x29: {  	[spmem:s31] =	stream.linear.scatter [tilespmem:s19], [sflag:$0x5], $0x2800, $0x38;
	[tilespmem:$0x19FA0] =	vst v63  }
0x2a: {  	_ =	swait.ge [sflag:s20], $0x2800  }
0x2b: {  	[sflag:s20] =	ssyncset.done $0x0  }
0x2c: {  	[sflag:s20] =	ssyncadd.s32 $0xFFFFD800  }
0x2d: {  	[spmem:s16] =	stream.linear.scatter [tilespmem:s19], [sflag:$0x5], $0x2800, $0x38;
	[tilespmem:$0x19FA0] =	vst v63  }
0x2e: {  	_ =	swait.ge [sflag:s20], $0x2800  }
0x2f: {  	[sflag:s20] =	ssyncset.done $0x0  }
0x30: {  	[sflag:s20] =	ssyncadd.s32 $0xFFFFD800  }
0x31: {  	[spmem:s17] =	stream.linear.scatter [tilespmem:s19], [sflag:$0x5], $0x2800, $0x38;
	[tilespmem:$0x19FA0] =	vst v63  }
0x32: {  	_ =	swait.ge [sflag:s20], $0x2800  }
0x33: {  	[sflag:s20] =	ssyncset.done $0x0  }
0x34: {  	[sflag:s20] =	ssyncadd.s32 $0xFFFFD800  }
0x35: {  	[spmem:s18] =	stream.linear.scatter [tilespmem:s19], [sflag:$0x5], $0x2800, $0x38;
	[tilespmem:$0x19FA0] =	vst v63  }
0x36: {  	_ =	swait.ge [sflag:s20], $0x2800  }
0x37: {  	[sflag:s20] =	ssyncset.done $0x0  }
0x38: {  	[sflag:s20] =	ssyncadd.s32 $0xFFFFD800  }
0x39: {  	s30 =	simm.s32 $0x0;
	[bflag:$0x0] =	sbarrier.arrive $0xFFFF  }
.LBB2_2:
0x3a: {  	s1 =	smul.u32 $0x7D0, s30;
	_ =	sdelay $0x1  }
0x3b: {  	s1 =	sadd.s32 s8, s1  }
0x3c: {  	s1 =	sshrl.u32 s1, $0x3  }
0x3d: {  	s4 =	simm.s32 $0x0;
	s2 =	sadd.s32 s5, s1  }
0x3e: {  	[tilespmem:s4], [sflag:$0x1] =	stream.linear.gather [hbm4b:s2+s4], $0x7D0, $0x38;
	[tilespmem:$0x19FA0] =	vst v63  }
0x3f: {  	s14 =	simm.s32 $0x7D0;
	s1 =	sadd.s32 s6, s1  }
0x40: {  	[tilespmem:s14], [sflag:$0x2] =	stream.linear.gather [hbm4b:s1+s4], $0x7D0, $0x38;
	[tilespmem:$0x19FA0] =	vst v63  }
0x41: {  	_ =	swait.ge [sflag:s21], $0x7D0  }
0x42: {  	[sflag:s21] =	ssyncset.done $0x0  }
0x43: {  	[sflag:s21] =	ssyncadd.s32 $0xFFFFF830  }
0x44: {  	_ =	swait.ge [sflag:s22], $0x7D0  }
0x45: {  	[sflag:s22] =	ssyncset.done $0x0  }
0x46: {  	s15 =	sand.u32 $0x1, s4;
	[sflag:s22] =	ssyncadd.s32 $0xFFFFF830  }
0x47: {  	[tilespmem:s19], [sflag:$0x1] =	stream.indirect.gather [hbm4b:s0+s23], $0x80, s4, s23, $0xb8;
	[tilespmem:$0x19FA0] =	vst v63  }
0x48: {  	s7 =	smul.u32 $0xA000, s15;
	s4 =	sadd.s32 $0x1, s15  }
0x49: {  	[tilespmem:s24], [sflag:$0x2] =	stream.indirect.gather [hbm4b:s0+s23], $0x80, s23, s23, $0xb8;
	[tilespmem:$0x19FA0] =	vst v63  }
0x4a: {  	s9 =	simm.s32 $0x1;
	_ =	swait.ge [sflag:s4], $0x2800  }
0x4b: {  	p0 =	por $0x0, $0x0;
	s7 =	sshrl.u32 s7, $0x2;
	[sflag:s4] =	ssyncset.done $0x0  }
0x4c: {  	s13 =	sadd.s32 $0x3, s15;
	s12 =	sadd.s32 $0xFA0, s7;
	[sflag:s4] =	ssyncadd.s32 $0xFFFFD800  }
0x4d: {  	[spmem:s3] =	stream.indirect.scatter.add.f32 [tilespmem:s12], [sflag:s13], $0x80, s14, s23, $0xb8;
	[tilespmem:$0x19FA0] =	vst v63  }
0x4e: {  	s11 =	simm.s32 $0x2;
	s31 =	simm.s32 $0xF0;
	_ =	swait.ge @!p0 [sflag:s13], $0x2800  }
0x4f: {  	s2 =	simm.s32 $0xA0;
	s7 =	sand.u32 $0x1, s9;
	[sflag:s13] =	ssyncset.done @!p0 $0x0  }
0x50: {  	s1 =	simm.s32 $0x820;
	[sflag:s13] =	ssyncadd.s32 @!p0 $0xFFFFD800;
	s13 =	simm.s32 @!p0 $0x50  }
.LBB2_3:
0x51: {  	[tilespmem:s12], [sflag:s4] =	stream.indirect.gather @!p0 [hbm4b:s0+s13], $0x80, s2, s13, $0xb8;
	[tilespmem:$0x19FA0] =	vst v63  }
0x52: {  	s13 =	smov.u32 s11;
	s2 =	smov.u32 s31;
	s14 =	sand.u32 $0x1, s11  }
0x53: {  	s12 =	smul.u32 $0xA000, s7;
	s4 =	sadd.s32 $0x1, s7;
	s11 =	sadd.s32 $0x1, s11  }
0x54: {  	p0 =	sgt.u32 s9, $0x16;
	s15 =	sadd.s32 $0x3, s7;
	_ =	swait.ge [sflag:s4], $0x2800  }
0x55: {  	p1 =	sne.s32 s11, $0x19;
	s9 =	sshrl.u32 s12, $0x2;
	[sflag:s4] =	ssyncset.done $0x0  }
.Ltmp0:
0x56: {  	s12 =	sadd.s32 $0xFA0, s9;
	[sflag:s4] =	ssyncadd.s32 $0xFFFFD800;
	(pc) =	sbr.rel @p1 .LBB2_3-.Ltmp0, $4  }
0x57: {  	[spmem:s3] =	stream.indirect.scatter.add.f32 [tilespmem:s12], [sflag:s15], $0x80, s1, s23, $0xb8;
	[tilespmem:$0x19FA0] =	vst v63  }
0x58: {  	s7 =	smov.u32 s14;
	_ =	swait.ge @!p0 [sflag:s15], $0x2800  }
0x59: {  	s9 =	smov.u32 s13;
	s1 =	sadd.s32 $0x50, s1;
	[sflag:s15] =	ssyncset.done @!p0 $0x0  }
0x5a: {  	s31 =	sadd.s32 $0x50, s31;
	s13 =	simm.s32 @!p0 $0x50;
	[sflag:s15] =	ssyncadd.s32 @!p0 $0xFFFFD800  }
0x5b: {  	[tilespmem:s12], [sflag:s4] =	stream.indirect.gather @!p0 [hbm4b:s0+s13], $0x80, s2, s13, $0xb8;
	[tilespmem:$0x19FA0] =	vst v63  }
0x5c: {  	s15 =	smul.u32 $0xA000, s7;
	s4 =	sadd.s32 $0x1, s7  }
0x5d: {  	_ =	swait.ge [sflag:s4], $0x2800  }
0x5e: {  	p0 =	sgt.u32 s9, $0x16;
	s2 =	sshrl.u32 s15, $0x2;
	[sflag:s4] =	ssyncset.done $0x0  }
0x5f: {  	s7 =	sadd.s32 $0x3, s7;
	s2 =	sadd.s32 $0xFA0, s2;
	[sflag:s4] =	ssyncadd.s32 $0xFFFFD800  }
0x60: {  	[spmem:s3] =	stream.indirect.scatter.add.f32 [tilespmem:s2], [sflag:s7], $0x80, s1, s23, $0xb8;
	[tilespmem:$0x19FA0] =	vst v63  }
0x61: {  	_ =	swait.ge @!p0 [sflag:s7], $0x2800  }
0x62: {  	[sflag:s7] =	ssyncset.done @!p0 $0x0  }
0x63: {  	s30 =	sadd.s32 $0x1, s30;
	s1 =	simm.s32 @!p0 $0x50;
	[sflag:s7] =	ssyncadd.s32 @!p0 $0xFFFFD800  }
0x64: {  	[tilespmem:s2], [sflag:s4] =	stream.indirect.gather @!p0 [hbm4b:s0+s1], $0x80, s31, s1, $0xb8;
	[tilespmem:$0x19FA0] =	vst v63  }
0x65: {  	p0 =	sne.s32 s30, $0x5;
	_ =	swait.ge [sflag:s26], $0x2800  }
.Ltmp1:
0x66: {  	[sflag:s26] =	ssyncset.done $0x0;
	(pc) =	sbr.rel @p0 .LBB2_2-.Ltmp1, $4  }
0x67: {  	[sflag:s26] =	ssyncadd.s32 $0xFFFFD800  }
0x68: {  	_ =	swait.ge [sflag:s28], $0x2800  }
0x69: {  	[sflag:s28] =	ssyncset.done $0x0  }
0x6a: {  	[sflag:s28] =	ssyncadd.s32 $0xFFFFD800  }
0x6b: {  	s1 =	stileid.u32  }
0x6c: {  	[bflag:$0x0] =	sbarrier.arrive $0xFFFF;
	s1 =	sshll.u32 s1, $0x6  }
0x6d: {  	s2 =	rddreg [dreg:$0x5];
	s1 =	sor.u32 $0x1C05, s1  }
0x6e: {  	[hbm:s2], [sflag:s1] =	dma.local [spmem:s25], $0x2800  }
0x6f: {  	_ =	swait.ge [sflag:s20], $0x2800  }
0x70: {  	s29 =	sadd.s32 $0x1, s29;
	s31 =	rddreg [dreg:$0x6]  }
0x71: {  	p0 =	sne.s32 s29, s31  }
.Ltmp2:
0x72: {  	_ = 	snop;
	(pc) =	sbr.rel @p0 .LBB2_1-.Ltmp2, $3  }
0x73: {  	_ =	sdelay $0x1  }
0x74: {  	[sflag:s20] =	ssyncset.done $0x0  }
0x75: {  	[sflag:s20] =	ssyncadd.s32 $0xFFFFD800  }
0x76: {  	_ =	sfence.sel $0x180000  }
0x77: {  	[bflag:$0x0] =	sbarrier.arrive $0xFFFF  }
0x78: {  	_ =	strace $0x9000004A  }
0x79: {  	s0 =	stileid.u32;
	[bflag:$0x2] =	sbarrier.arrive $0xFFFF  }
0x7a: {  	p0 =	sne.s32 s0, $0x0;
	s0 =	rddreg [dreg:$0x3]  }
0x7b: {  	s0 =	sadd.s32 @!p0 $0x100000, s0  }
0x7c: {  	[sflag:s0] =	ssyncadd.tile.s32 @!p0 $0x1;
	_ =	shalt  }
.Lfunc_end2:
_tile_overlayer_lowered:
.L_overlay_start_2:
0x7d: {  	(tag) =	ssettag $0x2  }
0x7e: {  	s0 =	rddreg [dreg:$0x0];
	s2 =	stileid.u32  }
0x7f: {  	s1 =	rddreg [dreg:$0x1];
	p0 =	sne.s32 s2, $0x0  }
0x80: {  	s3 =	rddreg [dreg:$0x2];
	[bflag:$0x3] =	sbarrier.arrive $0xFFFF;
	s2 =	simm.s32 @!p0 $0x1C05  }
0x81: {  	[timem:s3], [sflag:s2] =	dma.local @!p0 [hbm:s0], s1  }
0x82: {  	s0 =	simm.s32 @!p0 $0x5  }
0x83: {  	_ =	swait.ge @!p0 [sflag:s0], s1  }
0x84: {  	s1 =	ssub.s32 @!p0 $0x0, s1;
	[sflag:s0] =	ssyncset.done @!p0 $0x0  }
0x85: {  	[sflag:s0] =	ssyncadd.s32 @!p0 s1  }
0x86: {  	[bflag:$0x3] =	sbarrier.arrive $0xFFFF  }
0x87: {  	_ =	shalt  }

// kernel: kernel.14.cloned.1.call-start
scs
__scs_entry_jumppad:
0x0: {  	(pc) =	sbr.rel $0x88, $3  }
0x1: {  	(tag) =	ssettag $0x0;
	lr =	simm.s32 $0x1  }
0x2: {  	[smem:$0x3F94] =	sst lr;
	_ =	strace $0xD0000000  }
0x3: {  	_ = 	snop  }
0x4: {  	_ = 	snop  }
0x5: {  	_ = 	snop  }
0x6: {  	_ = 	snop  }
0x7: {  	_ = 	snop  }
__scs_overlays_trampoline_lowered:
0x8: {  	[smem:$0x3FA3] =	sst s0  }
0x9: {  	[smem:$0x3FA4] =	sst s1  }
0xa: {  	[smem:$0x3FA5] =	sst s2  }
0xb: {  	[smem:$0x3FA6] =	sst s3  }
0xc: {  	[smem:$0x3FA7] =	sst s4  }
0xd: {  	[smem:$0x3FA8] =	sst s5  }
0xe: {  	[smem:$0x3FA9] =	sst s6  }
0xf: {  	[smem:$0x3FAA] =	sst s7  }
0x10: {  	[smem:$0x3FAB] =	sst s8  }
0x11: {  	[smem:$0x3FAC] =	sst s9;
	s0 =	simm.s32 @!p0 $0x0  }
0x12: {  	s1 =	sld [smem:$0x3F92];
	s0 =	simm.s32 @p0 $0x1  }
0x13: {  	[smem:$0x3FAD] =	sst s0;
	s0 =	simm.s32 @!p1 $0x0  }
0x14: {  	s2 =	sld [smem:$0x3F91];
	s0 =	simm.s32 @p1 $0x1  }
0x15: {  	[smem:$0x3FAE] =	sst s0;
	s0 =	simm.s32 @!p2 $0x0  }
0x16: {  	s3 =	sld [smem:$0x3FDB];
	s0 =	simm.s32 @p2 $0x1  }
0x17: {  	s4 =	simm.s32 $0x1BF5;
	[smem:$0x3FB0] =	sst s0  }
0x18: {  	s0 =	sld [smem:$0x3F93];
	_ =	swait.ge [sflag:s4], $0x0  }
0x19: {  	s7 =	sld [smem:$0x3F94]  }
0x1a: {  	s8 =	sadd.s32 $0xFFFFE003, lr  }
0x1b: {  	s9 =	sadd.s32 $0xFFFFFEF7, lr;
	s5 =	simm.s32 $0xFFFFFFFF;
	p2 =	slt.u32 s8, $0xFFFFF086  }
0x1c: {  	p1 =	slt.u32 s9, $0xF7A;
	s5 =	simm.s32 @!p2 $0x0  }
0x1d: {  	s5 =	simm.s32 @p1 $0x1;
	p0 =	seq.s32 s7, s2  }
0x1e: {  	s7 =	smul.u32 @!p0 $0xF7A, s2;
	p2 =	seq.s32 @!p0 s5, $0x0  }
0x1f: {  	s9 =	smul.u32 $0xF7A, s1;
	s8 =	simm.s32 @!p0 $0x1BF5;
	p2 =	por !p2, p0  }
0x20: {  	[sflag:s8] =	ssyncset.s32 @!p0 $0xFFFFF086;
	s6 =	sadd.s32 @!p0 s3, s7;
	s7 =	simm.s32 @!p0 $0x108  }
0x21: {  	s3 =	sadd.s32 s3, s9;
	s6 =	sadd.s32 @!p0 $0x88, s6;
	s7 =	simm.s32 @p2 $0x1082  }
0x22: {  	[simem:s7], [sflag:s8] =	dma.local @!p0 [hbm:s6], $0xF7A  }
0x23: {  	s9 =	sor.u32 $0xD0000000, s2;
	s6 =	simm.s32 $0x108;
	_ =	swait.ge @!p0 [sflag:s8], $0x0  }
0x24: {  	s3 =	sadd.s32 $0x88, s3;
	s6 =	simm.s32 @!p1 $0x1082;
	[sflag:s4] =	ssyncset.s32 $0xFFFFF086  }
0x25: {  	[simem:s6], [sflag:s4] =	dma.local [hbm:s3], $0xF7A  }
0x26: {  	[smem:$0x3F94] =	sst s1;
	(tag) =	ssettag s2;
	_ =	strace s9  }
0x27: {  	s1 =	sld [smem:$0x3FA4]  }
0x28: {  	s2 =	sld [smem:$0x3FA5]  }
0x29: {  	s4 =	sld [smem:$0x3FA7]  }
0x2a: {  	p0 =	seq.s32 s5, $0x0;
	s5 =	sld [smem:$0x3FA8]  }
0x2b: {  	s6 =	sld [smem:$0x3FA9]  }
0x2c: {  	s7 =	sld [smem:$0x3FAA]  }
0x2d: {  	s3 =	simm.s32 $0x108;
	s8 =	sld [smem:$0x3FAB]  }
0x2e: {  	s3 =	simm.s32 @!p0 $0x1082;
	s9 =	sld [smem:$0x3FAC]  }
0x2f: {  	lr =	sadd.s32 s0, s3;
	s0 =	sld [smem:$0x3FA3]  }
0x30: {  	s3 =	sld [smem:$0x3FA6]  }
0x31: {  	[smem:$0x3FAF] =	sst s10  }
0x32: {  	s10 =	sld [smem:$0x3FAD];
	_ =	sdelay $0x3  }
0x33: {  	p0 =	seq.s32 s10, $0x1;
	s10 =	sld [smem:$0x3FAF];
	_ =	sdelay $0x3  }
0x34: {  	[smem:$0x3FAF] =	sst s10  }
0x35: {  	s10 =	sld [smem:$0x3FAE];
	_ =	sdelay $0x3  }
0x36: {  	p1 =	seq.s32 s10, $0x1;
	s10 =	sld [smem:$0x3FAF];
	_ =	sdelay $0x3  }
0x37: {  	[smem:$0x3FAF] =	sst s10  }
0x38: {  	s10 =	sld [smem:$0x3FB0]  }
0x39: {  	_ = 	snop;
	(pc) =	sbr.ind lr, $3  }
0x3a: {  	_ = 	snop  }
0x3b: {  	_ = 	snop  }
0x3c: {  	p2 =	seq.s32 s10, $0x1;
	s10 =	sld [smem:$0x3FAF]  }
0x3d: {  	_ =	shalt  }
0x3e: {  	_ =	shalt  }
0x3f: {  	_ =	shalt  }
0x40: {  	_ =	shalt  }
0x41: {  	_ =	shalt  }
0x42: {  	_ =	shalt  }
0x43: {  	_ =	shalt  }
0x44: {  	_ =	shalt  }
0x45: {  	_ =	shalt  }
0x46: {  	_ =	shalt  }
0x47: {  	_ =	shalt  }
0x48: {  	_ =	shalt  }
0x49: {  	_ =	shalt  }
0x4a: {  	_ =	shalt  }
0x4b: {  	_ =	shalt  }
0x4c: {  	_ =	shalt  }
0x4d: {  	_ =	shalt  }
0x4e: {  	_ =	shalt  }
0x4f: {  	_ =	shalt  }
0x50: {  	_ =	shalt  }
0x51: {  	_ =	shalt  }
0x52: {  	_ =	shalt  }
0x53: {  	_ =	shalt  }
0x54: {  	_ =	shalt  }
0x55: {  	_ =	shalt  }
0x56: {  	_ =	shalt  }
0x57: {  	_ =	shalt  }
0x58: {  	_ =	shalt  }
0x59: {  	_ =	shalt  }
0x5a: {  	_ =	shalt  }
0x5b: {  	_ =	shalt  }
0x5c: {  	_ =	shalt  }
0x5d: {  	_ =	shalt  }
0x5e: {  	_ =	shalt  }
0x5f: {  	_ =	shalt  }
0x60: {  	_ =	shalt  }
0x61: {  	_ =	shalt  }
0x62: {  	_ =	shalt  }
0x63: {  	_ =	shalt  }
0x64: {  	_ =	shalt  }
0x65: {  	_ =	shalt  }
0x66: {  	_ =	shalt  }
0x67: {  	_ =	shalt  }
0x68: {  	_ =	shalt  }
0x69: {  	_ =	shalt  }
0x6a: {  	_ =	shalt  }
0x6b: {  	_ =	shalt  }
0x6c: {  	_ =	shalt  }
0x6d: {  	_ =	shalt  }
0x6e: {  	_ =	shalt  }
0x6f: {  	_ =	shalt  }
0x70: {  	_ =	shalt  }
0x71: {  	_ =	shalt  }
0x72: {  	_ =	shalt  }
0x73: {  	_ =	shalt  }
0x74: {  	_ =	shalt  }
0x75: {  	_ =	shalt  }
0x76: {  	_ =	shalt  }
0x77: {  	_ =	shalt  }
0x78: {  	_ =	shalt  }
0x79: {  	_ =	shalt  }
0x7a: {  	_ =	shalt  }
0x7b: {  	_ =	shalt  }
0x7c: {  	_ =	shalt  }
0x7d: {  	_ =	shalt  }
0x7e: {  	_ =	shalt  }
0x7f: {  	_ =	shalt  }
0x80: {  	_ =	shalt  }
0x81: {  	_ =	shalt  }
0x82: {  	_ =	shalt  }
0x83: {  	_ =	shalt  }
0x84: {  	_ =	shalt  }
0x85: {  	_ =	shalt  }
0x86: {  	_ =	shalt  }
0x87: {  	_ =	shalt  }
.Lfunc_end0:
.L_simem_size_0:
called_computation.2_lowered:
.L_overlay_start_0:
0x88: {  	s2 =	sld [smem:$0x3FD9]  }
0x89: {  	s3 =	sld [smem:$0x3FFE];
	_ =	sdelay $0x1  }
0x8a: {  	s1 =	srdreg.scid  }
0x8b: {  	s0 =	sand.u32 $0x1, s1  }
0x8c: {  	s16 =	sshll.u32 s0, $0xA;
	s2 =	sadd.s32 s3, s2  }
0x8d: {  	s2 =	sadd.s32 s2, s16  }
0x8e: {  	[smem:$0x3FBB] =	sst s2  }
0x8f: {  	_ = 	snop  }
0x90: {  	(tm) =	ssettm $0x1  }
0x91: {  	s17 =	sld [smem:$0x3FFB];
	_ =	sdelay $0x3  }
0x92: {  	_ =	strace s17  }
0x93: {  	s2 =	sld [smem:$0x3FFC];
	_ =	sdelay $0x3  }
0x94: {  	_ =	strace s2  }
0x95: {  	s2 =	sld [smem:$0x3FFD];
	_ =	sdelay $0x3  }
0x96: {  	_ =	strace s2  }
0x97: {  	_ =	strace $0x8FFFFFFF  }
0x98: {  	s18 =	sld [smem:$0x3FDB];
	_ =	sdelay $0x1  }
0x99: {  	s19 =	simm.s32 $_scs_section_size  }
0x9a: {  	s4 =	simm.s32 $_size__tile_overlayer_lowered;
	s5 =	simm.s32 $_tile_overlayer_lowered  }
0x9b: {  	s22 =	simm.s32 $0x1BFF;
	s21 =	sshll.u32 s5, $0x1;
	s2 =	sadd.s32 s19, s18  }
0x9c: {  	s6 =	simm.s32 $0x0;
	s20 =	sshll.u32 s4, $0x1;
	s4 =	sadd.s32 s21, s2  }
0x9d: {  	[timem:s6], [sflag:s22] =	dma.local [hbm:s4], s20  }
0x9e: {  	_ =	swait.ge [sflag:s22], s20  }
0x9f: {  	s3 =	ssub.s32 $0x0, s20;
	[sflag:s22] =	ssyncset.done $0x0  }
0xa0: {  	[sflag:s22] =	ssyncadd.s32 s3;
	_ =	sdelay $0x1  }
0xa1: {  	s23 =	simm.s32 $0x1B8B  }
0xa2: {  	_ =	swait.ge [sflag:s23], $0x1  }
0xa3: {  	[sflag:s23] =	ssyncset.done $0x0  }
0xa4: {  	s25 =	simm.s32 $0x1B8E;
	s24 =	sld [smem:$0x3FFE];
	[sflag:s23] =	ssyncadd.s32 $0xFFFFFFFF  }
0xa5: {  	s26 =	simm.s32 $execute0_lowered;
	[smem:$0x3FD2] =	sst s25  }
0xa6: {  	s4 =	sshll.u32 s26, $0x1;
	_ =	strace $0x8000004C;
	[dreg:$0x1] =	wrdreg $0xFFFFFFFF  }
0xa7: {  	s28 =	simm.s32 $_size_execute0_lowered;
	s2 =	sadd.s32 s2, s4;
	[dreg:$0x0] =	wrdreg $0x0  }
0xa8: {  	s4 =	sshll.u32 s28, $0x1;
	[dreg:$0x2] =	wrdreg s2  }
0xa9: {  	[dreg:$0x3] =	wrdreg s4  }
0xaa: {  	[dreg:$0x4] =	wrdreg $0xC0  }
0xab: {  	_ =	task [dreg:s6], $0x5FFFF  }
0xac: {  	[dreg:$0x1] =	wrdreg $0xFFFFFFFF  }
0xad: {  	[dreg:$0x0] =	wrdreg $0x60  }
0xae: {  	[dreg:$0x2] =	wrdreg s24  }
0xaf: {  	[dreg:$0x3] =	wrdreg $0x5FA00  }
0xb0: {  	[dreg:$0x4] =	wrdreg $0x9  }
0xb1: {  	_ =	task.clear_ibuf [dreg:s6], $0x5FFFF;
	_ =	strace $0x9000004C  }
0xb2: {  	s29 =	simm.s32 $0x9;
	_ =	strace $0x8000004E  }
0xb3: {  	_ =	swait.ge [sflag:s29], $0x1  }
0xb4: {  	[sflag:s29] =	ssyncadd.s32 $0xFFFFFFFF  }
0xb5: {  	_ =	strace $0x9000004E  }
0xb6: {  	_ =	sfence  }
0xb7: {  	s30 =	sld [smem:$0x0];
	_ =	sdelay $0x2  }
0xb8: {  	s31 =	sshll.u32 s1, $0xD;
	s1 =	sshrl.u32 s1, $0x2  }
0xb9: {  	s3 =	sand.u32 $0x4000, s31;
	s1 =	sadd.s32 s1, s30  }
0xba: {  	s0 =	sor.u32 s3, s0;
	s1 =	sshll.u32 s1, $0x11  }
0xbb: {  	s0 =	sor.u32 s1, s0  }
0xbc: {  	s0 =	sadd.s32 $0x8F2B, s0  }
0xbd: {  	[sflag:s0] =	ssyncadd.remote.s32 $0x1  }
0xbe: {  	_ =	sfence.sel $0xFFFF  }
0xbf: {  	[dreg:$0x0] =	wrdreg $0xFFFFFFFF;
	(pc) =	sbr.abs _section_cstart, $3  }
0xc0: {  	[dreg:$0x1] =	wrdreg $0xFFFFFFFF  }
0xc1: {  	_ =	task.clear_ibuf [dreg:s6], $0x2FFFF;
	_ =	strace $0x9FFFFFFF  }
0xc2: {  	(tm) =	ssettm $0x7FFFFFFF  }
0xc3: {  	_ =	shalt  }
tec
execute0_lowered:
.L_overlay_start_1:
0x0: {  	(tag) =	ssettag $0x1  }
0x1: {  	s0 =	rddreg [dreg:$0x0]  }
0x2: {  	s1 =	rddreg [dreg:$0x1]  }
0x3: {  	s2 =	srdreg.scid;
	s4 =	simm.s32 $0x0;
	s10 =	stileid.u32  }
0x4: {  	s19 =	simm.s32 $0xFA0;
	s20 =	simm.s32 $0x5;
	s21 =	simm.s32 $0x1  }
0x5: {  	s22 =	simm.s32 $0x2;
	s23 =	simm.s32 $0x50;
	s28 =	simm.s32 $0x4  }
0x6: {  	s29 =	simm.s32 $0x0;
	s2 =	sand.u32 $0x1, s2;
	[smem:$0x7FF] =	sst s4  }
0x7: {  	s7 =	smul.u32 $0x14000, s10;
	s4 =	sadd.s32 $0x31000, s0;
	s5 =	sadd.s32 $0x3C00, s0  }
0x8: {  	s6 =	sadd.s32 $0xDA00, s0;
	s9 =	sshll.u32 s10, $0x1;
	s10 =	smul.u32 $0x50000, s10  }
0x9: {  	s8 =	sadd.s32 $0x30A00, s0;
	s3 =	smul.u32 $0x140000, s2;
	_ =	strace $0x8000004D  }
0xa: {  	[dreg:$0x3] =	wrdreg s8;
	s12 =	ssub.s32 $0x2, s2;
	s2 =	sor.u32 s2, s9  }
0xb: {  	s13 =	sshrl.u32 s12, $0x1;
	s8 =	smul.u32 $0x2710, s2;
	s14 =	sshrl.u32 s10, $0x2  }
0xc: {  	s15 =	sadd.s32 s7, s1;
	s3 =	sadd.s32 s7, s3;
	s10 =	sadd.s32 s14, s1  }
0xd: {  	s3 =	sshrl.u32 s3, $0x3;
	s25 =	sadd.s32 $0x2800, s10;
	s26 =	sadd.s32 $0x5000, s10  }
0xe: {  	s30 =	sadd.s32 $0x7800, s10;
	s31 =	sadd.s32 $0xA000, s10;
	[dreg:$0x6] =	wrdreg s25  }
0xf: {  	s16 =	sadd.s32 $0xC800, s10;
	s17 =	sadd.s32 $0xF000, s10;
	[dreg:$0x7] =	wrdreg s26  }
0x10: {  	s18 =	sadd.s32 $0x11800, s10;
	s0 =	sadd.s32 s3, s0;
	[dreg:$0x8] =	wrdreg s30  }
0x11: {  	s3 =	ssub.s32 s12, s13;
	[dreg:$0x9] =	wrdreg s31;
	s0 =	sadd.s32 $0x121000, s0  }
0x12: {  	s25 =	sshrl.u32 s15, $0x3;
	s24 =	smax.u32 s3, $0x1;
	[dreg:$0x4] =	wrdreg s0  }
0x13: {  	s26 =	simm.s32 $0x3;
	[dreg:$0x5] =	wrdreg s24;
	s24 =	simm.s32 $0x37A0  }
.LBB2_1:
0x14: {  	s0 =	simm.s32 $0x0;
	s2 =	rddreg [dreg:$0x3]  }
0x15: {  	[tilespmem:s19], [sflag:$0x5] =	stream.linear.gather [hbm4b:s2+s0], $0x2800, $0x38;
	[tilespmem:$0x19FA0] =	vst v63  }
0x16: {  	_ =	swait.ge [sflag:s20], $0x2800  }
0x17: {  	[sflag:s20] =	ssyncset.done $0x0  }
0x18: {  	[sflag:s20] =	ssyncadd.s32 $0xFFFFD800  }
0x19: {  	[spmem:s10] =	stream.linear.scatter [tilespmem:s19], [sflag:$0x5], $0x2800, $0x38;
	[tilespmem:$0x19FA0] =	vst v63  }
0x1a: {  	_ =	swait.ge [sflag:s20], $0x2800  }
0x1b: {  	[sflag:s20] =	ssyncset.done $0x0  }
0x1c: {  	s13 =	rddreg [dreg:$0x6];
	[sflag:s20] =	ssyncadd.s32 $0xFFFFD800  }
0x1d: {  	[spmem:s13] =	stream.linear.scatter [tilespmem:s19], [sflag:$0x5], $0x2800, $0x38;
	[tilespmem:$0x19FA0] =	vst v63  }
0x1e: {  	_ =	swait.ge [sflag:s20], $0x2800  }
0x1f: {  	[sflag:s20] =	ssyncset.done $0x0  }
0x20: {  	s14 =	rddreg [dreg:$0x7];
	[sflag:s20] =	ssyncadd.s32 $0xFFFFD800  }
0x21: {  	[spmem:s14] =	stream.linear.scatter [tilespmem:s19], [sflag:$0x5], $0x2800, $0x38;
	[tilespmem:$0x19FA0] =	vst v63  }
0x22: {  	_ =	swait.ge [sflag:s20], $0x2800  }
0x23: {  	[sflag:s20] =	ssyncset.done $0x0  }
0x24: {  	s15 =	rddreg [dreg:$0x8];
	[sflag:s20] =	ssyncadd.s32 $0xFFFFD800  }
0x25: {  	[spmem:s15] =	stream.linear.scatter [tilespmem:s19], [sflag:$0x5], $0x2800, $0x38;
	[tilespmem:$0x19FA0] =	vst v63  }
0x26: {  	_ =	swait.ge [sflag:s20], $0x2800  }
0x27: {  	[sflag:s20] =	ssyncset.done $0x0  }
0x28: {  	s31 =	rddreg [dreg:$0x9];
	[sflag:s20] =	ssyncadd.s32 $0xFFFFD800  }
0x29: {  	[spmem:s31] =	stream.linear.scatter [tilespmem:s19], [sflag:$0x5], $0x2800, $0x38;
	[tilespmem:$0x19FA0] =	vst v63  }
0x2a: {  	_ =	swait.ge [sflag:s20], $0x2800  }
0x2b: {  	[sflag:s20] =	ssyncset.done $0x0  }
0x2c: {  	[sflag:s20] =	ssyncadd.s32 $0xFFFFD800  }
0x2d: {  	[spmem:s16] =	stream.linear.scatter [tilespmem:s19], [sflag:$0x5], $0x2800, $0x38;
	[tilespmem:$0x19FA0] =	vst v63  }
0x2e: {  	_ =	swait.ge [sflag:s20], $0x2800  }
0x2f: {  	[sflag:s20] =	ssyncset.done $0x0  }
0x30: {  	[sflag:s20] =	ssyncadd.s32 $0xFFFFD800  }
0x31: {  	[spmem:s17] =	stream.linear.scatter [tilespmem:s19], [sflag:$0x5], $0x2800, $0x38;
	[tilespmem:$0x19FA0] =	vst v63  }
0x32: {  	_ =	swait.ge [sflag:s20], $0x2800  }
0x33: {  	[sflag:s20] =	ssyncset.done $0x0  }
0x34: {  	[sflag:s20] =	ssyncadd.s32 $0xFFFFD800  }
0x35: {  	[spmem:s18] =	stream.linear.scatter [tilespmem:s19], [sflag:$0x5], $0x2800, $0x38;
	[tilespmem:$0x19FA0] =	vst v63  }
0x36: {  	_ =	swait.ge [sflag:s20], $0x2800  }
0x37: {  	[sflag:s20] =	ssyncset.done $0x0  }
0x38: {  	[sflag:s20] =	ssyncadd.s32 $0xFFFFD800  }
0x39: {  	s30 =	simm.s32 $0x0;
	[bflag:$0x0] =	sbarrier.arrive $0xFFFF  }
.LBB2_2:
0x3a: {  	s0 =	smul.u32 $0x7D0, s30;
	_ =	sdelay $0x1  }
0x3b: {  	s0 =	sadd.s32 s8, s0  }
0x3c: {  	s0 =	sshrl.u32 s0, $0x3  }
0x3d: {  	s3 =	simm.s32 $0x0;
	s2 =	sadd.s32 s5, s0  }
0x3e: {  	[tilespmem:s3], [sflag:$0x1] =	stream.linear.gather [hbm4b:s2+s3], $0x7D0, $0x38;
	[tilespmem:$0x19FA0] =	vst v63  }
0x3f: {  	s14 =	simm.s32 $0x7D0;
	s0 =	sadd.s32 s6, s0  }
0x40: {  	[tilespmem:s14], [sflag:$0x2] =	stream.linear.gather [hbm4b:s0+s3], $0x7D0, $0x38;
	[tilespmem:$0x19FA0] =	vst v63  }
0x41: {  	_ =	swait.ge [sflag:s21], $0x7D0  }
0x42: {  	[sflag:s21] =	ssyncset.done $0x0  }
0x43: {  	[sflag:s21] =	ssyncadd.s32 $0xFFFFF830  }
0x44: {  	_ =	swait.ge [sflag:s22], $0x7D0  }
0x45: {  	[sflag:s22] =	ssyncset.done $0x0  }
0x46: {  	s15 =	sand.u32 $0x1, s3;
	[sflag:s22] =	ssyncadd.s32 $0xFFFFF830  }
0x47: {  	[tilespmem:s19], [sflag:$0x1] =	stream.indirect.gather [hbm4b:s4+s23], $0x80, s3, s23, $0xb8;
	[tilespmem:$0x19FA0] =	vst v63  }
0x48: {  	s7 =	smul.u32 $0xA000, s15;
	s3 =	sadd.s32 $0x1, s15  }
0x49: {  	[tilespmem:s24], [sflag:$0x2] =	stream.indirect.gather [hbm4b:s4+s23], $0x80, s23, s23, $0xb8;
	[tilespmem:$0x19FA0] =	vst v63  }
0x4a: {  	s9 =	simm.s32 $0x1;
	_ =	swait.ge [sflag:s3], $0x2800  }
0x4b: {  	p0 =	por $0x0, $0x0;
	s7 =	sshrl.u32 s7, $0x2;
	[sflag:s3] =	ssyncset.done $0x0  }
0x4c: {  	s13 =	sadd.s32 $0x3, s15;
	s12 =	sadd.s32 $0xFA0, s7;
	[sflag:s3] =	ssyncadd.s32 $0xFFFFD800  }
0x4d: {  	[spmem:s1] =	stream.indirect.scatter.add.f32 [tilespmem:s12], [sflag:s13], $0x80, s14, s23, $0xb8;
	[tilespmem:$0x19FA0] =	vst v63  }
0x4e: {  	s11 =	simm.s32 $0x2;
	s31 =	simm.s32 $0xF0;
	_ =	swait.ge @!p0 [sflag:s13], $0x2800  }
0x4f: {  	s2 =	simm.s32 $0xA0;
	s7 =	sand.u32 $0x1, s9;
	[sflag:s13] =	ssyncset.done @!p0 $0x0  }
0x50: {  	s0 =	simm.s32 $0x820;
	[sflag:s13] =	ssyncadd.s32 @!p0 $0xFFFFD800;
	s13 =	simm.s32 @!p0 $0x50  }
.LBB2_3:
0x51: {  	[tilespmem:s12], [sflag:s3] =	stream.indirect.gather @!p0 [hbm4b:s4+s13], $0x80, s2, s13, $0xb8;
	[tilespmem:$0x19FA0] =	vst v63  }
0x52: {  	s13 =	smov.u32 s11;
	s2 =	smov.u32 s31;
	s14 =	sand.u32 $0x1, s11  }
0x53: {  	s12 =	smul.u32 $0xA000, s7;
	s3 =	sadd.s32 $0x1, s7;
	s11 =	sadd.s32 $0x1, s11  }
0x54: {  	p0 =	sgt.u32 s9, $0x16;
	s15 =	sadd.s32 $0x3, s7;
	_ =	swait.ge [sflag:s3], $0x2800  }
0x55: {  	p1 =	sne.s32 s11, $0x19;
	s9 =	sshrl.u32 s12, $0x2;
	[sflag:s3] =	ssyncset.done $0x0  }
.Ltmp0:
0x56: {  	s12 =	sadd.s32 $0xFA0, s9;
	[sflag:s3] =	ssyncadd.s32 $0xFFFFD800;
	(pc) =	sbr.rel @p1 .LBB2_3-.Ltmp0, $4  }
0x57: {  	[spmem:s1] =	stream.indirect.scatter.add.f32 [tilespmem:s12], [sflag:s15], $0x80, s0, s23, $0xb8;
	[tilespmem:$0x19FA0] =	vst v63  }
0x58: {  	s7 =	smov.u32 s14;
	_ =	swait.ge @!p0 [sflag:s15], $0x2800  }
0x59: {  	s9 =	smov.u32 s13;
	s0 =	sadd.s32 $0x50, s0;
	[sflag:s15] =	ssyncset.done @!p0 $0x0  }
0x5a: {  	s31 =	sadd.s32 $0x50, s31;
	s13 =	simm.s32 @!p0 $0x50;
	[sflag:s15] =	ssyncadd.s32 @!p0 $0xFFFFD800  }
0x5b: {  	[tilespmem:s12], [sflag:s3] =	stream.indirect.gather @!p0 [hbm4b:s4+s13], $0x80, s2, s13, $0xb8;
	[tilespmem:$0x19FA0] =	vst v63  }
0x5c: {  	s15 =	smul.u32 $0xA000, s7;
	s3 =	sadd.s32 $0x1, s7  }
0x5d: {  	_ =	swait.ge [sflag:s3], $0x2800  }
0x5e: {  	p0 =	sgt.u32 s9, $0x16;
	s2 =	sshrl.u32 s15, $0x2;
	[sflag:s3] =	ssyncset.done $0x0  }
0x5f: {  	s7 =	sadd.s32 $0x3, s7;
	s2 =	sadd.s32 $0xFA0, s2;
	[sflag:s3] =	ssyncadd.s32 $0xFFFFD800  }
0x60: {  	[spmem:s1] =	stream.indirect.scatter.add.f32 [tilespmem:s2], [sflag:s7], $0x80, s0, s23, $0xb8;
	[tilespmem:$0x19FA0] =	vst v63  }
0x61: {  	_ =	swait.ge @!p0 [sflag:s7], $0x2800  }
0x62: {  	[sflag:s7] =	ssyncset.done @!p0 $0x0  }
0x63: {  	s30 =	sadd.s32 $0x1, s30;
	s0 =	simm.s32 @!p0 $0x50;
	[sflag:s7] =	ssyncadd.s32 @!p0 $0xFFFFD800  }
0x64: {  	[tilespmem:s2], [sflag:s3] =	stream.indirect.gather @!p0 [hbm4b:s4+s0], $0x80, s31, s0, $0xb8;
	[tilespmem:$0x19FA0] =	vst v63  }
0x65: {  	p0 =	sne.s32 s30, $0x5;
	_ =	swait.ge [sflag:s26], $0x2800  }
.Ltmp1:
0x66: {  	[sflag:s26] =	ssyncset.done $0x0;
	(pc) =	sbr.rel @p0 .LBB2_2-.Ltmp1, $4  }
0x67: {  	[sflag:s26] =	ssyncadd.s32 $0xFFFFD800  }
0x68: {  	_ =	swait.ge [sflag:s28], $0x2800  }
0x69: {  	[sflag:s28] =	ssyncset.done $0x0  }
0x6a: {  	[sflag:s28] =	ssyncadd.s32 $0xFFFFD800  }
0x6b: {  	s0 =	stileid.u32  }
0x6c: {  	[bflag:$0x0] =	sbarrier.arrive $0xFFFF;
	s0 =	sshll.u32 s0, $0x6  }
0x6d: {  	s2 =	rddreg [dreg:$0x4];
	s0 =	sor.u32 $0x1C05, s0  }
0x6e: {  	[hbm:s2], [sflag:s0] =	dma.local [spmem:s25], $0x2800  }
0x6f: {  	_ =	swait.ge [sflag:s20], $0x2800  }
0x70: {  	s29 =	sadd.s32 $0x1, s29;
	s31 =	rddreg [dreg:$0x5]  }
0x71: {  	p0 =	sne.s32 s29, s31  }
.Ltmp2:
0x72: {  	_ = 	snop;
	(pc) =	sbr.rel @p0 .LBB2_1-.Ltmp2, $3  }
0x73: {  	_ =	sdelay $0x1  }
0x74: {  	[sflag:s20] =	ssyncset.done $0x0  }
0x75: {  	[sflag:s20] =	ssyncadd.s32 $0xFFFFD800  }
0x76: {  	_ =	sfence.sel $0x180000  }
0x77: {  	[bflag:$0x0] =	sbarrier.arrive $0xFFFF  }
0x78: {  	_ =	strace $0x9000004D  }
0x79: {  	s0 =	stileid.u32;
	[bflag:$0x2] =	sbarrier.arrive $0xFFFF  }
0x7a: {  	p0 =	sne.s32 s0, $0x0;
	s0 =	rddreg [dreg:$0x2]  }
0x7b: {  	s0 =	sadd.s32 @!p0 $0x100000, s0  }
0x7c: {  	[sflag:s0] =	ssyncadd.tile.s32 @!p0 $0x1;
	_ =	shalt  }
.Lfunc_end2:
_tile_overlayer_lowered:
.L_overlay_start_2:
0x7d: {  	(tag) =	ssettag $0x2  }
0x7e: {  	s0 =	rddreg [dreg:$0x0];
	s2 =	stileid.u32  }
0x7f: {  	s1 =	rddreg [dreg:$0x1];
	p0 =	sne.s32 s2, $0x0  }
0x80: {  	s3 =	rddreg [dreg:$0x2];
	[bflag:$0x3] =	sbarrier.arrive $0xFFFF;
	s2 =	simm.s32 @!p0 $0x1C05  }
0x81: {  	[timem:s3], [sflag:s2] =	dma.local @!p0 [hbm:s0], s1  }
0x82: {  	s0 =	simm.s32 @!p0 $0x5  }
0x83: {  	_ =	swait.ge @!p0 [sflag:s0], s1  }
0x84: {  	s1 =	ssub.s32 @!p0 $0x0, s1;
	[sflag:s0] =	ssyncset.done @!p0 $0x0  }
0x85: {  	[sflag:s0] =	ssyncadd.s32 @!p0 s1  }
0x86: {  	[bflag:$0x3] =	sbarrier.arrive $0xFFFF  }
0x87: {  	_ =	shalt  }

// kernel: kernel.17.cloned.1.call-start
scs
__scs_entry_jumppad:
0x0: {  	(pc) =	sbr.rel $0x88, $3  }
0x1: {  	(tag) =	ssettag $0x0;
	lr =	simm.s32 $0x1  }
0x2: {  	[smem:$0x3F94] =	sst lr;
	_ =	strace $0xD0000000  }
0x3: {  	_ = 	snop  }
0x4: {  	_ = 	snop  }
0x5: {  	_ = 	snop  }
0x6: {  	_ = 	snop  }
0x7: {  	_ = 	snop  }
__scs_overlays_trampoline_lowered:
0x8: {  	[smem:$0x3FA3] =	sst s0  }
0x9: {  	[smem:$0x3FA4] =	sst s1  }
0xa: {  	[smem:$0x3FA5] =	sst s2  }
0xb: {  	[smem:$0x3FA6] =	sst s3  }
0xc: {  	[smem:$0x3FA7] =	sst s4  }
0xd: {  	[smem:$0x3FA8] =	sst s5  }
0xe: {  	[smem:$0x3FA9] =	sst s6  }
0xf: {  	[smem:$0x3FAA] =	sst s7  }
0x10: {  	[smem:$0x3FAB] =	sst s8  }
0x11: {  	[smem:$0x3FAC] =	sst s9;
	s0 =	simm.s32 @!p0 $0x0  }
0x12: {  	s1 =	sld [smem:$0x3F92];
	s0 =	simm.s32 @p0 $0x1  }
0x13: {  	[smem:$0x3FAD] =	sst s0;
	s0 =	simm.s32 @!p1 $0x0  }
0x14: {  	s2 =	sld [smem:$0x3F91];
	s0 =	simm.s32 @p1 $0x1  }
0x15: {  	[smem:$0x3FAE] =	sst s0;
	s0 =	simm.s32 @!p2 $0x0  }
0x16: {  	s3 =	sld [smem:$0x3FDB];
	s0 =	simm.s32 @p2 $0x1  }
0x17: {  	s4 =	simm.s32 $0x1BF5;
	[smem:$0x3FB0] =	sst s0  }
0x18: {  	s0 =	sld [smem:$0x3F93];
	_ =	swait.ge [sflag:s4], $0x0  }
0x19: {  	s7 =	sld [smem:$0x3F94]  }
0x1a: {  	s8 =	sadd.s32 $0xFFFFE003, lr  }
0x1b: {  	s9 =	sadd.s32 $0xFFFFFEF7, lr;
	s5 =	simm.s32 $0xFFFFFFFF;
	p2 =	slt.u32 s8, $0xFFFFF086  }
0x1c: {  	p1 =	slt.u32 s9, $0xF7A;
	s5 =	simm.s32 @!p2 $0x0  }
0x1d: {  	s5 =	simm.s32 @p1 $0x1;
	p0 =	seq.s32 s7, s2  }
0x1e: {  	s7 =	smul.u32 @!p0 $0xF7A, s2;
	p2 =	seq.s32 @!p0 s5, $0x0  }
0x1f: {  	s9 =	smul.u32 $0xF7A, s1;
	s8 =	simm.s32 @!p0 $0x1BF5;
	p2 =	por !p2, p0  }
0x20: {  	[sflag:s8] =	ssyncset.s32 @!p0 $0xFFFFF086;
	s6 =	sadd.s32 @!p0 s3, s7;
	s7 =	simm.s32 @!p0 $0x108  }
0x21: {  	s3 =	sadd.s32 s3, s9;
	s6 =	sadd.s32 @!p0 $0x88, s6;
	s7 =	simm.s32 @p2 $0x1082  }
0x22: {  	[simem:s7], [sflag:s8] =	dma.local @!p0 [hbm:s6], $0xF7A  }
0x23: {  	s9 =	sor.u32 $0xD0000000, s2;
	s6 =	simm.s32 $0x108;
	_ =	swait.ge @!p0 [sflag:s8], $0x0  }
0x24: {  	s3 =	sadd.s32 $0x88, s3;
	s6 =	simm.s32 @!p1 $0x1082;
	[sflag:s4] =	ssyncset.s32 $0xFFFFF086  }
0x25: {  	[simem:s6], [sflag:s4] =	dma.local [hbm:s3], $0xF7A  }
0x26: {  	[smem:$0x3F94] =	sst s1;
	(tag) =	ssettag s2;
	_ =	strace s9  }
0x27: {  	s1 =	sld [smem:$0x3FA4]  }
0x28: {  	s2 =	sld [smem:$0x3FA5]  }
0x29: {  	s4 =	sld [smem:$0x3FA7]  }
0x2a: {  	p0 =	seq.s32 s5, $0x0;
	s5 =	sld [smem:$0x3FA8]  }
0x2b: {  	s6 =	sld [smem:$0x3FA9]  }
0x2c: {  	s7 =	sld [smem:$0x3FAA]  }
0x2d: {  	s3 =	simm.s32 $0x108;
	s8 =	sld [smem:$0x3FAB]  }
0x2e: {  	s3 =	simm.s32 @!p0 $0x1082;
	s9 =	sld [smem:$0x3FAC]  }
0x2f: {  	lr =	sadd.s32 s0, s3;
	s0 =	sld [smem:$0x3FA3]  }
0x30: {  	s3 =	sld [smem:$0x3FA6]  }
0x31: {  	[smem:$0x3FAF] =	sst s10  }
0x32: {  	s10 =	sld [smem:$0x3FAD];
	_ =	sdelay $0x3  }
0x33: {  	p0 =	seq.s32 s10, $0x1;
	s10 =	sld [smem:$0x3FAF];
	_ =	sdelay $0x3  }
0x34: {  	[smem:$0x3FAF] =	sst s10  }
0x35: {  	s10 =	sld [smem:$0x3FAE];
	_ =	sdelay $0x3  }
0x36: {  	p1 =	seq.s32 s10, $0x1;
	s10 =	sld [smem:$0x3FAF];
	_ =	sdelay $0x3  }
0x37: {  	[smem:$0x3FAF] =	sst s10  }
0x38: {  	s10 =	sld [smem:$0x3FB0]  }
0x39: {  	_ = 	snop;
	(pc) =	sbr.ind lr, $3  }
0x3a: {  	_ = 	snop  }
0x3b: {  	_ = 	snop  }
0x3c: {  	p2 =	seq.s32 s10, $0x1;
	s10 =	sld [smem:$0x3FAF]  }
0x3d: {  	_ =	shalt  }
0x3e: {  	_ =	shalt  }
0x3f: {  	_ =	shalt  }
0x40: {  	_ =	shalt  }
0x41: {  	_ =	shalt  }
0x42: {  	_ =	shalt  }
0x43: {  	_ =	shalt  }
0x44: {  	_ =	shalt  }
0x45: {  	_ =	shalt  }
0x46: {  	_ =	shalt  }
0x47: {  	_ =	shalt  }
0x48: {  	_ =	shalt  }
0x49: {  	_ =	shalt  }
0x4a: {  	_ =	shalt  }
0x4b: {  	_ =	shalt  }
0x4c: {  	_ =	shalt  }
0x4d: {  	_ =	shalt  }
0x4e: {  	_ =	shalt  }
0x4f: {  	_ =	shalt  }
0x50: {  	_ =	shalt  }
0x51: {  	_ =	shalt  }
0x52: {  	_ =	shalt  }
0x53: {  	_ =	shalt  }
0x54: {  	_ =	shalt  }
0x55: {  	_ =	shalt  }
0x56: {  	_ =	shalt  }
0x57: {  	_ =	shalt  }
0x58: {  	_ =	shalt  }
0x59: {  	_ =	shalt  }
0x5a: {  	_ =	shalt  }
0x5b: {  	_ =	shalt  }
0x5c: {  	_ =	shalt  }
0x5d: {  	_ =	shalt  }
0x5e: {  	_ =	shalt  }
0x5f: {  	_ =	shalt  }
0x60: {  	_ =	shalt  }
0x61: {  	_ =	shalt  }
0x62: {  	_ =	shalt  }
0x63: {  	_ =	shalt  }
0x64: {  	_ =	shalt  }
0x65: {  	_ =	shalt  }
0x66: {  	_ =	shalt  }
0x67: {  	_ =	shalt  }
0x68: {  	_ =	shalt  }
0x69: {  	_ =	shalt  }
0x6a: {  	_ =	shalt  }
0x6b: {  	_ =	shalt  }
0x6c: {  	_ =	shalt  }
0x6d: {  	_ =	shalt  }
0x6e: {  	_ =	shalt  }
0x6f: {  	_ =	shalt  }
0x70: {  	_ =	shalt  }
0x71: {  	_ =	shalt  }
0x72: {  	_ =	shalt  }
0x73: {  	_ =	shalt  }
0x74: {  	_ =	shalt  }
0x75: {  	_ =	shalt  }
0x76: {  	_ =	shalt  }
0x77: {  	_ =	shalt  }
0x78: {  	_ =	shalt  }
0x79: {  	_ =	shalt  }
0x7a: {  	_ =	shalt  }
0x7b: {  	_ =	shalt  }
0x7c: {  	_ =	shalt  }
0x7d: {  	_ =	shalt  }
0x7e: {  	_ =	shalt  }
0x7f: {  	_ =	shalt  }
0x80: {  	_ =	shalt  }
0x81: {  	_ =	shalt  }
0x82: {  	_ =	shalt  }
0x83: {  	_ =	shalt  }
0x84: {  	_ =	shalt  }
0x85: {  	_ =	shalt  }
0x86: {  	_ =	shalt  }
0x87: {  	_ =	shalt  }
.Lfunc_end0:
.L_simem_size_0:
called_computation.3_lowered:
.L_overlay_start_0:
0x88: {  	s2 =	sld [smem:$0x3FD9]  }
0x89: {  	s3 =	sld [smem:$0x3FFE];
	_ =	sdelay $0x1  }
0x8a: {  	s1 =	srdreg.scid  }
0x8b: {  	s0 =	sand.u32 $0x1, s1  }
0x8c: {  	s17 =	sshll.u32 s0, $0xA;
	s2 =	sadd.s32 s3, s2  }
0x8d: {  	s2 =	sadd.s32 s2, s17  }
0x8e: {  	[smem:$0x3FBB] =	sst s2  }
0x8f: {  	_ = 	snop  }
0x90: {  	s2 =	sld [smem:$0x3FD0];
	(tm) =	ssettm $0x1  }
0x91: {  	s18 =	sld [smem:$0x3FFB];
	_ =	sdelay $0x3  }
0x92: {  	_ =	strace s18  }
0x93: {  	s3 =	sld [smem:$0x3FFC];
	_ =	sdelay $0x3  }
0x94: {  	_ =	strace s3  }
0x95: {  	s3 =	sld [smem:$0x3FFD];
	_ =	sdelay $0x3  }
0x96: {  	_ =	strace s3  }
0x97: {  	_ =	strace $0x8FFFFFFF  }
0x98: {  	s19 =	sld [smem:$0x3FDB];
	_ =	sdelay $0x1  }
0x99: {  	s4 =	simm.s32 $_scs_section_size  }
0x9a: {  	s5 =	simm.s32 $_size__tile_overlayer_lowered;
	s6 =	simm.s32 $_tile_overlayer_lowered  }
0x9b: {  	s22 =	simm.s32 $0x1BFF;
	s21 =	sshll.u32 s6, $0x1;
	s3 =	sadd.s32 s4, s19  }
0x9c: {  	s7 =	simm.s32 $0x0;
	s20 =	sshll.u32 s5, $0x1;
	s5 =	sadd.s32 s21, s3  }
0x9d: {  	[timem:s7], [sflag:s22] =	dma.local [hbm:s5], s20  }
0x9e: {  	_ =	swait.ge [sflag:s22], s20  }
0x9f: {  	s4 =	ssub.s32 $0x0, s20;
	[sflag:s22] =	ssyncset.done $0x0  }
0xa0: {  	[sflag:s22] =	ssyncadd.s32 s4;
	_ =	sdelay $0x1  }
0xa1: {  	s23 =	simm.s32 $0x1B8B  }
0xa2: {  	_ =	swait.ge [sflag:s23], $0x1  }
0xa3: {  	[sflag:s23] =	ssyncset.done $0x0  }
0xa4: {  	s25 =	simm.s32 $0x1B8E;
	s24 =	sld [smem:$0x3FFE];
	[sflag:s23] =	ssyncadd.s32 $0xFFFFFFFF  }
0xa5: {  	s26 =	simm.s32 $execute0_lowered;
	[smem:$0x3FD2] =	sst s25  }
0xa6: {  	s5 =	sshll.u32 s26, $0x1;
	_ =	strace $0x8000004F;
	[dreg:$0x1] =	wrdreg $0xFFFFFFFF  }
0xa7: {  	s28 =	simm.s32 $_size_execute0_lowered;
	s3 =	sadd.s32 s3, s5;
	[dreg:$0x0] =	wrdreg $0x0  }
0xa8: {  	s5 =	sshll.u32 s28, $0x1;
	[dreg:$0x2] =	wrdreg s3  }
0xa9: {  	[dreg:$0x3] =	wrdreg s5  }
0xaa: {  	[dreg:$0x4] =	wrdreg $0xC0  }
0xab: {  	_ =	task [dreg:s7], $0x5FFFF  }
0xac: {  	[dreg:$0x1] =	wrdreg $0xFFFFFFFF  }
0xad: {  	[dreg:$0x0] =	wrdreg $0x60  }
0xae: {  	[dreg:$0x2] =	wrdreg s24  }
0xaf: {  	[dreg:$0x3] =	wrdreg s2  }
0xb0: {  	[dreg:$0x4] =	wrdreg $0x9  }
0xb1: {  	_ =	task.clear_ibuf [dreg:s7], $0x5FFFF;
	_ =	strace $0x9000004F  }
0xb2: {  	s29 =	simm.s32 $0x9;
	_ =	strace $0x80000051  }
0xb3: {  	_ =	swait.ge [sflag:s29], $0x1  }
0xb4: {  	[sflag:s29] =	ssyncadd.s32 $0xFFFFFFFF  }
0xb5: {  	_ =	strace $0x90000051  }
0xb6: {  	_ =	sfence  }
0xb7: {  	s30 =	sld [smem:$0x0];
	_ =	sdelay $0x2  }
0xb8: {  	s31 =	sshll.u32 s1, $0xD;
	s1 =	sshrl.u32 s1, $0x2  }
0xb9: {  	s3 =	sand.u32 $0x4000, s31;
	s1 =	sadd.s32 s1, s30  }
0xba: {  	s0 =	sor.u32 s3, s0;
	s1 =	sshll.u32 s1, $0x11  }
0xbb: {  	s0 =	sor.u32 s1, s0  }
0xbc: {  	s0 =	sadd.s32 $0x8F2B, s0  }
0xbd: {  	[sflag:s0] =	ssyncadd.remote.s32 $0x1  }
0xbe: {  	_ =	sfence.sel $0xFFFF  }
0xbf: {  	[dreg:$0x0] =	wrdreg $0xFFFFFFFF;
	(pc) =	sbr.abs _section_cstart, $3  }
0xc0: {  	[dreg:$0x1] =	wrdreg $0xFFFFFFFF  }
0xc1: {  	_ =	task.clear_ibuf [dreg:s7], $0x2FFFF;
	_ =	strace $0x9FFFFFFF  }
0xc2: {  	(tm) =	ssettm $0x7FFFFFFF  }
0xc3: {  	_ =	shalt  }
tec
execute0_lowered:
.L_overlay_start_1:
0x0: {  	(tag) =	ssettag $0x1  }
0x1: {  	s4 =	rddreg [dreg:$0x0];
	s1 =	srdreg.scid  }
0x2: {  	s0 =	stileid.u32;
	s6 =	rddreg [dreg:$0x1]  }
0x3: {  	s2 =	simm.s32 $0x0;
	s10 =	simm.s32 $0x2710;
	s11 =	simm.s32 $0x1  }
0x4: {  	s12 =	simm.s32 $0x2;
	s13 =	simm.s32 $0x3;
	s14 =	simm.s32 $0xEA60  }
0x5: {  	s15 =	simm.s32 $0x4;
	s3 =	sand.u32 $0x1, s1;
	s5 =	sshll.u32 s0, $0x1  }
0x6: {  	s16 =	simm.s32 $0x11170;
	s17 =	simm.s32 $0x0;
	s5 =	sor.u32 s3, s5  }
0x7: {  	[smem:$0x7FF] =	sst s2;
	s30 =	ssub.s32 $0x2, s3;
	s7 =	smul.u32 $0x4E2, s5  }
0x8: {  	s1 =	rddreg [dreg:$0x2];
	_ =	strace $0x80000050;
	s31 =	sshrl.u32 s30, $0x1  }
0x9: {  	s3 =	sadd.s32 $0x17800, s4;
	s9 =	ssub.s32 s30, s31;
	s8 =	sadd.s32 s7, s4  }
0xa: {  	s6 =	sadd.s32 s6, s7;
	s4 =	sadd.s32 $0x3C00, s8;
	s5 =	sadd.s32 $0xDA00, s8  }
0xb: {  	s7 =	sadd.s32 $0x18C00, s8;
	s8 =	smax.u32 s9, $0x1;
	s9 =	simm.s32 $0x4E20  }
.LBB2_1:
0xc: {  	[tilespmem:s9], [sflag:$0x1] =	stream.linear.gather [hbm4b:s3+s2], $0x9C40, $0x38;
	[tilespmem:$0x13880] =	vst v63  }
0xd: {  	_ = 	snop  }
0xe: {  	[tilespmem:s2], [sflag:$0x2] =	stream.linear.gather [hbm4b:s4+s2], $0x2710, $0x38;
	[tilespmem:$0x13880] =	vst v63  }
0xf: {  	_ = 	snop  }
0x10: {  	[tilespmem:s10], [sflag:$0x3] =	stream.linear.gather [hbm4b:s5+s2], $0x2710, $0x38;
	[tilespmem:$0x13880] =	vst v63  }
0x11: {  	_ =	swait.ge [sflag:s11], $0x9C40  }
0x12: {  	[sflag:s11] =	ssyncset.done $0x0  }
0x13: {  	[sflag:s11] =	ssyncadd.s32 $0xFFFF63C0  }
0x14: {  	_ =	swait.ge [sflag:s12], $0x2710  }
0x15: {  	[sflag:s12] =	ssyncset.done $0x0  }
0x16: {  	[sflag:s12] =	ssyncadd.s32 $0xFFFFD8F0  }
0x17: {  	_ =	swait.ge [sflag:s13], $0x2710  }
0x18: {  	[sflag:s13] =	ssyncset.done $0x0  }
0x19: {  	s18 =	simm.s32 $0x0;
	[sflag:s13] =	ssyncadd.s32 $0xFFFFD8F0  }
0x1a: {  	v0 =	vld [tilespmem:s18+$0x0]  }
0x1b: {  	v1 =	vld [tilespmem:s18+$0x2710];
	_ =	sdelay $0x4  }
0x1c: {  	v0 =	vshll.u32 v0, $0x2;
	v1 =	vshll.u32 v1, $0x2  }
0x1d: {  	v2 =	vor.u32 $0x2, v1;
	_ =	sdelay $0x3  }
0x1e: {  	v3 =	vld.idx.msk [tilespmem:v0+s9+$0x0], $0xffff  }
0x1f: {  	v2 =	vld.idx.msk [tilespmem:v2+s9+$0x0], $0xffff;
	_ =	sdelay $0x2  }
0x20: {  	v1 =	vor.u32 $0x3, v1  }
0x21: {  	v0 =	vor.u32 $0x1, v0  }
0x22: {  	s19 =	simm.s32 $0x10;
	v2 =	vadd.f32 v2, v3  }
0x23: {  	v4 =	vld [tilespmem:s19+$0x0]  }
0x24: {  	v5 =	vld [tilespmem:s19+$0x2710];
	[tilespmem:s18+$0xEA60] =	vst v2  }
0x25: {  	v2 =	vld.idx.msk [tilespmem:v1+s9+$0x0], $0xffff  }
0x26: {  	v3 =	vld.idx.msk [tilespmem:v0+s9+$0x0], $0xffff;
	_ =	sdelay $0x2  }
0x27: {  	s20 =	simm.s32 $0x80;
	v0 =	vshll.u32 v4, $0x2;
	v1 =	vshll.u32 v5, $0x2  }
.LBB2_2:
0x28: {  	p0 =	sne.s32 s20, $0x9C00;
	v4 =	vor.u32 $0x2, v1;
	s21 =	smov.u32 s20;
	s20 =	sadd.s32 $0x40, s20  }
0x29: {  	v2 =	vadd.f32 v2, v3;
	_ =	sdelay $0x1  }
0x2a: {  	[tilespmem:s18+$0x11170] =	vst v2;
	s18 =	smov.u32 s19  }
0x2b: {  	v2 =	vld.idx.msk [tilespmem:v0+s9+$0x0], $0xffff  }
0x2c: {  	v3 =	vld.idx.msk [tilespmem:v4+s9+$0x0], $0xffff;
	_ =	sdelay $0x3  }
0x2d: {  	v1 =	vor.u32 $0x3, v1;
	v0 =	vor.u32 $0x1, v0;
	_ =	sdelay $0x1  }
0x2e: {  	s19 =	sshra.s32 s21, $0x2;
	v2 =	vadd.f32 v3, v2  }
0x2f: {  	v4 =	vld [tilespmem:s19+$0x0]  }
0x30: {  	v5 =	vld [tilespmem:s19+$0x2710];
	[tilespmem:s18+$0xEA60] =	vst v2  }
0x31: {  	v2 =	vld.idx.msk [tilespmem:v1+s9+$0x0], $0xffff  }
.Ltmp0:
0x32: {  	v3 =	vld.idx.msk [tilespmem:v0+s9+$0x0], $0xffff;
	(pc) =	sbr.rel @p0 .LBB2_2-.Ltmp0, $2  }
0x33: {  	_ =	sdelay $0x2  }
0x34: {  	v0 =	vshll.u32 v4, $0x2;
	v1 =	vshll.u32 v5, $0x2  }
0x35: {  	v4 =	vor.u32 $0x2, v1  }
0x36: {  	v2 =	vadd.f32 v2, v3;
	_ =	sdelay $0x1  }
0x37: {  	[tilespmem:s18+$0x11170] =	vst v2  }
0x38: {  	v2 =	vld.idx.msk [tilespmem:v0+s9+$0x0], $0xffff  }
0x39: {  	v61 =	vld.idx.msk [tilespmem:v4+s9+$0x0], $0xffff;
	_ =	sdelay $0x2  }
0x3a: {  	v62 =	vor.u32 $0x3, v1  }
0x3b: {  	v63 =	vor.u32 $0x1, v0  }
0x3c: {  	v2 =	vadd.f32 v61, v2;
	_ =	sdelay $0x1  }
0x3d: {  	[tilespmem:s19+$0xEA60] =	vst v2  }
0x3e: {  	v1 =	vld.idx.msk [tilespmem:v62+s9+$0x0], $0xffff  }
0x3f: {  	v0 =	vld.idx.msk [tilespmem:v63+s9+$0x0], $0xffff;
	_ =	sdelay $0x4  }
0x40: {  	v0 =	vadd.f32 v1, v0;
	_ =	sdelay $0x1  }
0x41: {  	[tilespmem:s19+$0x11170] =	vst v0  }
0x42: {  	[hbm4b:s6+s2] =	stream.linear.scatter [tilespmem:s14], [sflag:$0x4], $0x2710, $0x38;
	[tilespmem:$0x13880] =	vst v63  }
0x43: {  	s17 =	sadd.s32 $0x1, s17;
	_ =	swait.ge [sflag:s15], $0x2710  }
0x44: {  	p0 =	sne.s32 s17, s8;
	[sflag:s15] =	ssyncset.done $0x0  }
.Ltmp1:
0x45: {  	[sflag:s15] =	ssyncadd.s32 $0xFFFFD8F0;
	(pc) =	sbr.rel @p0 .LBB2_1-.Ltmp1, $4  }
0x46: {  	[hbm4b:s7+s2] =	stream.linear.scatter [tilespmem:s16], [sflag:$0x4], $0x2710, $0x38;
	[tilespmem:$0x13880] =	vst v63  }
0x47: {  	_ =	swait.ge [sflag:s15], $0x2710  }
0x48: {  	[sflag:s15] =	ssyncset.done $0x0  }
0x49: {  	[sflag:s15] =	ssyncadd.s32 $0xFFFFD8F0  }
0x4a: {  	_ =	sfence.sel $0x180000  }
0x4b: {  	[bflag:$0x0] =	sbarrier.arrive $0xFFFF  }
0x4c: {  	p0 =	sne.s32 s0, $0x0;
	_ =	strace $0x90000050  }
0x4d: {  	s0 =	sadd.s32 @!p0 $0x100000, s1;
	[bflag:$0x2] =	sbarrier.arrive $0xFFFF  }
0x4e: {  	[sflag:s0] =	ssyncadd.tile.s32 @!p0 $0x1;
	_ =	shalt  }
.Lfunc_end2:
_tile_overlayer_lowered:
.L_overlay_start_2:
0x4f: {  	(tag) =	ssettag $0x2  }
0x50: {  	s0 =	rddreg [dreg:$0x0];
	s2 =	stileid.u32  }
0x51: {  	s1 =	rddreg [dreg:$0x1];
	p0 =	sne.s32 s2, $0x0  }
0x52: {  	s3 =	rddreg [dreg:$0x2];
	[bflag:$0x3] =	sbarrier.arrive $0xFFFF;
	s2 =	simm.s32 @!p0 $0x1C04  }
0x53: {  	[timem:s3], [sflag:s2] =	dma.local @!p0 [hbm:s0], s1  }
0x54: {  	s0 =	simm.s32 @!p0 $0x4  }
0x55: {  	_ =	swait.ge @!p0 [sflag:s0], s1  }
0x56: {  	s1 =	ssub.s32 @!p0 $0x0, s1;
	[sflag:s0] =	ssyncset.done @!p0 $0x0  }
0x57: {  	[sflag:s0] =	ssyncadd.s32 @!p0 s1  }
0x58: {  	[bflag:$0x3] =	sbarrier.arrive $0xFFFF  }
0x59: {  	_ =	shalt  }

// kernel: kernel.8.cloned.1.call-start
scs
__scs_entry_jumppad:
0x0: {  	(pc) =	sbr.rel $0x88, $3  }
0x1: {  	(tag) =	ssettag $0x0;
	lr =	simm.s32 $0x1  }
0x2: {  	[smem:$0x3F94] =	sst lr;
	_ =	strace $0xD0000000  }
0x3: {  	_ = 	snop  }
0x4: {  	_ = 	snop  }
0x5: {  	_ = 	snop  }
0x6: {  	_ = 	snop  }
0x7: {  	_ = 	snop  }
__scs_overlays_trampoline_lowered:
0x8: {  	[smem:$0x3FA3] =	sst s0  }
0x9: {  	[smem:$0x3FA4] =	sst s1  }
0xa: {  	[smem:$0x3FA5] =	sst s2  }
0xb: {  	[smem:$0x3FA6] =	sst s3  }
0xc: {  	[smem:$0x3FA7] =	sst s4  }
0xd: {  	[smem:$0x3FA8] =	sst s5  }
0xe: {  	[smem:$0x3FA9] =	sst s6  }
0xf: {  	[smem:$0x3FAA] =	sst s7  }
0x10: {  	[smem:$0x3FAB] =	sst s8  }
0x11: {  	[smem:$0x3FAC] =	sst s9;
	s0 =	simm.s32 @!p0 $0x0  }
0x12: {  	s1 =	sld [smem:$0x3F92];
	s0 =	simm.s32 @p0 $0x1  }
0x13: {  	[smem:$0x3FAD] =	sst s0;
	s0 =	simm.s32 @!p1 $0x0  }
0x14: {  	s2 =	sld [smem:$0x3F91];
	s0 =	simm.s32 @p1 $0x1  }
0x15: {  	[smem:$0x3FAE] =	sst s0;
	s0 =	simm.s32 @!p2 $0x0  }
0x16: {  	s3 =	sld [smem:$0x3FDB];
	s0 =	simm.s32 @p2 $0x1  }
0x17: {  	s4 =	simm.s32 $0x1BF5;
	[smem:$0x3FB0] =	sst s0  }
0x18: {  	s0 =	sld [smem:$0x3F93];
	_ =	swait.ge [sflag:s4], $0x0  }
0x19: {  	s7 =	sld [smem:$0x3F94]  }
0x1a: {  	s8 =	sadd.s32 $0xFFFFE003, lr  }
0x1b: {  	s9 =	sadd.s32 $0xFFFFFEF7, lr;
	s5 =	simm.s32 $0xFFFFFFFF;
	p2 =	slt.u32 s8, $0xFFFFF086  }
0x1c: {  	p1 =	slt.u32 s9, $0xF7A;
	s5 =	simm.s32 @!p2 $0x0  }
0x1d: {  	s5 =	simm.s32 @p1 $0x1;
	p0 =	seq.s32 s7, s2  }
0x1e: {  	s7 =	smul.u32 @!p0 $0xF7A, s2;
	p2 =	seq.s32 @!p0 s5, $0x0  }
0x1f: {  	s9 =	smul.u32 $0xF7A, s1;
	s8 =	simm.s32 @!p0 $0x1BF5;
	p2 =	por !p2, p0  }
0x20: {  	[sflag:s8] =	ssyncset.s32 @!p0 $0xFFFFF086;
	s6 =	sadd.s32 @!p0 s3, s7;
	s7 =	simm.s32 @!p0 $0x108  }
0x21: {  	s3 =	sadd.s32 s3, s9;
	s6 =	sadd.s32 @!p0 $0x88, s6;
	s7 =	simm.s32 @p2 $0x1082  }
0x22: {  	[simem:s7], [sflag:s8] =	dma.local @!p0 [hbm:s6], $0xF7A  }
0x23: {  	s9 =	sor.u32 $0xD0000000, s2;
	s6 =	simm.s32 $0x108;
	_ =	swait.ge @!p0 [sflag:s8], $0x0  }
0x24: {  	s3 =	sadd.s32 $0x88, s3;
	s6 =	simm.s32 @!p1 $0x1082;
	[sflag:s4] =	ssyncset.s32 $0xFFFFF086  }
0x25: {  	[simem:s6], [sflag:s4] =	dma.local [hbm:s3], $0xF7A  }
0x26: {  	[smem:$0x3F94] =	sst s1;
	(tag) =	ssettag s2;
	_ =	strace s9  }
0x27: {  	s1 =	sld [smem:$0x3FA4]  }
0x28: {  	s2 =	sld [smem:$0x3FA5]  }
0x29: {  	s4 =	sld [smem:$0x3FA7]  }
0x2a: {  	p0 =	seq.s32 s5, $0x0;
	s5 =	sld [smem:$0x3FA8]  }
0x2b: {  	s6 =	sld [smem:$0x3FA9]  }
0x2c: {  	s7 =	sld [smem:$0x3FAA]  }
0x2d: {  	s3 =	simm.s32 $0x108;
	s8 =	sld [smem:$0x3FAB]  }
0x2e: {  	s3 =	simm.s32 @!p0 $0x1082;
	s9 =	sld [smem:$0x3FAC]  }
0x2f: {  	lr =	sadd.s32 s0, s3;
	s0 =	sld [smem:$0x3FA3]  }
0x30: {  	s3 =	sld [smem:$0x3FA6]  }
0x31: {  	[smem:$0x3FAF] =	sst s10  }
0x32: {  	s10 =	sld [smem:$0x3FAD];
	_ =	sdelay $0x3  }
0x33: {  	p0 =	seq.s32 s10, $0x1;
	s10 =	sld [smem:$0x3FAF];
	_ =	sdelay $0x3  }
0x34: {  	[smem:$0x3FAF] =	sst s10  }
0x35: {  	s10 =	sld [smem:$0x3FAE];
	_ =	sdelay $0x3  }
0x36: {  	p1 =	seq.s32 s10, $0x1;
	s10 =	sld [smem:$0x3FAF];
	_ =	sdelay $0x3  }
0x37: {  	[smem:$0x3FAF] =	sst s10  }
0x38: {  	s10 =	sld [smem:$0x3FB0]  }
0x39: {  	_ = 	snop;
	(pc) =	sbr.ind lr, $3  }
0x3a: {  	_ = 	snop  }
0x3b: {  	_ = 	snop  }
0x3c: {  	p2 =	seq.s32 s10, $0x1;
	s10 =	sld [smem:$0x3FAF]  }
0x3d: {  	_ =	shalt  }
0x3e: {  	_ =	shalt  }
0x3f: {  	_ =	shalt  }
0x40: {  	_ =	shalt  }
0x41: {  	_ =	shalt  }
0x42: {  	_ =	shalt  }
0x43: {  	_ =	shalt  }
0x44: {  	_ =	shalt  }
0x45: {  	_ =	shalt  }
0x46: {  	_ =	shalt  }
0x47: {  	_ =	shalt  }
0x48: {  	_ =	shalt  }
0x49: {  	_ =	shalt  }
0x4a: {  	_ =	shalt  }
0x4b: {  	_ =	shalt  }
0x4c: {  	_ =	shalt  }
0x4d: {  	_ =	shalt  }
0x4e: {  	_ =	shalt  }
0x4f: {  	_ =	shalt  }
0x50: {  	_ =	shalt  }
0x51: {  	_ =	shalt  }
0x52: {  	_ =	shalt  }
0x53: {  	_ =	shalt  }
0x54: {  	_ =	shalt  }
0x55: {  	_ =	shalt  }
0x56: {  	_ =	shalt  }
0x57: {  	_ =	shalt  }
0x58: {  	_ =	shalt  }
0x59: {  	_ =	shalt  }
0x5a: {  	_ =	shalt  }
0x5b: {  	_ =	shalt  }
0x5c: {  	_ =	shalt  }
0x5d: {  	_ =	shalt  }
0x5e: {  	_ =	shalt  }
0x5f: {  	_ =	shalt  }
0x60: {  	_ =	shalt  }
0x61: {  	_ =	shalt  }
0x62: {  	_ =	shalt  }
0x63: {  	_ =	shalt  }
0x64: {  	_ =	shalt  }
0x65: {  	_ =	shalt  }
0x66: {  	_ =	shalt  }
0x67: {  	_ =	shalt  }
0x68: {  	_ =	shalt  }
0x69: {  	_ =	shalt  }
0x6a: {  	_ =	shalt  }
0x6b: {  	_ =	shalt  }
0x6c: {  	_ =	shalt  }
0x6d: {  	_ =	shalt  }
0x6e: {  	_ =	shalt  }
0x6f: {  	_ =	shalt  }
0x70: {  	_ =	shalt  }
0x71: {  	_ =	shalt  }
0x72: {  	_ =	shalt  }
0x73: {  	_ =	shalt  }
0x74: {  	_ =	shalt  }
0x75: {  	_ =	shalt  }
0x76: {  	_ =	shalt  }
0x77: {  	_ =	shalt  }
0x78: {  	_ =	shalt  }
0x79: {  	_ =	shalt  }
0x7a: {  	_ =	shalt  }
0x7b: {  	_ =	shalt  }
0x7c: {  	_ =	shalt  }
0x7d: {  	_ =	shalt  }
0x7e: {  	_ =	shalt  }
0x7f: {  	_ =	shalt  }
0x80: {  	_ =	shalt  }
0x81: {  	_ =	shalt  }
0x82: {  	_ =	shalt  }
0x83: {  	_ =	shalt  }
0x84: {  	_ =	shalt  }
0x85: {  	_ =	shalt  }
0x86: {  	_ =	shalt  }
0x87: {  	_ =	shalt  }
.Lfunc_end0:
.L_simem_size_0:
called_computation_lowered:
.L_overlay_start_0:
0x88: {  	s2 =	sld [smem:$0x3FD9]  }
0x89: {  	s3 =	sld [smem:$0x3FFE];
	_ =	sdelay $0x1  }
0x8a: {  	s1 =	srdreg.scid  }
0x8b: {  	s0 =	sand.u32 $0x1, s1  }
0x8c: {  	s17 =	sshll.u32 s0, $0xA;
	s2 =	sadd.s32 s3, s2  }
0x8d: {  	s2 =	sadd.s32 s2, s17  }
0x8e: {  	[smem:$0x3FBB] =	sst s2  }
0x8f: {  	_ = 	snop  }
0x90: {  	s2 =	sld [smem:$0x3FD0];
	(tm) =	ssettm $0x1  }
0x91: {  	s18 =	sld [smem:$0x3FFB];
	_ =	sdelay $0x3  }
0x92: {  	_ =	strace s18  }
0x93: {  	s3 =	sld [smem:$0x3FFC];
	_ =	sdelay $0x3  }
0x94: {  	_ =	strace s3  }
0x95: {  	s3 =	sld [smem:$0x3FFD];
	_ =	sdelay $0x3  }
0x96: {  	_ =	strace s3  }
0x97: {  	_ =	strace $0x8FFFFFFF  }
0x98: {  	s19 =	sld [smem:$0x3FDB];
	_ =	sdelay $0x1  }
0x99: {  	s4 =	simm.s32 $_scs_section_size  }
0x9a: {  	s5 =	simm.s32 $_size__tile_overlayer_lowered;
	s6 =	simm.s32 $_tile_overlayer_lowered  }
0x9b: {  	s22 =	simm.s32 $0x1BFF;
	s21 =	sshll.u32 s6, $0x1;
	s3 =	sadd.s32 s4, s19  }
0x9c: {  	s7 =	simm.s32 $0x0;
	s20 =	sshll.u32 s5, $0x1;
	s5 =	sadd.s32 s21, s3  }
0x9d: {  	[timem:s7], [sflag:s22] =	dma.local [hbm:s5], s20  }
0x9e: {  	_ =	swait.ge [sflag:s22], s20  }
0x9f: {  	s4 =	ssub.s32 $0x0, s20;
	[sflag:s22] =	ssyncset.done $0x0  }
0xa0: {  	[sflag:s22] =	ssyncadd.s32 s4;
	_ =	sdelay $0x1  }
0xa1: {  	s23 =	simm.s32 $0x1B8B  }
0xa2: {  	_ =	swait.ge [sflag:s23], $0x1  }
0xa3: {  	[sflag:s23] =	ssyncset.done $0x0  }
0xa4: {  	s25 =	simm.s32 $0x1B8E;
	s24 =	sld [smem:$0x3FFE];
	[sflag:s23] =	ssyncadd.s32 $0xFFFFFFFF  }
0xa5: {  	s26 =	simm.s32 $execute0_lowered;
	[smem:$0x3FD2] =	sst s25  }
0xa6: {  	s5 =	sshll.u32 s26, $0x1;
	_ =	strace $0x80000046;
	[dreg:$0x1] =	wrdreg $0xFFFFFFFF  }
0xa7: {  	s28 =	simm.s32 $_size_execute0_lowered;
	s3 =	sadd.s32 s3, s5;
	[dreg:$0x0] =	wrdreg $0x0  }
0xa8: {  	s5 =	sshll.u32 s28, $0x1;
	[dreg:$0x2] =	wrdreg s3  }
0xa9: {  	[dreg:$0x3] =	wrdreg s5  }
0xaa: {  	[dreg:$0x4] =	wrdreg $0xC0  }
0xab: {  	_ =	task [dreg:s7], $0x5FFFF  }
0xac: {  	[dreg:$0x1] =	wrdreg $0xFFFFFFFF  }
0xad: {  	[dreg:$0x0] =	wrdreg $0x60  }
0xae: {  	[dreg:$0x2] =	wrdreg s2  }
0xaf: {  	[dreg:$0x3] =	wrdreg s24  }
0xb0: {  	[dreg:$0x4] =	wrdreg $0x8CD00  }
0xb1: {  	[dreg:$0x5] =	wrdreg $0xB4D00  }
0xb2: {  	[dreg:$0x6] =	wrdreg $0x9  }
0xb3: {  	_ =	task.clear_ibuf [dreg:s7], $0x7FFFF;
	_ =	strace $0x90000046  }
0xb4: {  	s29 =	simm.s32 $0x9;
	_ =	strace $0x80000048  }
0xb5: {  	_ =	swait.ge [sflag:s29], $0x1  }
0xb6: {  	[sflag:s29] =	ssyncadd.s32 $0xFFFFFFFF  }
0xb7: {  	_ =	strace $0x90000048  }
0xb8: {  	_ =	sfence  }
0xb9: {  	s30 =	sld [smem:$0x0];
	_ =	sdelay $0x2  }
0xba: {  	s31 =	sshll.u32 s1, $0xD;
	s1 =	sshrl.u32 s1, $0x2  }
0xbb: {  	s3 =	sand.u32 $0x4000, s31;
	s1 =	sadd.s32 s1, s30  }
0xbc: {  	s0 =	sor.u32 s3, s0;
	s1 =	sshll.u32 s1, $0x11  }
0xbd: {  	s0 =	sor.u32 s1, s0  }
0xbe: {  	s0 =	sadd.s32 $0x8F2B, s0  }
0xbf: {  	[sflag:s0] =	ssyncadd.remote.s32 $0x1  }
0xc0: {  	_ =	sfence.sel $0xFFFF  }
0xc1: {  	[dreg:$0x0] =	wrdreg $0xFFFFFFFF;
	(pc) =	sbr.abs _section_cstart, $3  }
0xc2: {  	[dreg:$0x1] =	wrdreg $0xFFFFFFFF  }
0xc3: {  	_ =	task.clear_ibuf [dreg:s7], $0x2FFFF;
	_ =	strace $0x9FFFFFFF  }
0xc4: {  	(tm) =	ssettm $0x7FFFFFFF  }
0xc5: {  	_ =	shalt  }
tec
execute0_lowered:
.L_overlay_start_1:
0x0: {  	(tag) =	ssettag $0x1  }
0x1: {  	s0 =	rddreg [dreg:$0x0]  }
0x2: {  	s1 =	rddreg [dreg:$0x1]  }
0x3: {  	s2 =	rddreg [dreg:$0x2];
	s4 =	srdreg.scid  }
0x4: {  	s13 =	stileid.u32;
	s3 =	rddreg [dreg:$0x3]  }
0x5: {  	s15 =	simm.s32 $0xFD0;
	s16 =	simm.s32 $0x17A0;
	s17 =	simm.s32 $0x1F70  }
0x6: {  	s18 =	simm.s32 $0x2740;
	s19 =	simm.s32 $0x2F10;
	s20 =	simm.s32 $0x36E0  }
0x7: {  	s28 =	simm.s32 $0x400;
	s29 =	simm.s32 $0x480;
	s30 =	simm.s32 $0x500  }
0x8: {  	s31 =	simm.s32 $0x580;
	s5 =	sand.u32 $0x1, s4;
	s6 =	smul.u32 $0x4E200, s13  }
0x9: {  	s4 =	simm.s32 $0x0;
	s8 =	smul.u32 $0x2800, s13;
	s10 =	sadd.s32 $0x17800, s1  }
0xa: {  	s11 =	smul.u32 $0x5000, s13;
	s25 =	sshll.u32 s13, $0x6;
	[smem:$0x7FF] =	sst s4  }
0xb: {  	s7 =	smul.u32 $0x27100, s5;
	_ =	strace $0x80000047;
	[dreg:$0x12] =	wrdreg s10  }
0xc: {  	s9 =	smul.u32 $0x28000, s5;
	s22 =	ssub.s32 $0x2, s5;
	[dreg:$0x6] =	wrdreg s15  }
0xd: {  	s5 =	smul.u32 $0x2800, s5;
	s21 =	sshrl.u32 s8, $0x3;
	[dreg:$0x7] =	wrdreg s16  }
0xe: {  	s12 =	sshrl.u32 s22, $0x1;
	s24 =	sadd.s32 s8, s2;
	[dreg:$0x8] =	wrdreg s17  }
0xf: {  	s26 =	sadd.s32 s8, s3;
	s15 =	simm.s32 $0x8500;
	[dreg:$0x9] =	wrdreg s18  }
0x10: {  	s16 =	simm.s32 $0x800;
	s17 =	simm.s32 $0x1;
	[dreg:$0xa] =	wrdreg s19  }
0x11: {  	s18 =	simm.s32 $0x2;
	s19 =	simm.s32 $0x7D;
	[dreg:$0xb] =	wrdreg s20  }
0x12: {  	s20 =	simm.s32 $0x80;
	s10 =	simm.s32 $0x780;
	s6 =	sadd.s32 s7, s6  }
0x13: {  	s7 =	sadd.s32 s21, s1;
	s9 =	sadd.s32 s8, s9;
	s23 =	ssub.s32 s22, s12  }
0x14: {  	s5 =	sadd.s32 s5, s11;
	s11 =	sor.u32 $0x1C03, s25;
	s21 =	simm.s32 $0x3EB0  }
0x15: {  	s22 =	simm.s32 $0x4680;
	s25 =	simm.s32 $0x5DF0;
	[dreg:$0xc] =	wrdreg s21  }
0x16: {  	s8 =	simm.s32 $0x700;
	s6 =	sshrl.u32 s6, $0x3;
	[dreg:$0xd] =	wrdreg s22  }
0x17: {  	s9 =	sshrl.u32 s9, $0x3;
	s7 =	sadd.s32 $0x17A00, s7;
	[dreg:$0x10] =	wrdreg s25  }
0x18: {  	s5 =	sshrl.u32 s5, $0x3;
	s13 =	smax.u32 s23, $0x1;
	[dreg:$0x14] =	wrdreg s11  }
0x19: {  	s21 =	simm.s32 $0x100;
	s23 =	simm.s32 $0x4E50;
	[dreg:$0x13] =	wrdreg s7  }
0x1a: {  	s22 =	simm.s32 $0x180;
	s25 =	simm.s32 $0x300;
	[dreg:$0x17] =	wrdreg s13  }
0x1b: {  	s6 =	sadd.s32 s6, s1;
	s0 =	sadd.s32 s5, s0;
	[dreg:$0xe] =	wrdreg s23  }
0x1c: {  	s1 =	sadd.s32 s9, s1;
	s7 =	simm.s32 $0x0;
	[dreg:$0x5] =	wrdreg s0  }
0x1d: {  	s13 =	simm.s32 $0x3;
	s12 =	sadd.s32 $0x26A00, s1;
	[dreg:$0x1b] =	wrdreg s7  }
0x1e: {  	s23 =	simm.s32 $0x200;
	s1 =	sadd.s32 $0x1CA00, s1;
	[dreg:$0x15] =	wrdreg s12  }
0x1f: {  	s5 =	simm.s32 $0x6D90;
	s14 =	sadd.s32 $0x517800, s6;
	[dreg:$0x16] =	wrdreg s1  }
0x20: {  	[dreg:$0x18] =	wrdreg s14;
	s12 =	sshrl.u32 s24, $0x3;
	s24 =	simm.s32 $0x5620  }
0x21: {  	s14 =	sshrl.u32 s26, $0x3;
	s26 =	simm.s32 $0x65C0;
	[dreg:$0xf] =	wrdreg s24  }
0x22: {  	s9 =	simm.s32 $0x7560;
	s0 =	simm.s32 $0x680;
	[dreg:$0x11] =	wrdreg s26  }
0x23: {  	s6 =	simm.s32 $0x7D30;
	s1 =	simm.s32 $0x600;
	[dreg:$0x19] =	wrdreg s12  }
0x24: {  	s24 =	simm.s32 $0x280;
	s26 =	simm.s32 $0x380;
	[dreg:$0x1a] =	wrdreg s14  }
.LBB2_1:
0x25: {  	s7 =	rddreg [dreg:$0x13]  }
0x26: {  	[spmem:s12], [sflag:s11] =	dma.local [hbm:s7], $0x500  }
0x27: {  	_ =	swait.ge [sflag:s13], $0x500  }
0x28: {  	[sflag:s13] =	ssyncset.done $0x0  }
0x29: {  	[sflag:s13] =	ssyncadd.s32 $0xFFFFFB00  }
0x2a: {  	[spmem:s14], [sflag:s11] =	dma.local [hbm:s7], $0x500  }
0x2b: {  	_ =	swait.ge [sflag:s13], $0x500  }
0x2c: {  	[sflag:s13] =	ssyncset.done $0x0  }
0x2d: {  	s14 =	rddreg [dreg:$0x12];
	[sflag:s13] =	ssyncadd.s32 $0xFFFFFB00  }
0x2e: {  	[tilespmem:s15], [sflag:$0x3] =	stream.linear.gather [hbm4b:s14+s4], $0x7D0, $0x38;
	[tilespmem:$0xDCD0] =	vst v63  }
0x2f: {  	_ =	swait.ge [sflag:s13], $0x7D0  }
0x30: {  	[sflag:s13] =	ssyncset.done $0x0  }
0x31: {  	[sflag:s13] =	ssyncadd.s32 $0xFFFFF830  }
0x32: {  	[bflag:$0x0] =	sbarrier.arrive $0xFFFF  }
0x33: {  	s11 =	rddreg [dreg:$0x5]  }
0x34: {  	s7 =	sadd.s32 $0x0, s11  }
0x35: {  	[tilespmem:s4], [sflag:$0x1] =	stream.linear.gather [hbm4b:s7+s4], $0x800, $0x38;
	[tilespmem:$0xDCD0] =	vst v63  }
0x36: {  	s11 =	rddreg [dreg:$0x18]  }
0x37: {  	[tilespmem:s16], [sflag:$0x2] =	stream.linear.gather [hbm4b:s11+s4], $0x7D00, $0x38;
	[tilespmem:$0xDCD0] =	vst v63  }
0x38: {  	_ =	swait.ge [sflag:s17], $0x800  }
0x39: {  	[sflag:s17] =	ssyncset.done $0x0  }
0x3a: {  	[sflag:s17] =	ssyncadd.s32 $0xFFFFF800  }
0x3b: {  	_ =	swait.ge [sflag:s18], $0x7D00  }
0x3c: {  	[sflag:s18] =	ssyncset.done $0x0  }
0x3d: {  	[sflag:s18] =	ssyncadd.s32 $0xFFFF8300  }
0x3e: {  	[spmem:s2] =	stream.indirect.scatter.add.f32 [tilespmem:s16], [sflag:$0x1], $0x10, s4, s19, $0xb8;
	[tilespmem:$0xDCD0] =	vst v63  }
0x3f: {  	_ = 	snop  }
0x40: {  	[spmem:s3] =	stream.indirect.scatter.add.f32 [tilespmem:s15], [sflag:$0x2], $0x10, s4, s19, $0xb8;
	[tilespmem:$0xDCD0] =	vst v63  }
0x41: {  	s12 =	rddreg [dreg:$0x6]  }
0x42: {  	[spmem:s2] =	stream.indirect.scatter.add.f32 [tilespmem:s12], [sflag:$0x1], $0x10, s20, s19, $0xb8;
	[tilespmem:$0xDCD0] =	vst v63  }
0x43: {  	_ = 	snop  }
0x44: {  	[spmem:s3] =	stream.indirect.scatter.add.f32 [tilespmem:s15], [sflag:$0x2], $0x10, s20, s19, $0xb8;
	[tilespmem:$0xDCD0] =	vst v63  }
0x45: {  	s13 =	rddreg [dreg:$0x7]  }
0x46: {  	[spmem:s2] =	stream.indirect.scatter.add.f32 [tilespmem:s13], [sflag:$0x1], $0x10, s21, s19, $0xb8;
	[tilespmem:$0xDCD0] =	vst v63  }
0x47: {  	_ = 	snop  }
0x48: {  	[spmem:s3] =	stream.indirect.scatter.add.f32 [tilespmem:s15], [sflag:$0x2], $0x10, s21, s19, $0xb8;
	[tilespmem:$0xDCD0] =	vst v63  }
0x49: {  	s14 =	rddreg [dreg:$0x8]  }
0x4a: {  	[spmem:s2] =	stream.indirect.scatter.add.f32 [tilespmem:s14], [sflag:$0x1], $0x10, s22, s19, $0xb8;
	[tilespmem:$0xDCD0] =	vst v63  }
0x4b: {  	_ = 	snop  }
0x4c: {  	[spmem:s3] =	stream.indirect.scatter.add.f32 [tilespmem:s15], [sflag:$0x2], $0x10, s22, s19, $0xb8;
	[tilespmem:$0xDCD0] =	vst v63  }
0x4d: {  	s12 =	rddreg [dreg:$0x9]  }
0x4e: {  	[spmem:s2] =	stream.indirect.scatter.add.f32 [tilespmem:s12], [sflag:$0x1], $0x10, s23, s19, $0xb8;
	[tilespmem:$0xDCD0] =	vst v63  }
0x4f: {  	_ = 	snop  }
0x50: {  	[spmem:s3] =	stream.indirect.scatter.add.f32 [tilespmem:s15], [sflag:$0x2], $0x10, s23, s19, $0xb8;
	[tilespmem:$0xDCD0] =	vst v63  }
0x51: {  	s13 =	rddreg [dreg:$0xa]  }
0x52: {  	[spmem:s2] =	stream.indirect.scatter.add.f32 [tilespmem:s13], [sflag:$0x1], $0x10, s24, s19, $0xb8;
	[tilespmem:$0xDCD0] =	vst v63  }
0x53: {  	_ = 	snop  }
0x54: {  	[spmem:s3] =	stream.indirect.scatter.add.f32 [tilespmem:s15], [sflag:$0x2], $0x10, s24, s19, $0xb8;
	[tilespmem:$0xDCD0] =	vst v63  }
0x55: {  	s14 =	rddreg [dreg:$0xb]  }
0x56: {  	[spmem:s2] =	stream.indirect.scatter.add.f32 [tilespmem:s14], [sflag:$0x1], $0x10, s25, s19, $0xb8;
	[tilespmem:$0xDCD0] =	vst v63  }
0x57: {  	_ = 	snop  }
0x58: {  	[spmem:s3] =	stream.indirect.scatter.add.f32 [tilespmem:s15], [sflag:$0x2], $0x10, s25, s19, $0xb8;
	[tilespmem:$0xDCD0] =	vst v63  }
0x59: {  	s12 =	rddreg [dreg:$0xc]  }
0x5a: {  	[spmem:s2] =	stream.indirect.scatter.add.f32 [tilespmem:s12], [sflag:$0x1], $0x10, s26, s19, $0xb8;
	[tilespmem:$0xDCD0] =	vst v63  }
0x5b: {  	_ = 	snop  }
0x5c: {  	[spmem:s3] =	stream.indirect.scatter.add.f32 [tilespmem:s15], [sflag:$0x2], $0x10, s26, s19, $0xb8;
	[tilespmem:$0xDCD0] =	vst v63  }
0x5d: {  	s13 =	rddreg [dreg:$0xd]  }
0x5e: {  	[spmem:s2] =	stream.indirect.scatter.add.f32 [tilespmem:s13], [sflag:$0x1], $0x10, s28, s19, $0xb8;
	[tilespmem:$0xDCD0] =	vst v63  }
0x5f: {  	_ = 	snop  }
0x60: {  	[spmem:s3] =	stream.indirect.scatter.add.f32 [tilespmem:s15], [sflag:$0x2], $0x10, s28, s19, $0xb8;
	[tilespmem:$0xDCD0] =	vst v63  }
0x61: {  	s14 =	rddreg [dreg:$0xe]  }
0x62: {  	[spmem:s2] =	stream.indirect.scatter.add.f32 [tilespmem:s14], [sflag:$0x1], $0x10, s29, s19, $0xb8;
	[tilespmem:$0xDCD0] =	vst v63  }
0x63: {  	_ = 	snop  }
0x64: {  	[spmem:s3] =	stream.indirect.scatter.add.f32 [tilespmem:s15], [sflag:$0x2], $0x10, s29, s19, $0xb8;
	[tilespmem:$0xDCD0] =	vst v63  }
0x65: {  	s12 =	rddreg [dreg:$0xf]  }
0x66: {  	[spmem:s2] =	stream.indirect.scatter.add.f32 [tilespmem:s12], [sflag:$0x1], $0x10, s30, s19, $0xb8;
	[tilespmem:$0xDCD0] =	vst v63  }
0x67: {  	_ = 	snop  }
0x68: {  	[spmem:s3] =	stream.indirect.scatter.add.f32 [tilespmem:s15], [sflag:$0x2], $0x10, s30, s19, $0xb8;
	[tilespmem:$0xDCD0] =	vst v63  }
0x69: {  	s13 =	rddreg [dreg:$0x10]  }
0x6a: {  	[spmem:s2] =	stream.indirect.scatter.add.f32 [tilespmem:s13], [sflag:$0x1], $0x10, s31, s19, $0xb8;
	[tilespmem:$0xDCD0] =	vst v63  }
0x6b: {  	_ = 	snop  }
0x6c: {  	[spmem:s3] =	stream.indirect.scatter.add.f32 [tilespmem:s15], [sflag:$0x2], $0x10, s31, s19, $0xb8;
	[tilespmem:$0xDCD0] =	vst v63  }
0x6d: {  	s14 =	rddreg [dreg:$0x11]  }
0x6e: {  	[spmem:s2] =	stream.indirect.scatter.add.f32 [tilespmem:s14], [sflag:$0x1], $0x10, s1, s19, $0xb8;
	[tilespmem:$0xDCD0] =	vst v63  }
0x6f: {  	_ = 	snop  }
0x70: {  	[spmem:s3] =	stream.indirect.scatter.add.f32 [tilespmem:s15], [sflag:$0x2], $0x10, s1, s19, $0xb8;
	[tilespmem:$0xDCD0] =	vst v63  }
0x71: {  	_ = 	snop  }
0x72: {  	[spmem:s2] =	stream.indirect.scatter.add.f32 [tilespmem:s5], [sflag:$0x1], $0x10, s0, s19, $0xb8;
	[tilespmem:$0xDCD0] =	vst v63  }
0x73: {  	_ = 	snop  }
0x74: {  	[spmem:s3] =	stream.indirect.scatter.add.f32 [tilespmem:s15], [sflag:$0x2], $0x10, s0, s19, $0xb8;
	[tilespmem:$0xDCD0] =	vst v63  }
0x75: {  	_ = 	snop  }
0x76: {  	[spmem:s2] =	stream.indirect.scatter.add.f32 [tilespmem:s9], [sflag:$0x1], $0x10, s8, s19, $0xb8;
	[tilespmem:$0xDCD0] =	vst v63  }
0x77: {  	_ = 	snop  }
0x78: {  	[spmem:s3] =	stream.indirect.scatter.add.f32 [tilespmem:s15], [sflag:$0x2], $0x10, s8, s19, $0xb8;
	[tilespmem:$0xDCD0] =	vst v63  }
0x79: {  	_ = 	snop  }
0x7a: {  	[spmem:s2] =	stream.indirect.scatter.add.f32 [tilespmem:s6], [sflag:$0x1], $0x10, s10, s19, $0xb8;
	[tilespmem:$0xDCD0] =	vst v63  }
0x7b: {  	_ = 	snop  }
0x7c: {  	[spmem:s3] =	stream.indirect.scatter.add.f32 [tilespmem:s15], [sflag:$0x2], $0x10, s10, s19, $0xb8;
	[tilespmem:$0xDCD0] =	vst v63  }
0x7d: {  	_ =	swait.ge [sflag:s17], $0x7D0  }
0x7e: {  	[sflag:s17] =	ssyncset.done $0x0  }
0x7f: {  	[sflag:s17] =	ssyncadd.s32 $0xFFFFF830  }
0x80: {  	_ =	swait.ge [sflag:s18], $0x7D0  }
0x81: {  	[sflag:s18] =	ssyncset.done $0x0  }
0x82: {  	[sflag:s18] =	ssyncadd.s32 $0xFFFFF830  }
0x83: {  	_ =	swait.ge [sflag:s17], $0x7D0  }
0x84: {  	[sflag:s17] =	ssyncset.done $0x0  }
0x85: {  	[sflag:s17] =	ssyncadd.s32 $0xFFFFF830  }
0x86: {  	_ =	swait.ge [sflag:s18], $0x7D0  }
0x87: {  	[sflag:s18] =	ssyncset.done $0x0  }
0x88: {  	[sflag:s18] =	ssyncadd.s32 $0xFFFFF830  }
0x89: {  	_ =	swait.ge [sflag:s17], $0x7D0  }
0x8a: {  	[sflag:s17] =	ssyncset.done $0x0  }
0x8b: {  	[sflag:s17] =	ssyncadd.s32 $0xFFFFF830  }
0x8c: {  	_ =	swait.ge [sflag:s18], $0x7D0  }
0x8d: {  	[sflag:s18] =	ssyncset.done $0x0  }
0x8e: {  	[sflag:s18] =	ssyncadd.s32 $0xFFFFF830  }
0x8f: {  	_ =	swait.ge [sflag:s17], $0x7D0  }
0x90: {  	[sflag:s17] =	ssyncset.done $0x0  }
0x91: {  	[sflag:s17] =	ssyncadd.s32 $0xFFFFF830  }
0x92: {  	_ =	swait.ge [sflag:s18], $0x7D0  }
0x93: {  	[sflag:s18] =	ssyncset.done $0x0  }
0x94: {  	[sflag:s18] =	ssyncadd.s32 $0xFFFFF830  }
0x95: {  	_ =	swait.ge [sflag:s17], $0x7D0  }
0x96: {  	[sflag:s17] =	ssyncset.done $0x0  }
0x97: {  	[sflag:s17] =	ssyncadd.s32 $0xFFFFF830  }
0x98: {  	_ =	swait.ge [sflag:s18], $0x7D0  }
0x99: {  	[sflag:s18] =	ssyncset.done $0x0  }
0x9a: {  	[sflag:s18] =	ssyncadd.s32 $0xFFFFF830  }
0x9b: {  	_ =	swait.ge [sflag:s17], $0x7D0  }
0x9c: {  	[sflag:s17] =	ssyncset.done $0x0  }
0x9d: {  	[sflag:s17] =	ssyncadd.s32 $0xFFFFF830  }
0x9e: {  	_ =	swait.ge [sflag:s18], $0x7D0  }
0x9f: {  	[sflag:s18] =	ssyncset.done $0x0  }
0xa0: {  	[sflag:s18] =	ssyncadd.s32 $0xFFFFF830  }
0xa1: {  	_ =	swait.ge [sflag:s17], $0x7D0  }
0xa2: {  	[sflag:s17] =	ssyncset.done $0x0  }
0xa3: {  	[sflag:s17] =	ssyncadd.s32 $0xFFFFF830  }
0xa4: {  	_ =	swait.ge [sflag:s18], $0x7D0  }
0xa5: {  	[sflag:s18] =	ssyncset.done $0x0  }
0xa6: {  	[sflag:s18] =	ssyncadd.s32 $0xFFFFF830  }
0xa7: {  	_ =	swait.ge [sflag:s17], $0x7D0  }
0xa8: {  	[sflag:s17] =	ssyncset.done $0x0  }
0xa9: {  	[sflag:s17] =	ssyncadd.s32 $0xFFFFF830  }
0xaa: {  	_ =	swait.ge [sflag:s18], $0x7D0  }
0xab: {  	[sflag:s18] =	ssyncset.done $0x0  }
0xac: {  	[sflag:s18] =	ssyncadd.s32 $0xFFFFF830  }
0xad: {  	_ =	swait.ge [sflag:s17], $0x7D0  }
0xae: {  	[sflag:s17] =	ssyncset.done $0x0  }
0xaf: {  	[sflag:s17] =	ssyncadd.s32 $0xFFFFF830  }
0xb0: {  	_ =	swait.ge [sflag:s18], $0x7D0  }
0xb1: {  	[sflag:s18] =	ssyncset.done $0x0  }
0xb2: {  	[sflag:s18] =	ssyncadd.s32 $0xFFFFF830  }
0xb3: {  	_ =	swait.ge [sflag:s17], $0x7D0  }
0xb4: {  	[sflag:s17] =	ssyncset.done $0x0  }
0xb5: {  	[sflag:s17] =	ssyncadd.s32 $0xFFFFF830  }
0xb6: {  	_ =	swait.ge [sflag:s18], $0x7D0  }
0xb7: {  	[sflag:s18] =	ssyncset.done $0x0  }
0xb8: {  	[sflag:s18] =	ssyncadd.s32 $0xFFFFF830  }
0xb9: {  	_ =	swait.ge [sflag:s17], $0x7D0  }
0xba: {  	[sflag:s17] =	ssyncset.done $0x0  }
0xbb: {  	[sflag:s17] =	ssyncadd.s32 $0xFFFFF830  }
0xbc: {  	_ =	swait.ge [sflag:s18], $0x7D0  }
0xbd: {  	[sflag:s18] =	ssyncset.done $0x0  }
0xbe: {  	[sflag:s18] =	ssyncadd.s32 $0xFFFFF830  }
0xbf: {  	_ =	swait.ge [sflag:s17], $0x7D0  }
0xc0: {  	[sflag:s17] =	ssyncset.done $0x0  }
0xc1: {  	[sflag:s17] =	ssyncadd.s32 $0xFFFFF830  }
0xc2: {  	_ =	swait.ge [sflag:s18], $0x7D0  }
0xc3: {  	[sflag:s18] =	ssyncset.done $0x0  }
0xc4: {  	[sflag:s18] =	ssyncadd.s32 $0xFFFFF830  }
0xc5: {  	_ =	swait.ge [sflag:s17], $0x7D0  }
0xc6: {  	[sflag:s17] =	ssyncset.done $0x0  }
0xc7: {  	[sflag:s17] =	ssyncadd.s32 $0xFFFFF830  }
0xc8: {  	_ =	swait.ge [sflag:s18], $0x7D0  }
0xc9: {  	[sflag:s18] =	ssyncset.done $0x0  }
0xca: {  	[sflag:s18] =	ssyncadd.s32 $0xFFFFF830  }
0xcb: {  	_ =	swait.ge [sflag:s17], $0x7D0  }
0xcc: {  	[sflag:s17] =	ssyncset.done $0x0  }
0xcd: {  	[sflag:s17] =	ssyncadd.s32 $0xFFFFF830  }
0xce: {  	_ =	swait.ge [sflag:s18], $0x7D0  }
0xcf: {  	[sflag:s18] =	ssyncset.done $0x0  }
0xd0: {  	[sflag:s18] =	ssyncadd.s32 $0xFFFFF830  }
0xd1: {  	_ =	swait.ge [sflag:s17], $0x7D0  }
0xd2: {  	[sflag:s17] =	ssyncset.done $0x0  }
0xd3: {  	[sflag:s17] =	ssyncadd.s32 $0xFFFFF830  }
0xd4: {  	_ =	swait.ge [sflag:s18], $0x7D0  }
0xd5: {  	[sflag:s18] =	ssyncset.done $0x0  }
0xd6: {  	[sflag:s18] =	ssyncadd.s32 $0xFFFFF830  }
0xd7: {  	_ =	swait.ge [sflag:s17], $0x7D0  }
0xd8: {  	[sflag:s17] =	ssyncset.done $0x0  }
0xd9: {  	[sflag:s17] =	ssyncadd.s32 $0xFFFFF830  }
0xda: {  	s7 =	simm.s32 $0x200;
	_ =	swait.ge [sflag:s18], $0x7D0  }
0xdb: {  	s14 =	simm.s32 $0x100;
	s13 =	rddreg [dreg:$0x5];
	[sflag:s18] =	ssyncset.done $0x0  }
.LBB2_2:
0xdc: {  	[sflag:s18] =	ssyncadd.s32 $0xFFFFF830;
	s13 =	sadd.s32 s14, s13  }
0xdd: {  	[tilespmem:s4], [sflag:$0x1] =	stream.linear.gather [hbm4b:s13+s4], $0x800, $0x38;
	[tilespmem:$0xDCD0] =	vst v63  }
0xde: {  	s11 =	sadd.s32 $0xFA0, s11  }
0xdf: {  	[tilespmem:s16], [sflag:$0x2] =	stream.linear.gather [hbm4b:s11+s4], $0x7D00, $0x38;
	[tilespmem:$0xDCD0] =	vst v63  }
0xe0: {  	_ =	swait.ge [sflag:s17], $0x800  }
0xe1: {  	[sflag:s17] =	ssyncset.done $0x0  }
0xe2: {  	[sflag:s17] =	ssyncadd.s32 $0xFFFFF800  }
0xe3: {  	_ =	swait.ge [sflag:s18], $0x7D00  }
0xe4: {  	[sflag:s18] =	ssyncset.done $0x0  }
0xe5: {  	[sflag:s18] =	ssyncadd.s32 $0xFFFF8300  }
0xe6: {  	[spmem:s2] =	stream.indirect.scatter.add.f32 [tilespmem:s16], [sflag:$0x1], $0x10, s4, s19, $0xb8;
	[tilespmem:$0xDCD0] =	vst v63  }
0xe7: {  	_ = 	snop  }
0xe8: {  	[spmem:s3] =	stream.indirect.scatter.add.f32 [tilespmem:s15], [sflag:$0x2], $0x10, s4, s19, $0xb8;
	[tilespmem:$0xDCD0] =	vst v63  }
0xe9: {  	s13 =	rddreg [dreg:$0x6]  }
0xea: {  	[spmem:s2] =	stream.indirect.scatter.add.f32 [tilespmem:s13], [sflag:$0x1], $0x10, s20, s19, $0xb8;
	[tilespmem:$0xDCD0] =	vst v63  }
0xeb: {  	_ = 	snop  }
0xec: {  	[spmem:s3] =	stream.indirect.scatter.add.f32 [tilespmem:s15], [sflag:$0x2], $0x10, s20, s19, $0xb8;
	[tilespmem:$0xDCD0] =	vst v63  }
0xed: {  	s13 =	rddreg [dreg:$0x7]  }
0xee: {  	[spmem:s2] =	stream.indirect.scatter.add.f32 [tilespmem:s13], [sflag:$0x1], $0x10, s21, s19, $0xb8;
	[tilespmem:$0xDCD0] =	vst v63  }
0xef: {  	_ = 	snop  }
0xf0: {  	[spmem:s3] =	stream.indirect.scatter.add.f32 [tilespmem:s15], [sflag:$0x2], $0x10, s21, s19, $0xb8;
	[tilespmem:$0xDCD0] =	vst v63  }
0xf1: {  	s13 =	rddreg [dreg:$0x8]  }
0xf2: {  	[spmem:s2] =	stream.indirect.scatter.add.f32 [tilespmem:s13], [sflag:$0x1], $0x10, s22, s19, $0xb8;
	[tilespmem:$0xDCD0] =	vst v63  }
0xf3: {  	_ = 	snop  }
0xf4: {  	[spmem:s3] =	stream.indirect.scatter.add.f32 [tilespmem:s15], [sflag:$0x2], $0x10, s22, s19, $0xb8;
	[tilespmem:$0xDCD0] =	vst v63  }
0xf5: {  	s13 =	rddreg [dreg:$0x9]  }
0xf6: {  	[spmem:s2] =	stream.indirect.scatter.add.f32 [tilespmem:s13], [sflag:$0x1], $0x10, s23, s19, $0xb8;
	[tilespmem:$0xDCD0] =	vst v63  }
0xf7: {  	_ = 	snop  }
0xf8: {  	[spmem:s3] =	stream.indirect.scatter.add.f32 [tilespmem:s15], [sflag:$0x2], $0x10, s23, s19, $0xb8;
	[tilespmem:$0xDCD0] =	vst v63  }
0xf9: {  	s13 =	rddreg [dreg:$0xa]  }
0xfa: {  	[spmem:s2] =	stream.indirect.scatter.add.f32 [tilespmem:s13], [sflag:$0x1], $0x10, s24, s19, $0xb8;
	[tilespmem:$0xDCD0] =	vst v63  }
0xfb: {  	_ = 	snop  }
0xfc: {  	[spmem:s3] =	stream.indirect.scatter.add.f32 [tilespmem:s15], [sflag:$0x2], $0x10, s24, s19, $0xb8;
	[tilespmem:$0xDCD0] =	vst v63  }
0xfd: {  	s13 =	rddreg [dreg:$0xb]  }
0xfe: {  	[spmem:s2] =	stream.indirect.scatter.add.f32 [tilespmem:s13], [sflag:$0x1], $0x10, s25, s19, $0xb8;
	[tilespmem:$0xDCD0] =	vst v63  }
0xff: {  	_ = 	snop  }
0x100: {  	[spmem:s3] =	stream.indirect.scatter.add.f32 [tilespmem:s15], [sflag:$0x2], $0x10, s25, s19, $0xb8;
	[tilespmem:$0xDCD0] =	vst v63  }
0x101: {  	s13 =	rddreg [dreg:$0xc]  }
0x102: {  	[spmem:s2] =	stream.indirect.scatter.add.f32 [tilespmem:s13], [sflag:$0x1], $0x10, s26, s19, $0xb8;
	[tilespmem:$0xDCD0] =	vst v63  }
0x103: {  	_ = 	snop  }
0x104: {  	[spmem:s3] =	stream.indirect.scatter.add.f32 [tilespmem:s15], [sflag:$0x2], $0x10, s26, s19, $0xb8;
	[tilespmem:$0xDCD0] =	vst v63  }
0x105: {  	s13 =	rddreg [dreg:$0xd]  }
0x106: {  	[spmem:s2] =	stream.indirect.scatter.add.f32 [tilespmem:s13], [sflag:$0x1], $0x10, s28, s19, $0xb8;
	[tilespmem:$0xDCD0] =	vst v63  }
0x107: {  	_ = 	snop  }
0x108: {  	[spmem:s3] =	stream.indirect.scatter.add.f32 [tilespmem:s15], [sflag:$0x2], $0x10, s28, s19, $0xb8;
	[tilespmem:$0xDCD0] =	vst v63  }
0x109: {  	s13 =	rddreg [dreg:$0xe]  }
0x10a: {  	[spmem:s2] =	stream.indirect.scatter.add.f32 [tilespmem:s13], [sflag:$0x1], $0x10, s29, s19, $0xb8;
	[tilespmem:$0xDCD0] =	vst v63  }
0x10b: {  	_ = 	snop  }
0x10c: {  	[spmem:s3] =	stream.indirect.scatter.add.f32 [tilespmem:s15], [sflag:$0x2], $0x10, s29, s19, $0xb8;
	[tilespmem:$0xDCD0] =	vst v63  }
0x10d: {  	s13 =	rddreg [dreg:$0xf]  }
0x10e: {  	[spmem:s2] =	stream.indirect.scatter.add.f32 [tilespmem:s13], [sflag:$0x1], $0x10, s30, s19, $0xb8;
	[tilespmem:$0xDCD0] =	vst v63  }
0x10f: {  	_ = 	snop  }
0x110: {  	[spmem:s3] =	stream.indirect.scatter.add.f32 [tilespmem:s15], [sflag:$0x2], $0x10, s30, s19, $0xb8;
	[tilespmem:$0xDCD0] =	vst v63  }
0x111: {  	s13 =	rddreg [dreg:$0x10]  }
0x112: {  	[spmem:s2] =	stream.indirect.scatter.add.f32 [tilespmem:s13], [sflag:$0x1], $0x10, s31, s19, $0xb8;
	[tilespmem:$0xDCD0] =	vst v63  }
0x113: {  	_ = 	snop  }
0x114: {  	[spmem:s3] =	stream.indirect.scatter.add.f32 [tilespmem:s15], [sflag:$0x2], $0x10, s31, s19, $0xb8;
	[tilespmem:$0xDCD0] =	vst v63  }
0x115: {  	s13 =	rddreg [dreg:$0x11]  }
0x116: {  	[spmem:s2] =	stream.indirect.scatter.add.f32 [tilespmem:s13], [sflag:$0x1], $0x10, s1, s19, $0xb8;
	[tilespmem:$0xDCD0] =	vst v63  }
0x117: {  	_ = 	snop  }
0x118: {  	[spmem:s3] =	stream.indirect.scatter.add.f32 [tilespmem:s15], [sflag:$0x2], $0x10, s1, s19, $0xb8;
	[tilespmem:$0xDCD0] =	vst v63  }
0x119: {  	_ = 	snop  }
0x11a: {  	[spmem:s2] =	stream.indirect.scatter.add.f32 [tilespmem:s5], [sflag:$0x1], $0x10, s0, s19, $0xb8;
	[tilespmem:$0xDCD0] =	vst v63  }
0x11b: {  	_ = 	snop  }
0x11c: {  	[spmem:s3] =	stream.indirect.scatter.add.f32 [tilespmem:s15], [sflag:$0x2], $0x10, s0, s19, $0xb8;
	[tilespmem:$0xDCD0] =	vst v63  }
0x11d: {  	_ = 	snop  }
0x11e: {  	[spmem:s2] =	stream.indirect.scatter.add.f32 [tilespmem:s9], [sflag:$0x1], $0x10, s8, s19, $0xb8;
	[tilespmem:$0xDCD0] =	vst v63  }
0x11f: {  	_ = 	snop  }
0x120: {  	[spmem:s3] =	stream.indirect.scatter.add.f32 [tilespmem:s15], [sflag:$0x2], $0x10, s8, s19, $0xb8;
	[tilespmem:$0xDCD0] =	vst v63  }
0x121: {  	_ = 	snop  }
0x122: {  	[spmem:s2] =	stream.indirect.scatter.add.f32 [tilespmem:s6], [sflag:$0x1], $0x10, s10, s19, $0xb8;
	[tilespmem:$0xDCD0] =	vst v63  }
0x123: {  	_ = 	snop  }
0x124: {  	[spmem:s3] =	stream.indirect.scatter.add.f32 [tilespmem:s15], [sflag:$0x2], $0x10, s10, s19, $0xb8;
	[tilespmem:$0xDCD0] =	vst v63  }
0x125: {  	_ =	swait.ge [sflag:s17], $0x7D0  }
0x126: {  	[sflag:s17] =	ssyncset.done $0x0  }
0x127: {  	[sflag:s17] =	ssyncadd.s32 $0xFFFFF830  }
0x128: {  	_ =	swait.ge [sflag:s18], $0x7D0  }
0x129: {  	[sflag:s18] =	ssyncset.done $0x0  }
0x12a: {  	[sflag:s18] =	ssyncadd.s32 $0xFFFFF830  }
0x12b: {  	_ =	swait.ge [sflag:s17], $0x7D0  }
0x12c: {  	[sflag:s17] =	ssyncset.done $0x0  }
0x12d: {  	[sflag:s17] =	ssyncadd.s32 $0xFFFFF830  }
0x12e: {  	_ =	swait.ge [sflag:s18], $0x7D0  }
0x12f: {  	[sflag:s18] =	ssyncset.done $0x0  }
0x130: {  	[sflag:s18] =	ssyncadd.s32 $0xFFFFF830  }
0x131: {  	_ =	swait.ge [sflag:s17], $0x7D0  }
0x132: {  	[sflag:s17] =	ssyncset.done $0x0  }
0x133: {  	[sflag:s17] =	ssyncadd.s32 $0xFFFFF830  }
0x134: {  	_ =	swait.ge [sflag:s18], $0x7D0  }
0x135: {  	[sflag:s18] =	ssyncset.done $0x0  }
0x136: {  	[sflag:s18] =	ssyncadd.s32 $0xFFFFF830  }
0x137: {  	_ =	swait.ge [sflag:s17], $0x7D0  }
0x138: {  	[sflag:s17] =	ssyncset.done $0x0  }
0x139: {  	[sflag:s17] =	ssyncadd.s32 $0xFFFFF830  }
0x13a: {  	_ =	swait.ge [sflag:s18], $0x7D0  }
0x13b: {  	[sflag:s18] =	ssyncset.done $0x0  }
0x13c: {  	[sflag:s18] =	ssyncadd.s32 $0xFFFFF830  }
0x13d: {  	_ =	swait.ge [sflag:s17], $0x7D0  }
0x13e: {  	[sflag:s17] =	ssyncset.done $0x0  }
0x13f: {  	[sflag:s17] =	ssyncadd.s32 $0xFFFFF830  }
0x140: {  	_ =	swait.ge [sflag:s18], $0x7D0  }
0x141: {  	[sflag:s18] =	ssyncset.done $0x0  }
0x142: {  	[sflag:s18] =	ssyncadd.s32 $0xFFFFF830  }
0x143: {  	_ =	swait.ge [sflag:s17], $0x7D0  }
0x144: {  	[sflag:s17] =	ssyncset.done $0x0  }
0x145: {  	[sflag:s17] =	ssyncadd.s32 $0xFFFFF830  }
0x146: {  	_ =	swait.ge [sflag:s18], $0x7D0  }
0x147: {  	[sflag:s18] =	ssyncset.done $0x0  }
0x148: {  	[sflag:s18] =	ssyncadd.s32 $0xFFFFF830  }
0x149: {  	_ =	swait.ge [sflag:s17], $0x7D0  }
0x14a: {  	[sflag:s17] =	ssyncset.done $0x0  }
0x14b: {  	[sflag:s17] =	ssyncadd.s32 $0xFFFFF830  }
0x14c: {  	_ =	swait.ge [sflag:s18], $0x7D0  }
0x14d: {  	[sflag:s18] =	ssyncset.done $0x0  }
0x14e: {  	[sflag:s18] =	ssyncadd.s32 $0xFFFFF830  }
0x14f: {  	_ =	swait.ge [sflag:s17], $0x7D0  }
0x150: {  	[sflag:s17] =	ssyncset.done $0x0  }
0x151: {  	[sflag:s17] =	ssyncadd.s32 $0xFFFFF830  }
0x152: {  	_ =	swait.ge [sflag:s18], $0x7D0  }
0x153: {  	[sflag:s18] =	ssyncset.done $0x0  }
0x154: {  	[sflag:s18] =	ssyncadd.s32 $0xFFFFF830  }
0x155: {  	_ =	swait.ge [sflag:s17], $0x7D0  }
0x156: {  	[sflag:s17] =	ssyncset.done $0x0  }
0x157: {  	[sflag:s17] =	ssyncadd.s32 $0xFFFFF830  }
0x158: {  	_ =	swait.ge [sflag:s18], $0x7D0  }
0x159: {  	[sflag:s18] =	ssyncset.done $0x0  }
0x15a: {  	[sflag:s18] =	ssyncadd.s32 $0xFFFFF830  }
0x15b: {  	_ =	swait.ge [sflag:s17], $0x7D0  }
0x15c: {  	[sflag:s17] =	ssyncset.done $0x0  }
0x15d: {  	[sflag:s17] =	ssyncadd.s32 $0xFFFFF830  }
0x15e: {  	_ =	swait.ge [sflag:s18], $0x7D0  }
0x15f: {  	[sflag:s18] =	ssyncset.done $0x0  }
0x160: {  	[sflag:s18] =	ssyncadd.s32 $0xFFFFF830  }
0x161: {  	_ =	swait.ge [sflag:s17], $0x7D0  }
0x162: {  	[sflag:s17] =	ssyncset.done $0x0  }
0x163: {  	[sflag:s17] =	ssyncadd.s32 $0xFFFFF830  }
0x164: {  	_ =	swait.ge [sflag:s18], $0x7D0  }
0x165: {  	[sflag:s18] =	ssyncset.done $0x0  }
0x166: {  	[sflag:s18] =	ssyncadd.s32 $0xFFFFF830  }
0x167: {  	_ =	swait.ge [sflag:s17], $0x7D0  }
0x168: {  	[sflag:s17] =	ssyncset.done $0x0  }
0x169: {  	[sflag:s17] =	ssyncadd.s32 $0xFFFFF830  }
0x16a: {  	_ =	swait.ge [sflag:s18], $0x7D0  }
0x16b: {  	[sflag:s18] =	ssyncset.done $0x0  }
0x16c: {  	[sflag:s18] =	ssyncadd.s32 $0xFFFFF830  }
0x16d: {  	_ =	swait.ge [sflag:s17], $0x7D0  }
0x16e: {  	[sflag:s17] =	ssyncset.done $0x0  }
0x16f: {  	[sflag:s17] =	ssyncadd.s32 $0xFFFFF830  }
0x170: {  	_ =	swait.ge [sflag:s18], $0x7D0  }
0x171: {  	[sflag:s18] =	ssyncset.done $0x0  }
0x172: {  	[sflag:s18] =	ssyncadd.s32 $0xFFFFF830  }
0x173: {  	_ =	swait.ge [sflag:s17], $0x7D0  }
0x174: {  	[sflag:s17] =	ssyncset.done $0x0  }
0x175: {  	[sflag:s17] =	ssyncadd.s32 $0xFFFFF830  }
0x176: {  	_ =	swait.ge [sflag:s18], $0x7D0  }
0x177: {  	[sflag:s18] =	ssyncset.done $0x0  }
0x178: {  	[sflag:s18] =	ssyncadd.s32 $0xFFFFF830  }
0x179: {  	_ =	swait.ge [sflag:s17], $0x7D0  }
0x17a: {  	[sflag:s17] =	ssyncset.done $0x0  }
0x17b: {  	[sflag:s17] =	ssyncadd.s32 $0xFFFFF830  }
0x17c: {  	_ =	swait.ge [sflag:s18], $0x7D0  }
0x17d: {  	[sflag:s18] =	ssyncset.done $0x0  }
0x17e: {  	p0 =	sne.s32 s7, $0x400;
	[sflag:s18] =	ssyncadd.s32 $0xFFFFF830  }
.Ltmp0:
0x17f: {  	_ =	swait.ge [sflag:s17], $0x7D0;
	(pc) =	sbr.rel @p0 .LBB2_2-.Ltmp0, $4  }
0x180: {  	[sflag:s17] =	ssyncset.done $0x0  }
0x181: {  	[sflag:s17] =	ssyncadd.s32 $0xFFFFF830  }
0x182: {  	s12 =	smov.u32 s7;
	s7 =	sadd.s32 $0x100, s7;
	_ =	swait.ge [sflag:s18], $0x7D0  }
0x183: {  	s14 =	smov.u32 s12;
	s13 =	rddreg [dreg:$0x5];
	[sflag:s18] =	ssyncset.done $0x0  }
0x184: {  	s7 =	sadd.s32 s14, s13;
	[sflag:s18] =	ssyncadd.s32 $0xFFFFF830  }
0x185: {  	[tilespmem:s4], [sflag:$0x1] =	stream.linear.gather [hbm4b:s7+s4], $0x800, $0x38;
	[tilespmem:$0xDCD0] =	vst v63  }
0x186: {  	s13 =	sadd.s32 $0xFA0, s11  }
0x187: {  	[tilespmem:s16], [sflag:$0x2] =	stream.linear.gather [hbm4b:s13+s4], $0x7D00, $0x38;
	[tilespmem:$0xDCD0] =	vst v63  }
0x188: {  	_ =	swait.ge [sflag:s17], $0x800  }
0x189: {  	[sflag:s17] =	ssyncset.done $0x0  }
0x18a: {  	[sflag:s17] =	ssyncadd.s32 $0xFFFFF800  }
0x18b: {  	_ =	swait.ge [sflag:s18], $0x7D00  }
0x18c: {  	[sflag:s18] =	ssyncset.done $0x0  }
0x18d: {  	[sflag:s18] =	ssyncadd.s32 $0xFFFF8300  }
0x18e: {  	[spmem:s2] =	stream.indirect.scatter.add.f32 [tilespmem:s16], [sflag:$0x1], $0x10, s4, s19, $0xb8;
	[tilespmem:$0xDCD0] =	vst v63  }
0x18f: {  	_ = 	snop  }
0x190: {  	[spmem:s3] =	stream.indirect.scatter.add.f32 [tilespmem:s15], [sflag:$0x2], $0x10, s4, s19, $0xb8;
	[tilespmem:$0xDCD0] =	vst v63  }
0x191: {  	s14 =	rddreg [dreg:$0x6]  }
0x192: {  	[spmem:s2] =	stream.indirect.scatter.add.f32 [tilespmem:s14], [sflag:$0x1], $0x10, s20, s19, $0xb8;
	[tilespmem:$0xDCD0] =	vst v63  }
0x193: {  	_ = 	snop  }
0x194: {  	[spmem:s3] =	stream.indirect.scatter.add.f32 [tilespmem:s15], [sflag:$0x2], $0x10, s20, s19, $0xb8;
	[tilespmem:$0xDCD0] =	vst v63  }
0x195: {  	s11 =	rddreg [dreg:$0x7]  }
0x196: {  	[spmem:s2] =	stream.indirect.scatter.add.f32 [tilespmem:s11], [sflag:$0x1], $0x10, s21, s19, $0xb8;
	[tilespmem:$0xDCD0] =	vst v63  }
0x197: {  	_ = 	snop  }
0x198: {  	[spmem:s3] =	stream.indirect.scatter.add.f32 [tilespmem:s15], [sflag:$0x2], $0x10, s21, s19, $0xb8;
	[tilespmem:$0xDCD0] =	vst v63  }
0x199: {  	s12 =	rddreg [dreg:$0x8]  }
0x19a: {  	[spmem:s2] =	stream.indirect.scatter.add.f32 [tilespmem:s12], [sflag:$0x1], $0x10, s22, s19, $0xb8;
	[tilespmem:$0xDCD0] =	vst v63  }
0x19b: {  	_ = 	snop  }
0x19c: {  	[spmem:s3] =	stream.indirect.scatter.add.f32 [tilespmem:s15], [sflag:$0x2], $0x10, s22, s19, $0xb8;
	[tilespmem:$0xDCD0] =	vst v63  }
0x19d: {  	s13 =	rddreg [dreg:$0x9]  }
0x19e: {  	[spmem:s2] =	stream.indirect.scatter.add.f32 [tilespmem:s13], [sflag:$0x1], $0x10, s23, s19, $0xb8;
	[tilespmem:$0xDCD0] =	vst v63  }
0x19f: {  	_ = 	snop  }
0x1a0: {  	[spmem:s3] =	stream.indirect.scatter.add.f32 [tilespmem:s15], [sflag:$0x2], $0x10, s23, s19, $0xb8;
	[tilespmem:$0xDCD0] =	vst v63  }
0x1a1: {  	s14 =	rddreg [dreg:$0xa]  }
0x1a2: {  	[spmem:s2] =	stream.indirect.scatter.add.f32 [tilespmem:s14], [sflag:$0x1], $0x10, s24, s19, $0xb8;
	[tilespmem:$0xDCD0] =	vst v63  }
0x1a3: {  	_ = 	snop  }
0x1a4: {  	[spmem:s3] =	stream.indirect.scatter.add.f32 [tilespmem:s15], [sflag:$0x2], $0x10, s24, s19, $0xb8;
	[tilespmem:$0xDCD0] =	vst v63  }
0x1a5: {  	s11 =	rddreg [dreg:$0xb]  }
0x1a6: {  	[spmem:s2] =	stream.indirect.scatter.add.f32 [tilespmem:s11], [sflag:$0x1], $0x10, s25, s19, $0xb8;
	[tilespmem:$0xDCD0] =	vst v63  }
0x1a7: {  	_ = 	snop  }
0x1a8: {  	[spmem:s3] =	stream.indirect.scatter.add.f32 [tilespmem:s15], [sflag:$0x2], $0x10, s25, s19, $0xb8;
	[tilespmem:$0xDCD0] =	vst v63  }
0x1a9: {  	s12 =	rddreg [dreg:$0xc]  }
0x1aa: {  	[spmem:s2] =	stream.indirect.scatter.add.f32 [tilespmem:s12], [sflag:$0x1], $0x10, s26, s19, $0xb8;
	[tilespmem:$0xDCD0] =	vst v63  }
0x1ab: {  	_ = 	snop  }
0x1ac: {  	[spmem:s3] =	stream.indirect.scatter.add.f32 [tilespmem:s15], [sflag:$0x2], $0x10, s26, s19, $0xb8;
	[tilespmem:$0xDCD0] =	vst v63  }
0x1ad: {  	s13 =	rddreg [dreg:$0xd]  }
0x1ae: {  	[spmem:s2] =	stream.indirect.scatter.add.f32 [tilespmem:s13], [sflag:$0x1], $0x10, s28, s19, $0xb8;
	[tilespmem:$0xDCD0] =	vst v63  }
0x1af: {  	_ = 	snop  }
0x1b0: {  	[spmem:s3] =	stream.indirect.scatter.add.f32 [tilespmem:s15], [sflag:$0x2], $0x10, s28, s19, $0xb8;
	[tilespmem:$0xDCD0] =	vst v63  }
0x1b1: {  	s14 =	rddreg [dreg:$0xe]  }
0x1b2: {  	[spmem:s2] =	stream.indirect.scatter.add.f32 [tilespmem:s14], [sflag:$0x1], $0x10, s29, s19, $0xb8;
	[tilespmem:$0xDCD0] =	vst v63  }
0x1b3: {  	_ = 	snop  }
0x1b4: {  	[spmem:s3] =	stream.indirect.scatter.add.f32 [tilespmem:s15], [sflag:$0x2], $0x10, s29, s19, $0xb8;
	[tilespmem:$0xDCD0] =	vst v63  }
0x1b5: {  	s11 =	rddreg [dreg:$0xf]  }
0x1b6: {  	[spmem:s2] =	stream.indirect.scatter.add.f32 [tilespmem:s11], [sflag:$0x1], $0x10, s30, s19, $0xb8;
	[tilespmem:$0xDCD0] =	vst v63  }
0x1b7: {  	_ = 	snop  }
0x1b8: {  	[spmem:s3] =	stream.indirect.scatter.add.f32 [tilespmem:s15], [sflag:$0x2], $0x10, s30, s19, $0xb8;
	[tilespmem:$0xDCD0] =	vst v63  }
0x1b9: {  	s12 =	rddreg [dreg:$0x10]  }
0x1ba: {  	[spmem:s2] =	stream.indirect.scatter.add.f32 [tilespmem:s12], [sflag:$0x1], $0x10, s31, s19, $0xb8;
	[tilespmem:$0xDCD0] =	vst v63  }
0x1bb: {  	_ = 	snop  }
0x1bc: {  	[spmem:s3] =	stream.indirect.scatter.add.f32 [tilespmem:s15], [sflag:$0x2], $0x10, s31, s19, $0xb8;
	[tilespmem:$0xDCD0] =	vst v63  }
0x1bd: {  	s13 =	rddreg [dreg:$0x11]  }
0x1be: {  	[spmem:s2] =	stream.indirect.scatter.add.f32 [tilespmem:s13], [sflag:$0x1], $0x10, s1, s19, $0xb8;
	[tilespmem:$0xDCD0] =	vst v63  }
0x1bf: {  	_ = 	snop  }
0x1c0: {  	[spmem:s3] =	stream.indirect.scatter.add.f32 [tilespmem:s15], [sflag:$0x2], $0x10, s1, s19, $0xb8;
	[tilespmem:$0xDCD0] =	vst v63  }
0x1c1: {  	_ = 	snop  }
0x1c2: {  	[spmem:s2] =	stream.indirect.scatter.add.f32 [tilespmem:s5], [sflag:$0x1], $0x10, s0, s19, $0xb8;
	[tilespmem:$0xDCD0] =	vst v63  }
0x1c3: {  	_ = 	snop  }
0x1c4: {  	[spmem:s3] =	stream.indirect.scatter.add.f32 [tilespmem:s15], [sflag:$0x2], $0x10, s0, s19, $0xb8;
	[tilespmem:$0xDCD0] =	vst v63  }
0x1c5: {  	_ = 	snop  }
0x1c6: {  	[spmem:s2] =	stream.indirect.scatter.add.f32 [tilespmem:s9], [sflag:$0x1], $0x10, s8, s19, $0xb8;
	[tilespmem:$0xDCD0] =	vst v63  }
0x1c7: {  	_ = 	snop  }
0x1c8: {  	[spmem:s3] =	stream.indirect.scatter.add.f32 [tilespmem:s15], [sflag:$0x2], $0x10, s8, s19, $0xb8;
	[tilespmem:$0xDCD0] =	vst v63  }
0x1c9: {  	_ = 	snop  }
0x1ca: {  	[spmem:s2] =	stream.indirect.scatter.add.f32 [tilespmem:s6], [sflag:$0x1], $0x10, s10, s19, $0xb8;
	[tilespmem:$0xDCD0] =	vst v63  }
0x1cb: {  	_ = 	snop  }
0x1cc: {  	[spmem:s3] =	stream.indirect.scatter.add.f32 [tilespmem:s15], [sflag:$0x2], $0x10, s10, s19, $0xb8;
	[tilespmem:$0xDCD0] =	vst v63  }
0x1cd: {  	_ =	swait.ge [sflag:s17], $0x7D0  }
0x1ce: {  	[sflag:s17] =	ssyncset.done $0x0  }
0x1cf: {  	[sflag:s17] =	ssyncadd.s32 $0xFFFFF830  }
0x1d0: {  	_ =	swait.ge [sflag:s18], $0x7D0  }
0x1d1: {  	[sflag:s18] =	ssyncset.done $0x0  }
0x1d2: {  	[sflag:s18] =	ssyncadd.s32 $0xFFFFF830  }
0x1d3: {  	_ =	swait.ge [sflag:s17], $0x7D0  }
0x1d4: {  	[sflag:s17] =	ssyncset.done $0x0  }
0x1d5: {  	[sflag:s17] =	ssyncadd.s32 $0xFFFFF830  }
0x1d6: {  	_ =	swait.ge [sflag:s18], $0x7D0  }
0x1d7: {  	[sflag:s18] =	ssyncset.done $0x0  }
0x1d8: {  	[sflag:s18] =	ssyncadd.s32 $0xFFFFF830  }
0x1d9: {  	_ =	swait.ge [sflag:s17], $0x7D0  }
0x1da: {  	[sflag:s17] =	ssyncset.done $0x0  }
0x1db: {  	[sflag:s17] =	ssyncadd.s32 $0xFFFFF830  }
0x1dc: {  	_ =	swait.ge [sflag:s18], $0x7D0  }
0x1dd: {  	[sflag:s18] =	ssyncset.done $0x0  }
0x1de: {  	[sflag:s18] =	ssyncadd.s32 $0xFFFFF830  }
0x1df: {  	_ =	swait.ge [sflag:s17], $0x7D0  }
0x1e0: {  	[sflag:s17] =	ssyncset.done $0x0  }
0x1e1: {  	[sflag:s17] =	ssyncadd.s32 $0xFFFFF830  }
0x1e2: {  	_ =	swait.ge [sflag:s18], $0x7D0  }
0x1e3: {  	[sflag:s18] =	ssyncset.done $0x0  }
0x1e4: {  	[sflag:s18] =	ssyncadd.s32 $0xFFFFF830  }
0x1e5: {  	_ =	swait.ge [sflag:s17], $0x7D0  }
0x1e6: {  	[sflag:s17] =	ssyncset.done $0x0  }
0x1e7: {  	[sflag:s17] =	ssyncadd.s32 $0xFFFFF830  }
0x1e8: {  	_ =	swait.ge [sflag:s18], $0x7D0  }
0x1e9: {  	[sflag:s18] =	ssyncset.done $0x0  }
0x1ea: {  	[sflag:s18] =	ssyncadd.s32 $0xFFFFF830  }
0x1eb: {  	_ =	swait.ge [sflag:s17], $0x7D0  }
0x1ec: {  	[sflag:s17] =	ssyncset.done $0x0  }
0x1ed: {  	[sflag:s17] =	ssyncadd.s32 $0xFFFFF830  }
0x1ee: {  	_ =	swait.ge [sflag:s18], $0x7D0  }
0x1ef: {  	[sflag:s18] =	ssyncset.done $0x0  }
0x1f0: {  	[sflag:s18] =	ssyncadd.s32 $0xFFFFF830  }
0x1f1: {  	_ =	swait.ge [sflag:s17], $0x7D0  }
0x1f2: {  	[sflag:s17] =	ssyncset.done $0x0  }
0x1f3: {  	[sflag:s17] =	ssyncadd.s32 $0xFFFFF830  }
0x1f4: {  	_ =	swait.ge [sflag:s18], $0x7D0  }
0x1f5: {  	[sflag:s18] =	ssyncset.done $0x0  }
0x1f6: {  	[sflag:s18] =	ssyncadd.s32 $0xFFFFF830  }
0x1f7: {  	_ =	swait.ge [sflag:s17], $0x7D0  }
0x1f8: {  	[sflag:s17] =	ssyncset.done $0x0  }
0x1f9: {  	[sflag:s17] =	ssyncadd.s32 $0xFFFFF830  }
0x1fa: {  	_ =	swait.ge [sflag:s18], $0x7D0  }
0x1fb: {  	[sflag:s18] =	ssyncset.done $0x0  }
0x1fc: {  	[sflag:s18] =	ssyncadd.s32 $0xFFFFF830  }
0x1fd: {  	_ =	swait.ge [sflag:s17], $0x7D0  }
0x1fe: {  	[sflag:s17] =	ssyncset.done $0x0  }
0x1ff: {  	[sflag:s17] =	ssyncadd.s32 $0xFFFFF830  }
0x200: {  	_ =	swait.ge [sflag:s18], $0x7D0  }
0x201: {  	[sflag:s18] =	ssyncset.done $0x0  }
0x202: {  	[sflag:s18] =	ssyncadd.s32 $0xFFFFF830  }
0x203: {  	_ =	swait.ge [sflag:s17], $0x7D0  }
0x204: {  	[sflag:s17] =	ssyncset.done $0x0  }
0x205: {  	[sflag:s17] =	ssyncadd.s32 $0xFFFFF830  }
0x206: {  	_ =	swait.ge [sflag:s18], $0x7D0  }
0x207: {  	[sflag:s18] =	ssyncset.done $0x0  }
0x208: {  	[sflag:s18] =	ssyncadd.s32 $0xFFFFF830  }
0x209: {  	_ =	swait.ge [sflag:s17], $0x7D0  }
0x20a: {  	[sflag:s17] =	ssyncset.done $0x0  }
0x20b: {  	[sflag:s17] =	ssyncadd.s32 $0xFFFFF830  }
0x20c: {  	_ =	swait.ge [sflag:s18], $0x7D0  }
0x20d: {  	[sflag:s18] =	ssyncset.done $0x0  }
0x20e: {  	[sflag:s18] =	ssyncadd.s32 $0xFFFFF830  }
0x20f: {  	_ =	swait.ge [sflag:s17], $0x7D0  }
0x210: {  	[sflag:s17] =	ssyncset.done $0x0  }
0x211: {  	[sflag:s17] =	ssyncadd.s32 $0xFFFFF830  }
0x212: {  	_ =	swait.ge [sflag:s18], $0x7D0  }
0x213: {  	[sflag:s18] =	ssyncset.done $0x0  }
0x214: {  	[sflag:s18] =	ssyncadd.s32 $0xFFFFF830  }
0x215: {  	_ =	swait.ge [sflag:s17], $0x7D0  }
0x216: {  	[sflag:s17] =	ssyncset.done $0x0  }
0x217: {  	[sflag:s17] =	ssyncadd.s32 $0xFFFFF830  }
0x218: {  	_ =	swait.ge [sflag:s18], $0x7D0  }
0x219: {  	[sflag:s18] =	ssyncset.done $0x0  }
0x21a: {  	[sflag:s18] =	ssyncadd.s32 $0xFFFFF830  }
0x21b: {  	_ =	swait.ge [sflag:s17], $0x7D0  }
0x21c: {  	[sflag:s17] =	ssyncset.done $0x0  }
0x21d: {  	[sflag:s17] =	ssyncadd.s32 $0xFFFFF830  }
0x21e: {  	_ =	swait.ge [sflag:s18], $0x7D0  }
0x21f: {  	[sflag:s18] =	ssyncset.done $0x0  }
0x220: {  	[sflag:s18] =	ssyncadd.s32 $0xFFFFF830  }
0x221: {  	_ =	swait.ge [sflag:s17], $0x7D0  }
0x222: {  	[sflag:s17] =	ssyncset.done $0x0  }
0x223: {  	[sflag:s17] =	ssyncadd.s32 $0xFFFFF830  }
0x224: {  	_ =	swait.ge [sflag:s18], $0x7D0  }
0x225: {  	[sflag:s18] =	ssyncset.done $0x0  }
0x226: {  	[sflag:s18] =	ssyncadd.s32 $0xFFFFF830  }
0x227: {  	_ =	swait.ge [sflag:s17], $0x7D0  }
0x228: {  	[sflag:s17] =	ssyncset.done $0x0  }
0x229: {  	[sflag:s17] =	ssyncadd.s32 $0xFFFFF830  }
0x22a: {  	_ =	swait.ge [sflag:s18], $0x7D0  }
0x22b: {  	[sflag:s18] =	ssyncset.done $0x0  }
0x22c: {  	[sflag:s18] =	ssyncadd.s32 $0xFFFFF830  }
0x22d: {  	[bflag:$0x0] =	sbarrier.arrive $0xFFFF  }
0x22e: {  	s11 =	rddreg [dreg:$0x14]  }
0x22f: {  	s14 =	rddreg [dreg:$0x15]  }
0x230: {  	s13 =	simm.s32 $0x3;
	s12 =	rddreg [dreg:$0x19]  }
0x231: {  	[hbm:s14], [sflag:s11] =	dma.local [spmem:s12], $0x500  }
0x232: {  	_ =	swait.ge [sflag:s13], $0x500  }
0x233: {  	[sflag:s13] =	ssyncset.done $0x0;
	s12 =	rddreg [dreg:$0x16]  }
0x234: {  	s14 =	rddreg [dreg:$0x1a];
	[sflag:s13] =	ssyncadd.s32 $0xFFFFFB00  }
0x235: {  	[hbm:s12], [sflag:s11] =	dma.local [spmem:s14], $0x500  }
0x236: {  	_ =	swait.ge [sflag:s13], $0x500  }
0x237: {  	s7 =	rddreg [dreg:$0x1b]  }
0x238: {  	s12 =	sadd.s32 $0x1, s7;
	s7 =	rddreg [dreg:$0x17]  }
0x239: {  	p0 =	sne.s32 s12, s7  }
.Ltmp1:
0x23a: {  	_ = 	snop;
	(pc) =	sbr.rel @p0 .LBB2_1-.Ltmp1, $3  }
0x23b: {  	_ =	sdelay $0x1  }
0x23c: {  	[sflag:s13] =	ssyncset.done $0x0;
	[dreg:$0x1b] =	wrdreg s12  }
0x23d: {  	[sflag:s13] =	ssyncadd.s32 $0xFFFFFB00;
	s12 =	rddreg [dreg:$0x19]  }
0x23e: {  	_ =	sfence.sel $0x180000  }
0x23f: {  	[bflag:$0x0] =	sbarrier.arrive $0xFFFF  }
0x240: {  	_ =	strace $0x90000047  }
0x241: {  	s0 =	stileid.u32;
	[bflag:$0x2] =	sbarrier.arrive $0xFFFF  }
0x242: {  	p0 =	sne.s32 s0, $0x0;
	s0 =	rddreg [dreg:$0x4]  }
0x243: {  	s0 =	sadd.s32 @!p0 $0x100000, s0  }
0x244: {  	[sflag:s0] =	ssyncadd.tile.s32 @!p0 $0x1;
	_ =	shalt  }
.Lfunc_end2:
_tile_overlayer_lowered:
.L_overlay_start_2:
0x245: {  	(tag) =	ssettag $0x2  }
0x246: {  	s0 =	rddreg [dreg:$0x0];
	s2 =	stileid.u32  }
0x247: {  	s1 =	rddreg [dreg:$0x1];
	p0 =	sne.s32 s2, $0x0  }
0x248: {  	s3 =	rddreg [dreg:$0x2];
	[bflag:$0x3] =	sbarrier.arrive $0xFFFF;
	s2 =	simm.s32 @!p0 $0x1C03  }
0x249: {  	[timem:s3], [sflag:s2] =	dma.local @!p0 [hbm:s0], s1  }
0x24a: {  	s0 =	simm.s32 @!p0 $0x3  }
0x24b: {  	_ =	swait.ge @!p0 [sflag:s0], s1  }
0x24c: {  	s1 =	ssub.s32 @!p0 $0x0, s1;
	[sflag:s0] =	ssyncset.done @!p0 $0x0  }
0x24d: {  	[sflag:s0] =	ssyncadd.s32 @!p0 s1  }
0x24e: {  	[bflag:$0x3] =	sbarrier.arrive $0xFFFF  }
0x24f: {  	_ =	shalt  }

</sc_bundles>
